<compile_context>
chip_gen: v7x
topology: tpu7x:2x2x1
jax: 0.10.2.dev20260603
libtpu: 0.0.44.dev20260713+nightly
codegen_flags: <defaults>
</compile_context>

<pallas_src>
import functools

import jax
import jax.numpy as jnp
from jax import lax
from jax.experimental import pallas as pl
from jax.experimental.pallas import tpu as pltpu
from jax.experimental.pallas import tpu_sc as plsc

N_NODES = 10000
N_EDGES = 160000
D_IN = 256
D_HID = 200
N_CLASSES = 64

NP = 10240
EP = 163840
DUMMY = 10200
K = 128
D = 128

NC, NS = 2, 16
NW = NC * NS
N_CHUNKS = EP // K
CH0, CH1 = 76, 4
CH_MAX = max(CH0, CH1)
W = 4
R_PER_S = NP // NS
R_CH = R_PER_S // K


NB = 2


def _sc_scatter_kernel(gather, d=D, ch0=CH0, ch1=CH1):
    mesh = plsc.VectorSubcoreMesh(core_axis_name="c", subcore_axis_name="s")

    scratch = [
        pltpu.VMEM((W, K), jnp.int32),
        pltpu.VMEM((W, K), jnp.int32),
        pltpu.VMEM_SHARED((NP, d), jnp.float32),
    ]
    scratch += [pltpu.VMEM((K, d), jnp.float32) for _ in range(NB)]
    scratch += [pltpu.SemaphoreType.DMA for _ in range(2 * NB)]

    @functools.partial(
        pl.kernel,
        mesh=mesh,
        out_type=jax.ShapeDtypeStruct((NC * NP, d), jnp.float32),
        scratch_types=scratch,
    )
    def body(vals_hbm, src_hbm, dst_hbm, zrows_hbm, out_hbm,
             idx_s, idx_d, acc, *bufs):
        rows = bufs[:NB]
        gsem = bufs[NB:2 * NB]
        ssem = bufs[2 * NB:]
        cid = lax.axis_index("c")
        sid = lax.axis_index("s")

        c0 = lax.select(cid == 0, sid * ch0, NS * ch0 + sid * ch1)
        n_w = lax.select(cid == 0, ch0 // W, ch1 // W)

        row0 = pl.multiple_of(sid * R_PER_S, K)
        sems = list(bufs[NB:])
        zc = []
        for j in range(R_CH):
            b = pl.multiple_of(row0 + j * K, K)
            if j >= len(sems):
                zc[j - len(sems)].wait()
            zc.append(pltpu.async_copy(
                zrows_hbm, acc.at[pl.ds(b, K)], sems[j % len(sems)]))
        if not gather:
            pltpu.sync_copy(vals_hbm, rows[0])
        for c in zc[max(0, R_CH - len(sems)):]:
            c.wait()
        plsc.subcore_barrier()

        def win_body(w, carry):
            cb = c0 + w * W
            pltpu.sync_copy(dst_hbm.at[pl.ds(cb, W)], idx_d)
            if gather:
                pltpu.sync_copy(src_hbm.at[pl.ds(cb, W)], idx_s)

            def edge_body(t, carry2):
                base = t * NB
                if gather:
                    gs = [pltpu.async_copy(vals_hbm.at[idx_s.at[base + b]],
                                           rows[b], gsem[b])
                          for b in range(NB)]
                    ss = []
                    for b in range(NB):
                        gs[b].wait()
                        ss.append(pltpu.async_copy(
                            rows[b], acc.at[idx_d.at[base + b]], ssem[b],
                            add=True))
                    for s in ss:
                        s.wait()
                else:
                    ss = [pltpu.async_copy(rows[0],
                                           acc.at[idx_d.at[base + b]],
                                           ssem[b], add=True)
                          for b in range(NB)]
                    for s in ss:
                        s.wait()
                return carry2

            lax.fori_loop(0, W // NB, edge_body, 0)
            return carry

        lax.fori_loop(0, n_w, win_body, 0)
        plsc.subcore_barrier()

        o0 = pl.multiple_of(cid * NP + sid * R_PER_S, K)

        def a_sl(j):
            return pl.ds(pl.multiple_of(sid * R_PER_S + j * K, K), K)

        def o_sl(j):
            return pl.ds(pl.multiple_of(o0 + j * K, K), K)

        loads = [pltpu.async_copy(acc.at[a_sl(j)], rows[j], gsem[j])
                 for j in range(NB)]
        outs = []
        for j in range(NB):
            loads[j].wait()
            outs.append(pltpu.async_copy(rows[j], out_hbm.at[o_sl(j)],
                                         ssem[j]))
        for j in range(NB, R_CH):
            b = j % NB
            outs[j - NB].wait()
            pltpu.async_copy(acc.at[a_sl(j)], rows[b], gsem[b]).wait()
            outs.append(pltpu.async_copy(rows[b], out_hbm.at[o_sl(j)],
                                         ssem[b]))
        for o in outs[max(0, R_CH - NB):]:
            o.wait()

    return body


def _dinv(degp_ref):
    deg = degp_ref[0, :, 0:1] + degp_ref[1, :, 0:1] + 1.0
    return lax.rsqrt(deg)


def _tc1_body(x_ref, w_ref, degp_ref, oa_ref, ob_ref):
    dinv = _dinv(degp_ref)
    h = jnp.dot(x_ref[...], w_ref[...], preferred_element_type=jnp.float32)
    hs = h * dinv
    oa_ref[...] = hs[:, :D]
    ob_ref[...] = hs[:, D:]


def _tc2_body(acca_ref, accb_ref, hsa_ref, hsb_ref, degp_ref, b_ref, w_ref,
              o_ref):
    dinv = _dinv(degp_ref)
    xa = acca_ref[0] + acca_ref[1] + hsa_ref[...]
    xb = accb_ref[0] + accb_ref[1] + hsb_ref[...]
    x1 = jnp.concatenate([xa, xb], axis=1)
    x1 = jnp.maximum(x1 * dinv + b_ref[...], 0.0)
    h2 = jnp.dot(x1, w_ref[...], preferred_element_type=jnp.float32)
    o_ref[...] = h2 * dinv


def _tc3_body(accp_ref, hs_ref, degp_ref, b_ref, o_ref):
    dinv = _dinv(degp_ref)
    x = accp_ref[0] + accp_ref[1] + hs_ref[...]
    o_ref[...] = jnp.maximum(x * dinv + b_ref[...], 0.0)


_RB = 1024


def kernel(features, edge_index, W1, b1, W2, b2):
    f32 = jnp.float32
    x = jnp.pad(features.astype(f32), ((0, NP - N_NODES), (0, 0)))
    src = edge_index[0].astype(jnp.int32)
    dst = edge_index[1].astype(jnp.int32)
    pad_e = (N_CHUNKS + CH_MAX) * K - N_EDGES
    src = jnp.concatenate([src, jnp.full((pad_e,), DUMMY, jnp.int32)])
    dst = jnp.concatenate([dst, jnp.full((pad_e,), DUMMY, jnp.int32)])
    src = src.reshape(-1, K)
    dst = dst.reshape(-1, K)

    zrows = jnp.zeros((K, D), f32)
    ones = jnp.ones((K, D), f32)
    w1p = jnp.pad(W1.astype(f32), ((0, 0), (0, 2 * D - D_HID)))
    b1p = jnp.pad(b1.astype(f32), (0, 2 * D - D_HID))[None, :]
    w2p = jnp.pad(W2.astype(f32), ((0, 2 * D - D_HID), (0, D - N_CLASSES)))
    b2p = jnp.pad(b2.astype(f32), (0, D - N_CLASSES))[None, :]

    degp = _sc_scatter_kernel(False, D, 40, 40)(ones, src, dst, zrows)
    degp = degp.reshape(NC, NP, D)

    degp_spec = pl.BlockSpec((NC, _RB, D), lambda i: (0, i, 0))
    row_spec = pl.BlockSpec((_RB, D), lambda i: (i, 0))
    acc_spec = pl.BlockSpec((NC, _RB, D), lambda i: (0, i, 0))

    hs1a, hs1b = pl.pallas_call(
        _tc1_body,
        grid=(NP // _RB,),
        in_specs=[pl.BlockSpec((_RB, D_IN), lambda i: (i, 0)),
                  pl.BlockSpec((D_IN, 2 * D), lambda i: (0, 0)),
                  degp_spec],
        out_specs=[row_spec, row_spec],
        out_shape=[jax.ShapeDtypeStruct((NP, D), f32),
                   jax.ShapeDtypeStruct((NP, D), f32)],
    )(x, w1p, degp)

    sc_gather = _sc_scatter_kernel(True)
    acc1a = sc_gather(hs1a, src, dst, zrows).reshape(NC, NP, D)
    acc1b = sc_gather(hs1b, src, dst, zrows).reshape(NC, NP, D)

    hs2 = pl.pallas_call(
        _tc2_body,
        grid=(NP // _RB,),
        in_specs=[acc_spec, acc_spec, row_spec, row_spec, degp_spec,
                  pl.BlockSpec((1, 2 * D), lambda i: (0, 0)),
                  pl.BlockSpec((2 * D, D), lambda i: (0, 0))],
        out_specs=row_spec,
        out_shape=jax.ShapeDtypeStruct((NP, D), f32),
    )(acc1a, acc1b, hs1a, hs1b, degp, b1p, w2p)

    acc2 = sc_gather(hs2, src, dst, zrows).reshape(NC, NP, D)

    out = pl.pallas_call(
        _tc3_body,
        grid=(NP // _RB,),
        in_specs=[acc_spec, row_spec, degp_spec,
                  pl.BlockSpec((1, D), lambda i: (0, 0))],
        out_specs=row_spec,
        out_shape=jax.ShapeDtypeStruct((NP, D), f32),
    )(acc2, hs2, degp, b2p)

    return out[:N_NODES, :N_CLASSES]

# --- scband reference (transcript-rebuilt; emitter-appended) ---
"""Pipeline reference for scband-classifer-70789650972923 (READ-ONLY COPY).

The authoritative reference and input builder live on the scoring server;
editing this copy changes nothing except your own understanding.
"""

import jax, jax.numpy as jnp
import numpy as np

N_NODES = 10000
N_EDGES = 160000
D_IN = 256
D_HID = 200
N_CLASSES = 64


def setup_inputs(seed: int = 0) -> dict:
    key = jax.random.key(seed)
    ks = jax.random.split(key, 6)
    features = jax.random.normal(ks[0], (N_NODES, D_IN), dtype=jnp.float32)
    edge_index = jax.random.randint(ks[1], (2, N_EDGES), 0, N_NODES, dtype=jnp.int64)
    W1 = jax.random.normal(ks[2], (D_IN, D_HID), dtype=jnp.float32) * (1.0 / np.sqrt(D_IN))
    b1 = jnp.zeros((D_HID,), dtype=jnp.float32)
    W2 = jax.random.normal(ks[3], (D_HID, N_CLASSES), dtype=jnp.float32) * (1.0 / np.sqrt(D_HID))
    b2 = jnp.zeros((N_CLASSES,), dtype=jnp.float32)
    return {"features": features, "edge_index": edge_index, "W1": W1, "b1": b1, "W2": W2, "b2": b2}


def _gcn_layer(x, edge_index, W, b, act):
    # Kipf GCN with self-loops and symmetric normalization:
    # h = act( D^{-1/2} (A + I) D^{-1/2} (x W) + b )
    src = edge_index[0]
    dst = edge_index[1]
    n = x.shape[0]
    deg = jnp.zeros((n,), dtype=jnp.float32).at[dst].add(1.0) + 1.0  # +1 for self-loop
    dinv = jax.lax.rsqrt(deg)
    h = x @ W  # dense transform (compute)
    norm = dinv[src] * dinv[dst]  # per-edge normalization (gather)
    msgs = h[src] * norm[:, None]  # gather + scale
    agg = jnp.zeros_like(h).at[dst].add(msgs)  # scatter-add
    agg = agg + h * (dinv * dinv)[:, None]  # self-loop contribution
    return act(agg + b)


def reference(features, edge_index, W1, b1, W2, b2):
    x = _gcn_layer(features, edge_index, W1, b1, jax.nn.relu)
    x = _gcn_layer(x, edge_index, W2, b2, jax.nn.relu)
    return x

if __name__ == "__main__":
    import jax
    _d = setup_inputs()
    print(jax.jit(kernel)(*tuple(_d.values())))

</pallas_src>

<mosaic_0001>
#map = affine_map<(d0, d1) -> (0, 0)>
module attributes {stable_mosaic.version = 14 : i64} {
  func.func @body(%arg0: i32, %arg1: i32, %arg2: memref<10240x128xf32, #tpu.memory_space<hbm>>, %arg3: memref<1356x128xi32, #tpu.memory_space<hbm>>, %arg4: memref<1356x128xi32, #tpu.memory_space<hbm>>, %arg5: memref<128x128xf32, #tpu.memory_space<hbm>>, %arg6: memref<20480x128xf32, #tpu.memory_space<hbm>>, %arg7: memref<4x128xi32, #tpu.memory_space<vmem>>, %arg8: memref<4x128xi32, #tpu.memory_space<vmem>>, %arg9: memref<10240x128xf32, #tpu.memory_space<vmem_shared>>, %arg10: memref<128x128xf32, #tpu.memory_space<vmem>>, %arg11: memref<128x128xf32, #tpu.memory_space<vmem>>, %arg12: memref<!tpu.dma_semaphore, #tpu.memory_space<semaphore_mem>>, %arg13: memref<!tpu.dma_semaphore, #tpu.memory_space<semaphore_mem>>, %arg14: memref<!tpu.dma_semaphore, #tpu.memory_space<semaphore_mem>>, %arg15: memref<!tpu.dma_semaphore, #tpu.memory_space<semaphore_mem>>) attributes {dimension_semantics = [#tpu.dimension_semantics<core_parallel>, #tpu.dimension_semantics<subcore_parallel>], iteration_bounds = array<i64: 2, 16>, scalar_prefetch = 0 : i64, scratch_operands = 9 : i64, tpu.core_type = #tpu.core_type<sc_vector_subcore>, window_params = [{transform_indices = #map}, {transform_indices = #map}, {transform_indices = #map}, {transform_indices = #map}, {transform_indices = #map}]} {
    %eq3A = arith.constant 0 : i32
    %eq3A_0 = arith.cmpi eq, %arg0, %eq3A : i32
    %mul3A = arith.constant 76 : i32
    %mul3A_1 = arith.muli %arg1, %mul3A : i32
    %mul3A_2 = arith.constant 4 : i32
    %mul3A_3 = arith.muli %arg1, %mul3A_2 : i32
    %add3A = arith.constant 1216 : i32
    %add3A_4 = arith.addi %add3A, %mul3A_3 : i32
    %select_n3A = arith.select %eq3A_0, %mul3A_1, %add3A_4 : i32
    %eq3A_5 = arith.constant 0 : i32
    %eq3A_6 = arith.cmpi eq, %arg0, %eq3A_5 : i32
    %select_n3A_7 = arith.constant 1 : i32
    %select_n3A_8 = arith.constant 19 : i32
    %select_n3A_9 = arith.select %eq3A_6, %select_n3A_8, %select_n3A_7 : i32
    %mul3A_10 = arith.constant 640 : i32
    %mul3A_11 = arith.muli %arg1, %mul3A_10 : i32
    %multiple_of3A = tpu.assume_multiple %mul3A_11, 128 : i32
    %add3A_12 = arith.constant 0 : i32
    %add3A_13 = arith.addi %multiple_of3A, %add3A_12 : i32
    %multiple_of3A_14 = tpu.assume_multiple %add3A_13, 128 : i32
    %dma_start3A = arith.constant 0 : i32
    %dma_start3A_15 = tpu.memref_slice %arg9[%multiple_of3A_14, %dma_start3A] : memref<10240x128xf32, #tpu.memory_space<vmem_shared>> -> memref<128x128xf32, #tpu.memory_space<vmem_shared>>
    tpu.enqueue_dma source(%arg5 : memref<128x128xf32, #tpu.memory_space<hbm>>) target(%dma_start3A_15 : memref<128x128xf32, #tpu.memory_space<vmem_shared>>) target_semaphore(%arg12 : memref<!tpu.dma_semaphore, #tpu.memory_space<semaphore_mem>>)
    %add3A_16 = arith.constant 128 : i32
    %add3A_17 = arith.addi %multiple_of3A, %add3A_16 : i32
    %multiple_of3A_18 = tpu.assume_multiple %add3A_17, 128 : i32
    %dma_start3A_19 = arith.constant 0 : i32
    %dma_start3A_20 = tpu.memref_slice %arg9[%multiple_of3A_18, %dma_start3A_19] : memref<10240x128xf32, #tpu.memory_space<vmem_shared>> -> memref<128x128xf32, #tpu.memory_space<vmem_shared>>
    tpu.enqueue_dma source(%arg5 : memref<128x128xf32, #tpu.memory_space<hbm>>) target(%dma_start3A_20 : memref<128x128xf32, #tpu.memory_space<vmem_shared>>) target_semaphore(%arg13 : memref<!tpu.dma_semaphore, #tpu.memory_space<semaphore_mem>>)
    %add3A_21 = arith.constant 256 : i32
    %add3A_22 = arith.addi %multiple_of3A, %add3A_21 : i32
    %multiple_of3A_23 = tpu.assume_multiple %add3A_22, 128 : i32
    %dma_start3A_24 = arith.constant 0 : i32
    %dma_start3A_25 = tpu.memref_slice %arg9[%multiple_of3A_23, %dma_start3A_24] : memref<10240x128xf32, #tpu.memory_space<vmem_shared>> -> memref<128x128xf32, #tpu.memory_space<vmem_shared>>
    tpu.enqueue_dma source(%arg5 : memref<128x128xf32, #tpu.memory_space<hbm>>) target(%dma_start3A_25 : memref<128x128xf32, #tpu.memory_space<vmem_shared>>) target_semaphore(%arg14 : memref<!tpu.dma_semaphore, #tpu.memory_space<semaphore_mem>>)
    %add3A_26 = arith.constant 384 : i32
    %add3A_27 = arith.addi %multiple_of3A, %add3A_26 : i32
    %multiple_of3A_28 = tpu.assume_multiple %add3A_27, 128 : i32
    %dma_start3A_29 = arith.constant 0 : i32
    %dma_start3A_30 = tpu.memref_slice %arg9[%multiple_of3A_28, %dma_start3A_29] : memref<10240x128xf32, #tpu.memory_space<vmem_shared>> -> memref<128x128xf32, #tpu.memory_space<vmem_shared>>
    tpu.enqueue_dma source(%arg5 : memref<128x128xf32, #tpu.memory_space<hbm>>) target(%dma_start3A_30 : memref<128x128xf32, #tpu.memory_space<vmem_shared>>) target_semaphore(%arg15 : memref<!tpu.dma_semaphore, #tpu.memory_space<semaphore_mem>>)
    %add3A_31 = arith.constant 512 : i32
    %add3A_32 = arith.addi %multiple_of3A, %add3A_31 : i32
    %multiple_of3A_33 = tpu.assume_multiple %add3A_32, 128 : i32
    %dma_wait3A = arith.constant 0 : i32
    %dma_wait3A_34 = tpu.memref_slice %arg9[%multiple_of3A_14, %dma_wait3A] : memref<10240x128xf32, #tpu.memory_space<vmem_shared>> -> memref<128x128xf32, #tpu.memory_space<vmem_shared>>
    tpu.wait_dma2 semaphore(%arg12 : memref<!tpu.dma_semaphore, #tpu.memory_space<semaphore_mem>>) src(%arg5 : memref<128x128xf32, #tpu.memory_space<hbm>>) dst(%dma_wait3A_34 : memref<128x128xf32, #tpu.memory_space<vmem_shared>>)
    %dma_start3A_35 = arith.constant 0 : i32
    %dma_start3A_36 = tpu.memref_slice %arg9[%multiple_of3A_33, %dma_start3A_35] : memref<10240x128xf32, #tpu.memory_space<vmem_shared>> -> memref<128x128xf32, #tpu.memory_space<vmem_shared>>
    tpu.enqueue_dma source(%arg5 : memref<128x128xf32, #tpu.memory_space<hbm>>) target(%dma_start3A_36 : memref<128x128xf32, #tpu.memory_space<vmem_shared>>) target_semaphore(%arg12 : memref<!tpu.dma_semaphore, #tpu.memory_space<semaphore_mem>>)
    %dma_wait3A_37 = arith.constant 0 : i32
    %dma_wait3A_38 = tpu.memref_slice %arg9[%multiple_of3A_18, %dma_wait3A_37] : memref<10240x128xf32, #tpu.memory_space<vmem_shared>> -> memref<128x128xf32, #tpu.memory_space<vmem_shared>>
    tpu.wait_dma2 semaphore(%arg13 : memref<!tpu.dma_semaphore, #tpu.memory_space<semaphore_mem>>) src(%arg5 : memref<128x128xf32, #tpu.memory_space<hbm>>) dst(%dma_wait3A_38 : memref<128x128xf32, #tpu.memory_space<vmem_shared>>)
    %dma_wait3A_39 = arith.constant 0 : i32
    %dma_wait3A_40 = tpu.memref_slice %arg9[%multiple_of3A_23, %dma_wait3A_39] : memref<10240x128xf32, #tpu.memory_space<vmem_shared>> -> memref<128x128xf32, #tpu.memory_space<vmem_shared>>
    tpu.wait_dma2 semaphore(%arg14 : memref<!tpu.dma_semaphore, #tpu.memory_space<semaphore_mem>>) src(%arg5 : memref<128x128xf32, #tpu.memory_space<hbm>>) dst(%dma_wait3A_40 : memref<128x128xf32, #tpu.memory_space<vmem_shared>>)
    %dma_wait3A_41 = arith.constant 0 : i32
    %dma_wait3A_42 = tpu.memref_slice %arg9[%multiple_of3A_28, %dma_wait3A_41] : memref<10240x128xf32, #tpu.memory_space<vmem_shared>> -> memref<128x128xf32, #tpu.memory_space<vmem_shared>>
    tpu.wait_dma2 semaphore(%arg15 : memref<!tpu.dma_semaphore, #tpu.memory_space<semaphore_mem>>) src(%arg5 : memref<128x128xf32, #tpu.memory_space<hbm>>) dst(%dma_wait3A_42 : memref<128x128xf32, #tpu.memory_space<vmem_shared>>)
    %dma_wait3A_43 = arith.constant 0 : i32
    %dma_wait3A_44 = tpu.memref_slice %arg9[%multiple_of3A_33, %dma_wait3A_43] : memref<10240x128xf32, #tpu.memory_space<vmem_shared>> -> memref<128x128xf32, #tpu.memory_space<vmem_shared>>
    tpu.wait_dma2 semaphore(%arg12 : memref<!tpu.dma_semaphore, #tpu.memory_space<semaphore_mem>>) src(%arg5 : memref<128x128xf32, #tpu.memory_space<hbm>>) dst(%dma_wait3A_44 : memref<128x128xf32, #tpu.memory_space<vmem_shared>>)
    %barrier3A = arith.constant 0 : index
    tpu.barrier barrier_id(%barrier3A)
    %while3A = arith.constant 0 : i32
    %while3A_45 = arith.constant 0 : i32
    %while3A_46 = arith.subi %select_n3A_9, %while3A_45 : i32
    %while3A_47 = arith.addi %while3A_45, %while3A_46 : i32
    %while3A_48 = arith.constant 1 : i32
    %while3A_49 = arith.divsi %while3A_46, %while3A_48 : i32
    %while3A_50 = arith.muli %while3A_49, %while3A_48 : i32
    %while3A_51 = arith.addi %while3A_45, %while3A_50 : i32
    %while3A_52 = arith.constant 1 : i32
    scf.for %while3A_181 = %while3A_45 to %while3A_51 step %while3A_52  : i32 {
      %mul3A_182 = arith.constant 4 : i32
      %mul3A_183 = arith.muli %while3A_181, %mul3A_182 : i32
      %add3A_184 = arith.addi %select_n3A, %mul3A_183 : i32
      "tpu.region"() ({
        %run_scoped3A = tpu.sem_alloc : memref<!tpu.dma_semaphore, #tpu.memory_space<semaphore_mem>>
        %dma_start3A_190 = arith.constant 0 : i32
        %dma_start3A_191 = tpu.memref_slice %arg4[%add3A_184, %dma_start3A_190] : memref<1356x128xi32, #tpu.memory_space<hbm>> -> memref<4x128xi32, #tpu.memory_space<hbm>>
        %dma_start3A_192 = arith.constant 0 : i32
        %dma_start3A_193 = tpu.memref_slice %arg4[%add3A_184, %dma_start3A_192] : memref<1356x128xi32, #tpu.memory_space<hbm>> -> memref<4x128xi32, #tpu.memory_space<hbm>>
        tpu.enqueue_dma source(%dma_start3A_193 : memref<4x128xi32, #tpu.memory_space<hbm>>) target(%arg8 : memref<4x128xi32, #tpu.memory_space<vmem>>) target_semaphore(%run_scoped3A : memref<!tpu.dma_semaphore, #tpu.memory_space<semaphore_mem>>)
        %dma_wait3A_194 = arith.constant 0 : i32
        %dma_wait3A_195 = tpu.memref_slice %arg4[%add3A_184, %dma_wait3A_194] : memref<1356x128xi32, #tpu.memory_space<hbm>> -> memref<4x128xi32, #tpu.memory_space<hbm>>
        %dma_wait3A_196 = arith.constant 0 : i32
        %dma_wait3A_197 = tpu.memref_slice %arg4[%add3A_184, %dma_wait3A_196] : memref<1356x128xi32, #tpu.memory_space<hbm>> -> memref<4x128xi32, #tpu.memory_space<hbm>>
        tpu.wait_dma2 semaphore(%run_scoped3A : memref<!tpu.dma_semaphore, #tpu.memory_space<semaphore_mem>>) src(%dma_wait3A_197 : memref<4x128xi32, #tpu.memory_space<hbm>>) dst(%arg8 : memref<4x128xi32, #tpu.memory_space<vmem>>)
        tpu.yield
      }) : () -> ()
      "tpu.region"() ({
        %run_scoped3A = tpu.sem_alloc : memref<!tpu.dma_semaphore, #tpu.memory_space<semaphore_mem>>
        %dma_start3A_190 = arith.constant 0 : i32
        %dma_start3A_191 = tpu.memref_slice %arg3[%add3A_184, %dma_start3A_190] : memref<1356x128xi32, #tpu.memory_space<hbm>> -> memref<4x128xi32, #tpu.memory_space<hbm>>
        %dma_start3A_192 = arith.constant 0 : i32
        %dma_start3A_193 = tpu.memref_slice %arg3[%add3A_184, %dma_start3A_192] : memref<1356x128xi32, #tpu.memory_space<hbm>> -> memref<4x128xi32, #tpu.memory_space<hbm>>
        tpu.enqueue_dma source(%dma_start3A_193 : memref<4x128xi32, #tpu.memory_space<hbm>>) target(%arg7 : memref<4x128xi32, #tpu.memory_space<vmem>>) target_semaphore(%run_scoped3A : memref<!tpu.dma_semaphore, #tpu.memory_space<semaphore_mem>>)
        %dma_wait3A_194 = arith.constant 0 : i32
        %dma_wait3A_195 = tpu.memref_slice %arg3[%add3A_184, %dma_wait3A_194] : memref<1356x128xi32, #tpu.memory_space<hbm>> -> memref<4x128xi32, #tpu.memory_space<hbm>>
        %dma_wait3A_196 = arith.constant 0 : i32
        %dma_wait3A_197 = tpu.memref_slice %arg3[%add3A_184, %dma_wait3A_196] : memref<1356x128xi32, #tpu.memory_space<hbm>> -> memref<4x128xi32, #tpu.memory_space<hbm>>
        tpu.wait_dma2 semaphore(%run_scoped3A : memref<!tpu.dma_semaphore, #tpu.memory_space<semaphore_mem>>) src(%dma_wait3A_197 : memref<4x128xi32, #tpu.memory_space<hbm>>) dst(%arg7 : memref<4x128xi32, #tpu.memory_space<vmem>>)
        tpu.yield
      }) : () -> ()
      %scan3A = arith.constant 0 : i32
      %scan3A_185 = arith.constant 0 : i32
      %scan3A_186 = arith.constant 2 : i32
      %scan3A_187 = arith.addi %scan3A_185, %scan3A_186 : i32
      %scan3A_188 = arith.constant 1 : i32
      scf.for %scan3A_190 = %scan3A_185 to %scan3A_187 step %scan3A_188  : i32 {
        %mul3A_191 = arith.constant 2 : i32
        %mul3A_192 = arith.muli %scan3A_190, %mul3A_191 : i32
        %add3A_193 = arith.constant 0 : i32
        %add3A_194 = arith.addi %mul3A_192, %add3A_193 : i32
        %dma_start3A_195 = arith.constant 0 : i32
        %dma_start3A_196 = tpu.memref_slice %arg7[%add3A_194, %dma_start3A_195] : memref<4x128xi32, #tpu.memory_space<vmem>> -> memref<1x128xi32, #tpu.memory_space<vmem>>
        %dma_start3A_197 = tpu.memref_squeeze %dma_start3A_196 : memref<1x128xi32, #tpu.memory_space<vmem>> -> memref<128xi32, #tpu.memory_space<vmem>>
        %dma_start3A_198 = arith.constant 0 : i32
        %dma_start3A_199 = arith.constant 0 : i32
        %dma_start3A_200 = tpu.memref_slice %arg2[%dma_start3A_198, %dma_start3A_199] : memref<10240x128xf32, #tpu.memory_space<hbm>> -> memref<10240x128xf32, #tpu.memory_space<hbm>>
        tpu.enqueue_indirect_dma source(%dma_start3A_200 : memref<10240x128xf32, #tpu.memory_space<hbm>>) target(%arg10 : memref<128x128xf32, #tpu.memory_space<vmem>>) offsets(%dma_start3A_197 : memref<128xi32, #tpu.memory_space<vmem>>) semaphore(%arg12 : memref<!tpu.dma_semaphore, #tpu.memory_space<semaphore_mem>>)
        %add3A_201 = arith.constant 1 : i32
        %add3A_202 = arith.addi %mul3A_192, %add3A_201 : i32
        %dma_start3A_203 = arith.constant 0 : i32
        %dma_start3A_204 = tpu.memref_slice %arg7[%add3A_202, %dma_start3A_203] : memref<4x128xi32, #tpu.memory_space<vmem>> -> memref<1x128xi32, #tpu.memory_space<vmem>>
        %dma_start3A_205 = tpu.memref_squeeze %dma_start3A_204 : memref<1x128xi32, #tpu.memory_space<vmem>> -> memref<128xi32, #tpu.memory_space<vmem>>
        %dma_start3A_206 = arith.constant 0 : i32
        %dma_start3A_207 = arith.constant 0 : i32
        %dma_start3A_208 = tpu.memref_slice %arg2[%dma_start3A_206, %dma_start3A_207] : memref<10240x128xf32, #tpu.memory_space<hbm>> -> memref<10240x128xf32, #tpu.memory_space<hbm>>
        tpu.enqueue_indirect_dma source(%dma_start3A_208 : memref<10240x128xf32, #tpu.memory_space<hbm>>) target(%arg11 : memref<128x128xf32, #tpu.memory_space<vmem>>) offsets(%dma_start3A_205 : memref<128xi32, #tpu.memory_space<vmem>>) semaphore(%arg13 : memref<!tpu.dma_semaphore, #tpu.memory_space<semaphore_mem>>)
        %dma_wait3A_209 = arith.constant 0 : i32
        %dma_wait3A_210 = tpu.memref_slice %arg7[%add3A_194, %dma_wait3A_209] : memref<4x128xi32, #tpu.memory_space<vmem>> -> memref<1x128xi32, #tpu.memory_space<vmem>>
        %dma_wait3A_211 = tpu.memref_squeeze %dma_wait3A_210 : memref<1x128xi32, #tpu.memory_space<vmem>> -> memref<128xi32, #tpu.memory_space<vmem>>
        %dma_wait3A_212 = arith.constant 0 : i32
        %dma_wait3A_213 = arith.constant 0 : i32
        %dma_wait3A_214 = tpu.memref_slice %arg2[%dma_wait3A_212, %dma_wait3A_213] : memref<10240x128xf32, #tpu.memory_space<hbm>> -> memref<10240x128xf32, #tpu.memory_space<hbm>>
        tpu.wait_indirect_dma semaphore(%arg12 : memref<!tpu.dma_semaphore, #tpu.memory_space<semaphore_mem>>) src(%dma_wait3A_214 : memref<10240x128xf32, #tpu.memory_space<hbm>>) dst(%arg10 : memref<128x128xf32, #tpu.memory_space<vmem>>)
        %add3A_215 = arith.constant 0 : i32
        %add3A_216 = arith.addi %mul3A_192, %add3A_215 : i32
        %dma_start3A_217 = arith.constant 0 : i32
        %dma_start3A_218 = tpu.memref_slice %arg8[%add3A_216, %dma_start3A_217] : memref<4x128xi32, #tpu.memory_space<vmem>> -> memref<1x128xi32, #tpu.memory_space<vmem>>
        %dma_start3A_219 = tpu.memref_squeeze %dma_start3A_218 : memref<1x128xi32, #tpu.memory_space<vmem>> -> memref<128xi32, #tpu.memory_space<vmem>>
        %dma_start3A_220 = arith.constant 0 : i32
        %dma_start3A_221 = arith.constant 0 : i32
        %dma_start3A_222 = tpu.memref_slice %arg9[%dma_start3A_220, %dma_start3A_221] : memref<10240x128xf32, #tpu.memory_space<vmem_shared>> -> memref<10240x128xf32, #tpu.memory_space<vmem_shared>>
        tpu.enqueue_indirect_dma source(%arg10 : memref<128x128xf32, #tpu.memory_space<vmem>>) target(%dma_start3A_222 : memref<10240x128xf32, #tpu.memory_space<vmem_shared>>) offsets(%dma_start3A_219 : memref<128xi32, #tpu.memory_space<vmem>>) semaphore(%arg14 : memref<!tpu.dma_semaphore, #tpu.memory_space<semaphore_mem>>) {add = true}
        %dma_wait3A_223 = arith.constant 0 : i32
        %dma_wait3A_224 = tpu.memref_slice %arg7[%add3A_202, %dma_wait3A_223] : memref<4x128xi32, #tpu.memory_space<vmem>> -> memref<1x128xi32, #tpu.memory_space<vmem>>
        %dma_wait3A_225 = tpu.memref_squeeze %dma_wait3A_224 : memref<1x128xi32, #tpu.memory_space<vmem>> -> memref<128xi32, #tpu.memory_space<vmem>>
        %dma_wait3A_226 = arith.constant 0 : i32
        %dma_wait3A_227 = arith.constant 0 : i32
        %dma_wait3A_228 = tpu.memref_slice %arg2[%dma_wait3A_226, %dma_wait3A_227] : memref<10240x128xf32, #tpu.memory_space<hbm>> -> memref<10240x128xf32, #tpu.memory_space<hbm>>
        tpu.wait_indirect_dma semaphore(%arg13 : memref<!tpu.dma_semaphore, #tpu.memory_space<semaphore_mem>>) src(%dma_wait3A_228 : memref<10240x128xf32, #tpu.memory_space<hbm>>) dst(%arg11 : memref<128x128xf32, #tpu.memory_space<vmem>>)
        %add3A_229 = arith.constant 1 : i32
        %add3A_230 = arith.addi %mul3A_192, %add3A_229 : i32
        %dma_start3A_231 = arith.constant 0 : i32
        %dma_start3A_232 = tpu.memref_slice %arg8[%add3A_230, %dma_start3A_231] : memref<4x128xi32, #tpu.memory_space<vmem>> -> memref<1x128xi32, #tpu.memory_space<vmem>>
        %dma_start3A_233 = tpu.memref_squeeze %dma_start3A_232 : memref<1x128xi32, #tpu.memory_space<vmem>> -> memref<128xi32, #tpu.memory_space<vmem>>
        %dma_start3A_234 = arith.constant 0 : i32
        %dma_start3A_235 = arith.constant 0 : i32
        %dma_start3A_236 = tpu.memref_slice %arg9[%dma_start3A_234, %dma_start3A_235] : memref<10240x128xf32, #tpu.memory_space<vmem_shared>> -> memref<10240x128xf32, #tpu.memory_space<vmem_shared>>
        tpu.enqueue_indirect_dma source(%arg11 : memref<128x128xf32, #tpu.memory_space<vmem>>) target(%dma_start3A_236 : memref<10240x128xf32, #tpu.memory_space<vmem_shared>>) offsets(%dma_start3A_233 : memref<128xi32, #tpu.memory_space<vmem>>) semaphore(%arg15 : memref<!tpu.dma_semaphore, #tpu.memory_space<semaphore_mem>>) {add = true}
        %dma_wait3A_237 = arith.constant 0 : i32
        %dma_wait3A_238 = tpu.memref_slice %arg8[%add3A_216, %dma_wait3A_237] : memref<4x128xi32, #tpu.memory_space<vmem>> -> memref<1x128xi32, #tpu.memory_space<vmem>>
        %dma_wait3A_239 = tpu.memref_squeeze %dma_wait3A_238 : memref<1x128xi32, #tpu.memory_space<vmem>> -> memref<128xi32, #tpu.memory_space<vmem>>
        %dma_wait3A_240 = arith.constant 0 : i32
        %dma_wait3A_241 = arith.constant 0 : i32
        %dma_wait3A_242 = tpu.memref_slice %arg9[%dma_wait3A_240, %dma_wait3A_241] : memref<10240x128xf32, #tpu.memory_space<vmem_shared>> -> memref<10240x128xf32, #tpu.memory_space<vmem_shared>>
        tpu.wait_indirect_dma semaphore(%arg14 : memref<!tpu.dma_semaphore, #tpu.memory_space<semaphore_mem>>) src(%arg10 : memref<128x128xf32, #tpu.memory_space<vmem>>) dst(%dma_wait3A_242 : memref<10240x128xf32, #tpu.memory_space<vmem_shared>>)
        %dma_wait3A_243 = arith.constant 0 : i32
        %dma_wait3A_244 = tpu.memref_slice %arg8[%add3A_230, %dma_wait3A_243] : memref<4x128xi32, #tpu.memory_space<vmem>> -> memref<1x128xi32, #tpu.memory_space<vmem>>
        %dma_wait3A_245 = tpu.memref_squeeze %dma_wait3A_244 : memref<1x128xi32, #tpu.memory_space<vmem>> -> memref<128xi32, #tpu.memory_space<vmem>>
        %dma_wait3A_246 = arith.constant 0 : i32
        %dma_wait3A_247 = arith.constant 0 : i32
        %dma_wait3A_248 = tpu.memref_slice %arg9[%dma_wait3A_246, %dma_wait3A_247] : memref<10240x128xf32, #tpu.memory_space<vmem_shared>> -> memref<10240x128xf32, #tpu.memory_space<vmem_shared>>
        tpu.wait_indirect_dma semaphore(%arg15 : memref<!tpu.dma_semaphore, #tpu.memory_space<semaphore_mem>>) src(%arg11 : memref<128x128xf32, #tpu.memory_space<vmem>>) dst(%dma_wait3A_248 : memref<10240x128xf32, #tpu.memory_space<vmem_shared>>)
      }
      %scan3A_189 = arith.constant 2 : i32
    }
    %while3A_53 = arith.constant 1 : i32
    scf.for %while3A_181 = %while3A_51 to %while3A_47 step %while3A_53  : i32 {
      %mul3A_182 = arith.constant 4 : i32
      %mul3A_183 = arith.muli %while3A_181, %mul3A_182 : i32
      %add3A_184 = arith.addi %select_n3A, %mul3A_183 : i32
      "tpu.region"() ({
        %run_scoped3A = tpu.sem_alloc : memref<!tpu.dma_semaphore, #tpu.memory_space<semaphore_mem>>
        %dma_start3A_190 = arith.constant 0 : i32
        %dma_start3A_191 = tpu.memref_slice %arg4[%add3A_184, %dma_start3A_190] : memref<1356x128xi32, #tpu.memory_space<hbm>> -> memref<4x128xi32, #tpu.memory_space<hbm>>
        %dma_start3A_192 = arith.constant 0 : i32
        %dma_start3A_193 = tpu.memref_slice %arg4[%add3A_184, %dma_start3A_192] : memref<1356x128xi32, #tpu.memory_space<hbm>> -> memref<4x128xi32, #tpu.memory_space<hbm>>
        tpu.enqueue_dma source(%dma_start3A_193 : memref<4x128xi32, #tpu.memory_space<hbm>>) target(%arg8 : memref<4x128xi32, #tpu.memory_space<vmem>>) target_semaphore(%run_scoped3A : memref<!tpu.dma_semaphore, #tpu.memory_space<semaphore_mem>>)
        %dma_wait3A_194 = arith.constant 0 : i32
        %dma_wait3A_195 = tpu.memref_slice %arg4[%add3A_184, %dma_wait3A_194] : memref<1356x128xi32, #tpu.memory_space<hbm>> -> memref<4x128xi32, #tpu.memory_space<hbm>>
        %dma_wait3A_196 = arith.constant 0 : i32
        %dma_wait3A_197 = tpu.memref_slice %arg4[%add3A_184, %dma_wait3A_196] : memref<1356x128xi32, #tpu.memory_space<hbm>> -> memref<4x128xi32, #tpu.memory_space<hbm>>
        tpu.wait_dma2 semaphore(%run_scoped3A : memref<!tpu.dma_semaphore, #tpu.memory_space<semaphore_mem>>) src(%dma_wait3A_197 : memref<4x128xi32, #tpu.memory_space<hbm>>) dst(%arg8 : memref<4x128xi32, #tpu.memory_space<vmem>>)
        tpu.yield
      }) : () -> ()
      "tpu.region"() ({
        %run_scoped3A = tpu.sem_alloc : memref<!tpu.dma_semaphore, #tpu.memory_space<semaphore_mem>>
        %dma_start3A_190 = arith.constant 0 : i32
        %dma_start3A_191 = tpu.memref_slice %arg3[%add3A_184, %dma_start3A_190] : memref<1356x128xi32, #tpu.memory_space<hbm>> -> memref<4x128xi32, #tpu.memory_space<hbm>>
        %dma_start3A_192 = arith.constant 0 : i32
        %dma_start3A_193 = tpu.memref_slice %arg3[%add3A_184, %dma_start3A_192] : memref<1356x128xi32, #tpu.memory_space<hbm>> -> memref<4x128xi32, #tpu.memory_space<hbm>>
        tpu.enqueue_dma source(%dma_start3A_193 : memref<4x128xi32, #tpu.memory_space<hbm>>) target(%arg7 : memref<4x128xi32, #tpu.memory_space<vmem>>) target_semaphore(%run_scoped3A : memref<!tpu.dma_semaphore, #tpu.memory_space<semaphore_mem>>)
        %dma_wait3A_194 = arith.constant 0 : i32
        %dma_wait3A_195 = tpu.memref_slice %arg3[%add3A_184, %dma_wait3A_194] : memref<1356x128xi32, #tpu.memory_space<hbm>> -> memref<4x128xi32, #tpu.memory_space<hbm>>
        %dma_wait3A_196 = arith.constant 0 : i32
        %dma_wait3A_197 = tpu.memref_slice %arg3[%add3A_184, %dma_wait3A_196] : memref<1356x128xi32, #tpu.memory_space<hbm>> -> memref<4x128xi32, #tpu.memory_space<hbm>>
        tpu.wait_dma2 semaphore(%run_scoped3A : memref<!tpu.dma_semaphore, #tpu.memory_space<semaphore_mem>>) src(%dma_wait3A_197 : memref<4x128xi32, #tpu.memory_space<hbm>>) dst(%arg7 : memref<4x128xi32, #tpu.memory_space<vmem>>)
        tpu.yield
      }) : () -> ()
      %scan3A = arith.constant 0 : i32
      %scan3A_185 = arith.constant 0 : i32
      %scan3A_186 = arith.constant 2 : i32
      %scan3A_187 = arith.addi %scan3A_185, %scan3A_186 : i32
      %scan3A_188 = arith.constant 1 : i32
      scf.for %scan3A_190 = %scan3A_185 to %scan3A_187 step %scan3A_188  : i32 {
        %mul3A_191 = arith.constant 2 : i32
        %mul3A_192 = arith.muli %scan3A_190, %mul3A_191 : i32
        %add3A_193 = arith.constant 0 : i32
        %add3A_194 = arith.addi %mul3A_192, %add3A_193 : i32
        %dma_start3A_195 = arith.constant 0 : i32
        %dma_start3A_196 = tpu.memref_slice %arg7[%add3A_194, %dma_start3A_195] : memref<4x128xi32, #tpu.memory_space<vmem>> -> memref<1x128xi32, #tpu.memory_space<vmem>>
        %dma_start3A_197 = tpu.memref_squeeze %dma_start3A_196 : memref<1x128xi32, #tpu.memory_space<vmem>> -> memref<128xi32, #tpu.memory_space<vmem>>
        %dma_start3A_198 = arith.constant 0 : i32
        %dma_start3A_199 = arith.constant 0 : i32
        %dma_start3A_200 = tpu.memref_slice %arg2[%dma_start3A_198, %dma_start3A_199] : memref<10240x128xf32, #tpu.memory_space<hbm>> -> memref<10240x128xf32, #tpu.memory_space<hbm>>
        tpu.enqueue_indirect_dma source(%dma_start3A_200 : memref<10240x128xf32, #tpu.memory_space<hbm>>) target(%arg10 : memref<128x128xf32, #tpu.memory_space<vmem>>) offsets(%dma_start3A_197 : memref<128xi32, #tpu.memory_space<vmem>>) semaphore(%arg12 : memref<!tpu.dma_semaphore, #tpu.memory_space<semaphore_mem>>)
        %add3A_201 = arith.constant 1 : i32
        %add3A_202 = arith.addi %mul3A_192, %add3A_201 : i32
        %dma_start3A_203 = arith.constant 0 : i32
        %dma_start3A_204 = tpu.memref_slice %arg7[%add3A_202, %dma_start3A_203] : memref<4x128xi32, #tpu.memory_space<vmem>> -> memref<1x128xi32, #tpu.memory_space<vmem>>
        %dma_start3A_205 = tpu.memref_squeeze %dma_start3A_204 : memref<1x128xi32, #tpu.memory_space<vmem>> -> memref<128xi32, #tpu.memory_space<vmem>>
        %dma_start3A_206 = arith.constant 0 : i32
        %dma_start3A_207 = arith.constant 0 : i32
        %dma_start3A_208 = tpu.memref_slice %arg2[%dma_start3A_206, %dma_start3A_207] : memref<10240x128xf32, #tpu.memory_space<hbm>> -> memref<10240x128xf32, #tpu.memory_space<hbm>>
        tpu.enqueue_indirect_dma source(%dma_start3A_208 : memref<10240x128xf32, #tpu.memory_space<hbm>>) target(%arg11 : memref<128x128xf32, #tpu.memory_space<vmem>>) offsets(%dma_start3A_205 : memref<128xi32, #tpu.memory_space<vmem>>) semaphore(%arg13 : memref<!tpu.dma_semaphore, #tpu.memory_space<semaphore_mem>>)
        %dma_wait3A_209 = arith.constant 0 : i32
        %dma_wait3A_210 = tpu.memref_slice %arg7[%add3A_194, %dma_wait3A_209] : memref<4x128xi32, #tpu.memory_space<vmem>> -> memref<1x128xi32, #tpu.memory_space<vmem>>
        %dma_wait3A_211 = tpu.memref_squeeze %dma_wait3A_210 : memref<1x128xi32, #tpu.memory_space<vmem>> -> memref<128xi32, #tpu.memory_space<vmem>>
        %dma_wait3A_212 = arith.constant 0 : i32
        %dma_wait3A_213 = arith.constant 0 : i32
        %dma_wait3A_214 = tpu.memref_slice %arg2[%dma_wait3A_212, %dma_wait3A_213] : memref<10240x128xf32, #tpu.memory_space<hbm>> -> memref<10240x128xf32, #tpu.memory_space<hbm>>
        tpu.wait_indirect_dma semaphore(%arg12 : memref<!tpu.dma_semaphore, #tpu.memory_space<semaphore_mem>>) src(%dma_wait3A_214 : memref<10240x128xf32, #tpu.memory_space<hbm>>) dst(%arg10 : memref<128x128xf32, #tpu.memory_space<vmem>>)
        %add3A_215 = arith.constant 0 : i32
        %add3A_216 = arith.addi %mul3A_192, %add3A_215 : i32
        %dma_start3A_217 = arith.constant 0 : i32
        %dma_start3A_218 = tpu.memref_slice %arg8[%add3A_216, %dma_start3A_217] : memref<4x128xi32, #tpu.memory_space<vmem>> -> memref<1x128xi32, #tpu.memory_space<vmem>>
        %dma_start3A_219 = tpu.memref_squeeze %dma_start3A_218 : memref<1x128xi32, #tpu.memory_space<vmem>> -> memref<128xi32, #tpu.memory_space<vmem>>
        %dma_start3A_220 = arith.constant 0 : i32
        %dma_start3A_221 = arith.constant 0 : i32
        %dma_start3A_222 = tpu.memref_slice %arg9[%dma_start3A_220, %dma_start3A_221] : memref<10240x128xf32, #tpu.memory_space<vmem_shared>> -> memref<10240x128xf32, #tpu.memory_space<vmem_shared>>
        tpu.enqueue_indirect_dma source(%arg10 : memref<128x128xf32, #tpu.memory_space<vmem>>) target(%dma_start3A_222 : memref<10240x128xf32, #tpu.memory_space<vmem_shared>>) offsets(%dma_start3A_219 : memref<128xi32, #tpu.memory_space<vmem>>) semaphore(%arg14 : memref<!tpu.dma_semaphore, #tpu.memory_space<semaphore_mem>>) {add = true}
        %dma_wait3A_223 = arith.constant 0 : i32
        %dma_wait3A_224 = tpu.memref_slice %arg7[%add3A_202, %dma_wait3A_223] : memref<4x128xi32, #tpu.memory_space<vmem>> -> memref<1x128xi32, #tpu.memory_space<vmem>>
        %dma_wait3A_225 = tpu.memref_squeeze %dma_wait3A_224 : memref<1x128xi32, #tpu.memory_space<vmem>> -> memref<128xi32, #tpu.memory_space<vmem>>
        %dma_wait3A_226 = arith.constant 0 : i32
        %dma_wait3A_227 = arith.constant 0 : i32
        %dma_wait3A_228 = tpu.memref_slice %arg2[%dma_wait3A_226, %dma_wait3A_227] : memref<10240x128xf32, #tpu.memory_space<hbm>> -> memref<10240x128xf32, #tpu.memory_space<hbm>>
        tpu.wait_indirect_dma semaphore(%arg13 : memref<!tpu.dma_semaphore, #tpu.memory_space<semaphore_mem>>) src(%dma_wait3A_228 : memref<10240x128xf32, #tpu.memory_space<hbm>>) dst(%arg11 : memref<128x128xf32, #tpu.memory_space<vmem>>)
        %add3A_229 = arith.constant 1 : i32
        %add3A_230 = arith.addi %mul3A_192, %add3A_229 : i32
        %dma_start3A_231 = arith.constant 0 : i32
        %dma_start3A_232 = tpu.memref_slice %arg8[%add3A_230, %dma_start3A_231] : memref<4x128xi32, #tpu.memory_space<vmem>> -> memref<1x128xi32, #tpu.memory_space<vmem>>
        %dma_start3A_233 = tpu.memref_squeeze %dma_start3A_232 : memref<1x128xi32, #tpu.memory_space<vmem>> -> memref<128xi32, #tpu.memory_space<vmem>>
        %dma_start3A_234 = arith.constant 0 : i32
        %dma_start3A_235 = arith.constant 0 : i32
        %dma_start3A_236 = tpu.memref_slice %arg9[%dma_start3A_234, %dma_start3A_235] : memref<10240x128xf32, #tpu.memory_space<vmem_shared>> -> memref<10240x128xf32, #tpu.memory_space<vmem_shared>>
        tpu.enqueue_indirect_dma source(%arg11 : memref<128x128xf32, #tpu.memory_space<vmem>>) target(%dma_start3A_236 : memref<10240x128xf32, #tpu.memory_space<vmem_shared>>) offsets(%dma_start3A_233 : memref<128xi32, #tpu.memory_space<vmem>>) semaphore(%arg15 : memref<!tpu.dma_semaphore, #tpu.memory_space<semaphore_mem>>) {add = true}
        %dma_wait3A_237 = arith.constant 0 : i32
        %dma_wait3A_238 = tpu.memref_slice %arg8[%add3A_216, %dma_wait3A_237] : memref<4x128xi32, #tpu.memory_space<vmem>> -> memref<1x128xi32, #tpu.memory_space<vmem>>
        %dma_wait3A_239 = tpu.memref_squeeze %dma_wait3A_238 : memref<1x128xi32, #tpu.memory_space<vmem>> -> memref<128xi32, #tpu.memory_space<vmem>>
        %dma_wait3A_240 = arith.constant 0 : i32
        %dma_wait3A_241 = arith.constant 0 : i32
        %dma_wait3A_242 = tpu.memref_slice %arg9[%dma_wait3A_240, %dma_wait3A_241] : memref<10240x128xf32, #tpu.memory_space<vmem_shared>> -> memref<10240x128xf32, #tpu.memory_space<vmem_shared>>
        tpu.wait_indirect_dma semaphore(%arg14 : memref<!tpu.dma_semaphore, #tpu.memory_space<semaphore_mem>>) src(%arg10 : memref<128x128xf32, #tpu.memory_space<vmem>>) dst(%dma_wait3A_242 : memref<10240x128xf32, #tpu.memory_space<vmem_shared>>)
        %dma_wait3A_243 = arith.constant 0 : i32
        %dma_wait3A_244 = tpu.memref_slice %arg8[%add3A_230, %dma_wait3A_243] : memref<4x128xi32, #tpu.memory_space<vmem>> -> memref<1x128xi32, #tpu.memory_space<vmem>>
        %dma_wait3A_245 = tpu.memref_squeeze %dma_wait3A_244 : memref<1x128xi32, #tpu.memory_space<vmem>> -> memref<128xi32, #tpu.memory_space<vmem>>
        %dma_wait3A_246 = arith.constant 0 : i32
        %dma_wait3A_247 = arith.constant 0 : i32
        %dma_wait3A_248 = tpu.memref_slice %arg9[%dma_wait3A_246, %dma_wait3A_247] : memref<10240x128xf32, #tpu.memory_space<vmem_shared>> -> memref<10240x128xf32, #tpu.memory_space<vmem_shared>>
        tpu.wait_indirect_dma semaphore(%arg15 : memref<!tpu.dma_semaphore, #tpu.memory_space<semaphore_mem>>) src(%arg11 : memref<128x128xf32, #tpu.memory_space<vmem>>) dst(%dma_wait3A_248 : memref<10240x128xf32, #tpu.memory_space<vmem_shared>>)
      }
      %scan3A_189 = arith.constant 2 : i32
    }
    %barrier3A_54 = arith.constant 0 : index
    tpu.barrier barrier_id(%barrier3A_54)
    %mul3A_55 = arith.constant 10240 : i32
    %mul3A_56 = arith.muli %arg0, %mul3A_55 : i32
    %mul3A_57 = arith.constant 640 : i32
    %mul3A_58 = arith.muli %arg1, %mul3A_57 : i32
    %add3A_59 = arith.addi %mul3A_56, %mul3A_58 : i32
    %multiple_of3A_60 = tpu.assume_multiple %add3A_59, 128 : i32
    %mul3A_61 = arith.constant 640 : i32
    %mul3A_62 = arith.muli %arg1, %mul3A_61 : i32
    %add3A_63 = arith.constant 0 : i32
    %add3A_64 = arith.addi %mul3A_62, %add3A_63 : i32
    %multiple_of3A_65 = tpu.assume_multiple %add3A_64, 128 : i32
    %dma_start3A_66 = arith.constant 0 : i32
    %dma_start3A_67 = tpu.memref_slice %arg9[%multiple_of3A_65, %dma_start3A_66] : memref<10240x128xf32, #tpu.memory_space<vmem_shared>> -> memref<128x128xf32, #tpu.memory_space<vmem_shared>>
    %dma_start3A_68 = arith.constant 0 : i32
    %dma_start3A_69 = tpu.memref_slice %arg9[%multiple_of3A_65, %dma_start3A_68] : memref<10240x128xf32, #tpu.memory_space<vmem_shared>> -> memref<128x128xf32, #tpu.memory_space<vmem_shared>>
    tpu.enqueue_dma source(%dma_start3A_69 : memref<128x128xf32, #tpu.memory_space<vmem_shared>>) target(%arg10 : memref<128x128xf32, #tpu.memory_space<vmem>>) target_semaphore(%arg12 : memref<!tpu.dma_semaphore, #tpu.memory_space<semaphore_mem>>)
    %mul3A_70 = arith.constant 640 : i32
    %mul3A_71 = arith.muli %arg1, %mul3A_70 : i32
    %add3A_72 = arith.constant 128 : i32
    %add3A_73 = arith.addi %mul3A_71, %add3A_72 : i32
    %multiple_of3A_74 = tpu.assume_multiple %add3A_73, 128 : i32
    %dma_start3A_75 = arith.constant 0 : i32
    %dma_start3A_76 = tpu.memref_slice %arg9[%multiple_of3A_74, %dma_start3A_75] : memref<10240x128xf32, #tpu.memory_space<vmem_shared>> -> memref<128x128xf32, #tpu.memory_space<vmem_shared>>
    %dma_start3A_77 = arith.constant 0 : i32
    %dma_start3A_78 = tpu.memref_slice %arg9[%multiple_of3A_74, %dma_start3A_77] : memref<10240x128xf32, #tpu.memory_space<vmem_shared>> -> memref<128x128xf32, #tpu.memory_space<vmem_shared>>
    tpu.enqueue_dma source(%dma_start3A_78 : memref<128x128xf32, #tpu.memory_space<vmem_shared>>) target(%arg11 : memref<128x128xf32, #tpu.memory_space<vmem>>) target_semaphore(%arg13 : memref<!tpu.dma_semaphore, #tpu.memory_space<semaphore_mem>>)
    %dma_wait3A_79 = arith.constant 0 : i32
    %dma_wait3A_80 = tpu.memref_slice %arg9[%multiple_of3A_65, %dma_wait3A_79] : memref<10240x128xf32, #tpu.memory_space<vmem_shared>> -> memref<128x128xf32, #tpu.memory_space<vmem_shared>>
    %dma_wait3A_81 = arith.constant 0 : i32
    %dma_wait3A_82 = tpu.memref_slice %arg9[%multiple_of3A_65, %dma_wait3A_81] : memref<10240x128xf32, #tpu.memory_space<vmem_shared>> -> memref<128x128xf32, #tpu.memory_space<vmem_shared>>
    tpu.wait_dma2 semaphore(%arg12 : memref<!tpu.dma_semaphore, #tpu.memory_space<semaphore_mem>>) src(%dma_wait3A_82 : memref<128x128xf32, #tpu.memory_space<vmem_shared>>) dst(%arg10 : memref<128x128xf32, #tpu.memory_space<vmem>>)
    %add3A_83 = arith.constant 0 : i32
    %add3A_84 = arith.addi %multiple_of3A_60, %add3A_83 : i32
    %multiple_of3A_85 = tpu.assume_multiple %add3A_84, 128 : i32
    %dma_start3A_86 = arith.constant 0 : i32
    %dma_start3A_87 = tpu.memref_slice %arg6[%multiple_of3A_85, %dma_start3A_86] : memref<20480x128xf32, #tpu.memory_space<hbm>> -> memref<128x128xf32, #tpu.memory_space<hbm>>
    %dma_start3A_88 = arith.constant 0 : i32
    %dma_start3A_89 = tpu.memref_slice %arg6[%multiple_of3A_85, %dma_start3A_88] : memref<20480x128xf32, #tpu.memory_space<hbm>> -> memref<128x128xf32, #tpu.memory_space<hbm>>
    tpu.enqueue_dma source(%arg10 : memref<128x128xf32, #tpu.memory_space<vmem>>) target(%dma_start3A_89 : memref<128x128xf32, #tpu.memory_space<hbm>>) target_semaphore(%arg14 : memref<!tpu.dma_semaphore, #tpu.memory_space<semaphore_mem>>)
    %dma_wait3A_90 = arith.constant 0 : i32
    %dma_wait3A_91 = tpu.memref_slice %arg9[%multiple_of3A_74, %dma_wait3A_90] : memref<10240x128xf32, #tpu.memory_space<vmem_shared>> -> memref<128x128xf32, #tpu.memory_space<vmem_shared>>
    %dma_wait3A_92 = arith.constant 0 : i32
    %dma_wait3A_93 = tpu.memref_slice %arg9[%multiple_of3A_74, %dma_wait3A_92] : memref<10240x128xf32, #tpu.memory_space<vmem_shared>> -> memref<128x128xf32, #tpu.memory_space<vmem_shared>>
    tpu.wait_dma2 semaphore(%arg13 : memref<!tpu.dma_semaphore, #tpu.memory_space<semaphore_mem>>) src(%dma_wait3A_93 : memref<128x128xf32, #tpu.memory_space<vmem_shared>>) dst(%arg11 : memref<128x128xf32, #tpu.memory_space<vmem>>)
    %add3A_94 = arith.constant 128 : i32
    %add3A_95 = arith.addi %multiple_of3A_60, %add3A_94 : i32
    %multiple_of3A_96 = tpu.assume_multiple %add3A_95, 128 : i32
    %dma_start3A_97 = arith.constant 0 : i32
    %dma_start3A_98 = tpu.memref_slice %arg6[%multiple_of3A_96, %dma_start3A_97] : memref<20480x128xf32, #tpu.memory_space<hbm>> -> memref<128x128xf32, #tpu.memory_space<hbm>>
    %dma_start3A_99 = arith.constant 0 : i32
    %dma_start3A_100 = tpu.memref_slice %arg6[%multiple_of3A_96, %dma_start3A_99] : memref<20480x128xf32, #tpu.memory_space<hbm>> -> memref<128x128xf32, #tpu.memory_space<hbm>>
    tpu.enqueue_dma source(%arg11 : memref<128x128xf32, #tpu.memory_space<vmem>>) target(%dma_start3A_100 : memref<128x128xf32, #tpu.memory_space<hbm>>) target_semaphore(%arg15 : memref<!tpu.dma_semaphore, #tpu.memory_space<semaphore_mem>>)
    %dma_wait3A_101 = arith.constant 0 : i32
    %dma_wait3A_102 = tpu.memref_slice %arg6[%multiple_of3A_85, %dma_wait3A_101] : memref<20480x128xf32, #tpu.memory_space<hbm>> -> memref<128x128xf32, #tpu.memory_space<hbm>>
    %dma_wait3A_103 = arith.constant 0 : i32
    %dma_wait3A_104 = tpu.memref_slice %arg6[%multiple_of3A_85, %dma_wait3A_103] : memref<20480x128xf32, #tpu.memory_space<hbm>> -> memref<128x128xf32, #tpu.memory_space<hbm>>
    tpu.wait_dma2 semaphore(%arg14 : memref<!tpu.dma_semaphore, #tpu.memory_space<semaphore_mem>>) src(%arg10 : memref<128x128xf32, #tpu.memory_space<vmem>>) dst(%dma_wait3A_104 : memref<128x128xf32, #tpu.memory_space<hbm>>)
    %mul3A_105 = arith.constant 640 : i32
    %mul3A_106 = arith.muli %arg1, %mul3A_105 : i32
    %add3A_107 = arith.constant 256 : i32
    %add3A_108 = arith.addi %mul3A_106, %add3A_107 : i32
    %multiple_of3A_109 = tpu.assume_multiple %add3A_108, 128 : i32
    %dma_start3A_110 = arith.constant 0 : i32
    %dma_start3A_111 = tpu.memref_slice %arg9[%multiple_of3A_109, %dma_start3A_110] : memref<10240x128xf32, #tpu.memory_space<vmem_shared>> -> memref<128x128xf32, #tpu.memory_space<vmem_shared>>
    %dma_start3A_112 = arith.constant 0 : i32
    %dma_start3A_113 = tpu.memref_slice %arg9[%multiple_of3A_109, %dma_start3A_112] : memref<10240x128xf32, #tpu.memory_space<vmem_shared>> -> memref<128x128xf32, #tpu.memory_space<vmem_shared>>
    tpu.enqueue_dma source(%dma_start3A_113 : memref<128x128xf32, #tpu.memory_space<vmem_shared>>) target(%arg10 : memref<128x128xf32, #tpu.memory_space<vmem>>) target_semaphore(%arg12 : memref<!tpu.dma_semaphore, #tpu.memory_space<semaphore_mem>>)
    %dma_wait3A_114 = arith.constant 0 : i32
    %dma_wait3A_115 = tpu.memref_slice %arg9[%multiple_of3A_109, %dma_wait3A_114] : memref<10240x128xf32, #tpu.memory_space<vmem_shared>> -> memref<128x128xf32, #tpu.memory_space<vmem_shared>>
    %dma_wait3A_116 = arith.constant 0 : i32
    %dma_wait3A_117 = tpu.memref_slice %arg9[%multiple_of3A_109, %dma_wait3A_116] : memref<10240x128xf32, #tpu.memory_space<vmem_shared>> -> memref<128x128xf32, #tpu.memory_space<vmem_shared>>
    tpu.wait_dma2 semaphore(%arg12 : memref<!tpu.dma_semaphore, #tpu.memory_space<semaphore_mem>>) src(%dma_wait3A_117 : memref<128x128xf32, #tpu.memory_space<vmem_shared>>) dst(%arg10 : memref<128x128xf32, #tpu.memory_space<vmem>>)
    %add3A_118 = arith.constant 256 : i32
    %add3A_119 = arith.addi %multiple_of3A_60, %add3A_118 : i32
    %multiple_of3A_120 = tpu.assume_multiple %add3A_119, 128 : i32
    %dma_start3A_121 = arith.constant 0 : i32
    %dma_start3A_122 = tpu.memref_slice %arg6[%multiple_of3A_120, %dma_start3A_121] : memref<20480x128xf32, #tpu.memory_space<hbm>> -> memref<128x128xf32, #tpu.memory_space<hbm>>
    %dma_start3A_123 = arith.constant 0 : i32
    %dma_start3A_124 = tpu.memref_slice %arg6[%multiple_of3A_120, %dma_start3A_123] : memref<20480x128xf32, #tpu.memory_space<hbm>> -> memref<128x128xf32, #tpu.memory_space<hbm>>
    tpu.enqueue_dma source(%arg10 : memref<128x128xf32, #tpu.memory_space<vmem>>) target(%dma_start3A_124 : memref<128x128xf32, #tpu.memory_space<hbm>>) target_semaphore(%arg14 : memref<!tpu.dma_semaphore, #tpu.memory_space<semaphore_mem>>)
    %dma_wait3A_125 = arith.constant 0 : i32
    %dma_wait3A_126 = tpu.memref_slice %arg6[%multiple_of3A_96, %dma_wait3A_125] : memref<20480x128xf32, #tpu.memory_space<hbm>> -> memref<128x128xf32, #tpu.memory_space<hbm>>
    %dma_wait3A_127 = arith.constant 0 : i32
    %dma_wait3A_128 = tpu.memref_slice %arg6[%multiple_of3A_96, %dma_wait3A_127] : memref<20480x128xf32, #tpu.memory_space<hbm>> -> memref<128x128xf32, #tpu.memory_space<hbm>>
    tpu.wait_dma2 semaphore(%arg15 : memref<!tpu.dma_semaphore, #tpu.memory_space<semaphore_mem>>) src(%arg11 : memref<128x128xf32, #tpu.memory_space<vmem>>) dst(%dma_wait3A_128 : memref<128x128xf32, #tpu.memory_space<hbm>>)
    %mul3A_129 = arith.constant 640 : i32
    %mul3A_130 = arith.muli %arg1, %mul3A_129 : i32
    %add3A_131 = arith.constant 384 : i32
    %add3A_132 = arith.addi %mul3A_130, %add3A_131 : i32
    %multiple_of3A_133 = tpu.assume_multiple %add3A_132, 128 : i32
    %dma_start3A_134 = arith.constant 0 : i32
    %dma_start3A_135 = tpu.memref_slice %arg9[%multiple_of3A_133, %dma_start3A_134] : memref<10240x128xf32, #tpu.memory_space<vmem_shared>> -> memref<128x128xf32, #tpu.memory_space<vmem_shared>>
    %dma_start3A_136 = arith.constant 0 : i32
    %dma_start3A_137 = tpu.memref_slice %arg9[%multiple_of3A_133, %dma_start3A_136] : memref<10240x128xf32, #tpu.memory_space<vmem_shared>> -> memref<128x128xf32, #tpu.memory_space<vmem_shared>>
    tpu.enqueue_dma source(%dma_start3A_137 : memref<128x128xf32, #tpu.memory_space<vmem_shared>>) target(%arg11 : memref<128x128xf32, #tpu.memory_space<vmem>>) target_semaphore(%arg13 : memref<!tpu.dma_semaphore, #tpu.memory_space<semaphore_mem>>)
    %dma_wait3A_138 = arith.constant 0 : i32
    %dma_wait3A_139 = tpu.memref_slice %arg9[%multiple_of3A_133, %dma_wait3A_138] : memref<10240x128xf32, #tpu.memory_space<vmem_shared>> -> memref<128x128xf32, #tpu.memory_space<vmem_shared>>
    %dma_wait3A_140 = arith.constant 0 : i32
    %dma_wait3A_141 = tpu.memref_slice %arg9[%multiple_of3A_133, %dma_wait3A_140] : memref<10240x128xf32, #tpu.memory_space<vmem_shared>> -> memref<128x128xf32, #tpu.memory_space<vmem_shared>>
    tpu.wait_dma2 semaphore(%arg13 : memref<!tpu.dma_semaphore, #tpu.memory_space<semaphore_mem>>) src(%dma_wait3A_141 : memref<128x128xf32, #tpu.memory_space<vmem_shared>>) dst(%arg11 : memref<128x128xf32, #tpu.memory_space<vmem>>)
    %add3A_142 = arith.constant 384 : i32
    %add3A_143 = arith.addi %multiple_of3A_60, %add3A_142 : i32
    %multiple_of3A_144 = tpu.assume_multiple %add3A_143, 128 : i32
    %dma_start3A_145 = arith.constant 0 : i32
    %dma_start3A_146 = tpu.memref_slice %arg6[%multiple_of3A_144, %dma_start3A_145] : memref<20480x128xf32, #tpu.memory_space<hbm>> -> memref<128x128xf32, #tpu.memory_space<hbm>>
    %dma_start3A_147 = arith.constant 0 : i32
    %dma_start3A_148 = tpu.memref_slice %arg6[%multiple_of3A_144, %dma_start3A_147] : memref<20480x128xf32, #tpu.memory_space<hbm>> -> memref<128x128xf32, #tpu.memory_space<hbm>>
    tpu.enqueue_dma source(%arg11 : memref<128x128xf32, #tpu.memory_space<vmem>>) target(%dma_start3A_148 : memref<128x128xf32, #tpu.memory_space<hbm>>) target_semaphore(%arg15 : memref<!tpu.dma_semaphore, #tpu.memory_space<semaphore_mem>>)
    %dma_wait3A_149 = arith.constant 0 : i32
    %dma_wait3A_150 = tpu.memref_slice %arg6[%multiple_of3A_120, %dma_wait3A_149] : memref<20480x128xf32, #tpu.memory_space<hbm>> -> memref<128x128xf32, #tpu.memory_space<hbm>>
    %dma_wait3A_151 = arith.constant 0 : i32
    %dma_wait3A_152 = tpu.memref_slice %arg6[%multiple_of3A_120, %dma_wait3A_151] : memref<20480x128xf32, #tpu.memory_space<hbm>> -> memref<128x128xf32, #tpu.memory_space<hbm>>
    tpu.wait_dma2 semaphore(%arg14 : memref<!tpu.dma_semaphore, #tpu.memory_space<semaphore_mem>>) src(%arg10 : memref<128x128xf32, #tpu.memory_space<vmem>>) dst(%dma_wait3A_152 : memref<128x128xf32, #tpu.memory_space<hbm>>)
    %mul3A_153 = arith.constant 640 : i32
    %mul3A_154 = arith.muli %arg1, %mul3A_153 : i32
    %add3A_155 = arith.constant 512 : i32
    %add3A_156 = arith.addi %mul3A_154, %add3A_155 : i32
    %multiple_of3A_157 = tpu.assume_multiple %add3A_156, 128 : i32
    %dma_start3A_158 = arith.constant 0 : i32
    %dma_start3A_159 = tpu.memref_slice %arg9[%multiple_of3A_157, %dma_start3A_158] : memref<10240x128xf32, #tpu.memory_space<vmem_shared>> -> memref<128x128xf32, #tpu.memory_space<vmem_shared>>
    %dma_start3A_160 = arith.constant 0 : i32
    %dma_start3A_161 = tpu.memref_slice %arg9[%multiple_of3A_157, %dma_start3A_160] : memref<10240x128xf32, #tpu.memory_space<vmem_shared>> -> memref<128x128xf32, #tpu.memory_space<vmem_shared>>
    tpu.enqueue_dma source(%dma_start3A_161 : memref<128x128xf32, #tpu.memory_space<vmem_shared>>) target(%arg10 : memref<128x128xf32, #tpu.memory_space<vmem>>) target_semaphore(%arg12 : memref<!tpu.dma_semaphore, #tpu.memory_space<semaphore_mem>>)
    %dma_wait3A_162 = arith.constant 0 : i32
    %dma_wait3A_163 = tpu.memref_slice %arg9[%multiple_of3A_157, %dma_wait3A_162] : memref<10240x128xf32, #tpu.memory_space<vmem_shared>> -> memref<128x128xf32, #tpu.memory_space<vmem_shared>>
    %dma_wait3A_164 = arith.constant 0 : i32
    %dma_wait3A_165 = tpu.memref_slice %arg9[%multiple_of3A_157, %dma_wait3A_164] : memref<10240x128xf32, #tpu.memory_space<vmem_shared>> -> memref<128x128xf32, #tpu.memory_space<vmem_shared>>
    tpu.wait_dma2 semaphore(%arg12 : memref<!tpu.dma_semaphore, #tpu.memory_space<semaphore_mem>>) src(%dma_wait3A_165 : memref<128x128xf32, #tpu.memory_space<vmem_shared>>) dst(%arg10 : memref<128x128xf32, #tpu.memory_space<vmem>>)
    %add3A_166 = arith.constant 512 : i32
    %add3A_167 = arith.addi %multiple_of3A_60, %add3A_166 : i32
    %multiple_of3A_168 = tpu.assume_multiple %add3A_167, 128 : i32
    %dma_start3A_169 = arith.constant 0 : i32
    %dma_start3A_170 = tpu.memref_slice %arg6[%multiple_of3A_168, %dma_start3A_169] : memref<20480x128xf32, #tpu.memory_space<hbm>> -> memref<128x128xf32, #tpu.memory_space<hbm>>
    %dma_start3A_171 = arith.constant 0 : i32
    %dma_start3A_172 = tpu.memref_slice %arg6[%multiple_of3A_168, %dma_start3A_171] : memref<20480x128xf32, #tpu.memory_space<hbm>> -> memref<128x128xf32, #tpu.memory_space<hbm>>
    tpu.enqueue_dma source(%arg10 : memref<128x128xf32, #tpu.memory_space<vmem>>) target(%dma_start3A_172 : memref<128x128xf32, #tpu.memory_space<hbm>>) target_semaphore(%arg14 : memref<!tpu.dma_semaphore, #tpu.memory_space<semaphore_mem>>)
    %dma_wait3A_173 = arith.constant 0 : i32
    %dma_wait3A_174 = tpu.memref_slice %arg6[%multiple_of3A_144, %dma_wait3A_173] : memref<20480x128xf32, #tpu.memory_space<hbm>> -> memref<128x128xf32, #tpu.memory_space<hbm>>
    %dma_wait3A_175 = arith.constant 0 : i32
    %dma_wait3A_176 = tpu.memref_slice %arg6[%multiple_of3A_144, %dma_wait3A_175] : memref<20480x128xf32, #tpu.memory_space<hbm>> -> memref<128x128xf32, #tpu.memory_space<hbm>>
    tpu.wait_dma2 semaphore(%arg15 : memref<!tpu.dma_semaphore, #tpu.memory_space<semaphore_mem>>) src(%arg11 : memref<128x128xf32, #tpu.memory_space<vmem>>) dst(%dma_wait3A_176 : memref<128x128xf32, #tpu.memory_space<hbm>>)
    %dma_wait3A_177 = arith.constant 0 : i32
    %dma_wait3A_178 = tpu.memref_slice %arg6[%multiple_of3A_168, %dma_wait3A_177] : memref<20480x128xf32, #tpu.memory_space<hbm>> -> memref<128x128xf32, #tpu.memory_space<hbm>>
    %dma_wait3A_179 = arith.constant 0 : i32
    %dma_wait3A_180 = tpu.memref_slice %arg6[%multiple_of3A_168, %dma_wait3A_179] : memref<20480x128xf32, #tpu.memory_space<hbm>> -> memref<128x128xf32, #tpu.memory_space<hbm>>
    tpu.wait_dma2 semaphore(%arg14 : memref<!tpu.dma_semaphore, #tpu.memory_space<semaphore_mem>>) src(%arg10 : memref<128x128xf32, #tpu.memory_space<vmem>>) dst(%dma_wait3A_180 : memref<128x128xf32, #tpu.memory_space<hbm>>)
    return
  }
}

#map = affine_map<(d0, d1) -> (0, 0)>
module attributes {stable_mosaic.version = 14 : i64} {
  func.func @body(%arg0: i32, %arg1: i32, %arg2: memref<10240x128xf32, #tpu.memory_space<hbm>>, %arg3: memref<1356x128xi32, #tpu.memory_space<hbm>>, %arg4: memref<1356x128xi32, #tpu.memory_space<hbm>>, %arg5: memref<128x128xf32, #tpu.memory_space<hbm>>, %arg6: memref<20480x128xf32, #tpu.memory_space<hbm>>, %arg7: memref<4x128xi32, #tpu.memory_space<vmem>>, %arg8: memref<4x128xi32, #tpu.memory_space<vmem>>, %arg9: memref<10240x128xf32, #tpu.memory_space<vmem_shared>>, %arg10: memref<128x128xf32, #tpu.memory_space<vmem>>, %arg11: memref<128x128xf32, #tpu.memory_space<vmem>>, %arg12: memref<!tpu.dma_semaphore, #tpu.memory_space<semaphore_mem>>, %arg13: memref<!tpu.dma_semaphore, #tpu.memory_space<semaphore_mem>>, %arg14: memref<!tpu.dma_semaphore, #tpu.memory_space<semaphore_mem>>, %arg15: memref<!tpu.dma_semaphore, #tpu.memory_space<semaphore_mem>>) attributes {dimension_semantics = [#tpu.dimension_semantics<core_parallel>, #tpu.dimension_semantics<subcore_parallel>], iteration_bounds = array<i64: 2, 16>, scalar_prefetch = 0 : i64, scratch_operands = 9 : i64, tpu.core_type = #tpu.core_type<sc_vector_subcore>, window_params = [{transform_indices = #map}, {transform_indices = #map}, {transform_indices = #map}, {transform_indices = #map}, {transform_indices = #map}]} {
    %eq3A = arith.constant 0 : i32
    %eq3A_0 = arith.cmpi eq, %arg0, %eq3A : i32
    %mul3A = arith.constant 76 : i32
    %mul3A_1 = arith.muli %arg1, %mul3A : i32
    %mul3A_2 = arith.constant 4 : i32
    %mul3A_3 = arith.muli %arg1, %mul3A_2 : i32
    %add3A = arith.constant 1216 : i32
    %add3A_4 = arith.addi %add3A, %mul3A_3 : i32
    %select_n3A = arith.select %eq3A_0, %mul3A_1, %add3A_4 : i32
    %eq3A_5 = arith.constant 0 : i32
    %eq3A_6 = arith.cmpi eq, %arg0, %eq3A_5 : i32
    %select_n3A_7 = arith.constant 1 : i32
    %select_n3A_8 = arith.constant 19 : i32
    %select_n3A_9 = arith.select %eq3A_6, %select_n3A_8, %select_n3A_7 : i32
    %mul3A_10 = arith.constant 640 : i32
    %mul3A_11 = arith.muli %arg1, %mul3A_10 : i32
    %multiple_of3A = tpu.assume_multiple %mul3A_11, 128 : i32
    %add3A_12 = arith.constant 0 : i32
    %add3A_13 = arith.addi %multiple_of3A, %add3A_12 : i32
    %multiple_of3A_14 = tpu.assume_multiple %add3A_13, 128 : i32
    %dma_start3A = arith.constant 0 : i32
    %dma_start3A_15 = tpu.memref_slice %arg9[%multiple_of3A_14, %dma_start3A] : memref<10240x128xf32, #tpu.memory_space<vmem_shared>> -> memref<128x128xf32, #tpu.memory_space<vmem_shared>>
    tpu.enqueue_dma source(%arg5 : memref<128x128xf32, #tpu.memory_space<hbm>>) target(%dma_start3A_15 : memref<128x128xf32, #tpu.memory_space<vmem_shared>>) target_semaphore(%arg12 : memref<!tpu.dma_semaphore, #tpu.memory_space<semaphore_mem>>)
    %add3A_16 = arith.constant 128 : i32
    %add3A_17 = arith.addi %multiple_of3A, %add3A_16 : i32
    %multiple_of3A_18 = tpu.assume_multiple %add3A_17, 128 : i32
    %dma_start3A_19 = arith.constant 0 : i32
    %dma_start3A_20 = tpu.memref_slice %arg9[%multiple_of3A_18, %dma_start3A_19] : memref<10240x128xf32, #tpu.memory_space<vmem_shared>> -> memref<128x128xf32, #tpu.memory_space<vmem_shared>>
    tpu.enqueue_dma source(%arg5 : memref<128x128xf32, #tpu.memory_space<hbm>>) target(%dma_start3A_20 : memref<128x128xf32, #tpu.memory_space<vmem_shared>>) target_semaphore(%arg13 : memref<!tpu.dma_semaphore, #tpu.memory_space<semaphore_mem>>)
    %add3A_21 = arith.constant 256 : i32
    %add3A_22 = arith.addi %multiple_of3A, %add3A_21 : i32
    %multiple_of3A_23 = tpu.assume_multiple %add3A_22, 128 : i32
    %dma_start3A_24 = arith.constant 0 : i32
    %dma_start3A_25 = tpu.memref_slice %arg9[%multiple_of3A_23, %dma_start3A_24] : memref<10240x128xf32, #tpu.memory_space<vmem_shared>> -> memref<128x128xf32, #tpu.memory_space<vmem_shared>>
    tpu.enqueue_dma source(%arg5 : memref<128x128xf32, #tpu.memory_space<hbm>>) target(%dma_start3A_25 : memref<128x128xf32, #tpu.memory_space<vmem_shared>>) target_semaphore(%arg14 : memref<!tpu.dma_semaphore, #tpu.memory_space<semaphore_mem>>)
    %add3A_26 = arith.constant 384 : i32
    %add3A_27 = arith.addi %multiple_of3A, %add3A_26 : i32
    %multiple_of3A_28 = tpu.assume_multiple %add3A_27, 128 : i32
    %dma_start3A_29 = arith.constant 0 : i32
    %dma_start3A_30 = tpu.memref_slice %arg9[%multiple_of3A_28, %dma_start3A_29] : memref<10240x128xf32, #tpu.memory_space<vmem_shared>> -> memref<128x128xf32, #tpu.memory_space<vmem_shared>>
    tpu.enqueue_dma source(%arg5 : memref<128x128xf32, #tpu.memory_space<hbm>>) target(%dma_start3A_30 : memref<128x128xf32, #tpu.memory_space<vmem_shared>>) target_semaphore(%arg15 : memref<!tpu.dma_semaphore, #tpu.memory_space<semaphore_mem>>)
    %add3A_31 = arith.constant 512 : i32
    %add3A_32 = arith.addi %multiple_of3A, %add3A_31 : i32
    %multiple_of3A_33 = tpu.assume_multiple %add3A_32, 128 : i32
    %dma_wait3A = arith.constant 0 : i32
    %dma_wait3A_34 = tpu.memref_slice %arg9[%multiple_of3A_14, %dma_wait3A] : memref<10240x128xf32, #tpu.memory_space<vmem_shared>> -> memref<128x128xf32, #tpu.memory_space<vmem_shared>>
    tpu.wait_dma2 semaphore(%arg12 : memref<!tpu.dma_semaphore, #tpu.memory_space<semaphore_mem>>) src(%arg5 : memref<128x128xf32, #tpu.memory_space<hbm>>) dst(%dma_wait3A_34 : memref<128x128xf32, #tpu.memory_space<vmem_shared>>)
    %dma_start3A_35 = arith.constant 0 : i32
    %dma_start3A_36 = tpu.memref_slice %arg9[%multiple_of3A_33, %dma_start3A_35] : memref<10240x128xf32, #tpu.memory_space<vmem_shared>> -> memref<128x128xf32, #tpu.memory_space<vmem_shared>>
    tpu.enqueue_dma source(%arg5 : memref<128x128xf32, #tpu.memory_space<hbm>>) target(%dma_start3A_36 : memref<128x128xf32, #tpu.memory_space<vmem_shared>>) target_semaphore(%arg12 : memref<!tpu.dma_semaphore, #tpu.memory_space<semaphore_mem>>)
    %dma_wait3A_37 = arith.constant 0 : i32
    %dma_wait3A_38 = tpu.memref_slice %arg9[%multiple_of3A_18, %dma_wait3A_37] : memref<10240x128xf32, #tpu.memory_space<vmem_shared>> -> memref<128x128xf32, #tpu.memory_space<vmem_shared>>
    tpu.wait_dma2 semaphore(%arg13 : memref<!tpu.dma_semaphore, #tpu.memory_space<semaphore_mem>>) src(%arg5 : memref<128x128xf32, #tpu.memory_space<hbm>>) dst(%dma_wait3A_38 : memref<128x128xf32, #tpu.memory_space<vmem_shared>>)
    %dma_wait3A_39 = arith.constant 0 : i32
    %dma_wait3A_40 = tpu.memref_slice %arg9[%multiple_of3A_23, %dma_wait3A_39] : memref<10240x128xf32, #tpu.memory_space<vmem_shared>> -> memref<128x128xf32, #tpu.memory_space<vmem_shared>>
    tpu.wait_dma2 semaphore(%arg14 : memref<!tpu.dma_semaphore, #tpu.memory_space<semaphore_mem>>) src(%arg5 : memref<128x128xf32, #tpu.memory_space<hbm>>) dst(%dma_wait3A_40 : memref<128x128xf32, #tpu.memory_space<vmem_shared>>)
    %dma_wait3A_41 = arith.constant 0 : i32
    %dma_wait3A_42 = tpu.memref_slice %arg9[%multiple_of3A_28, %dma_wait3A_41] : memref<10240x128xf32, #tpu.memory_space<vmem_shared>> -> memref<128x128xf32, #tpu.memory_space<vmem_shared>>
    tpu.wait_dma2 semaphore(%arg15 : memref<!tpu.dma_semaphore, #tpu.memory_space<semaphore_mem>>) src(%arg5 : memref<128x128xf32, #tpu.memory_space<hbm>>) dst(%dma_wait3A_42 : memref<128x128xf32, #tpu.memory_space<vmem_shared>>)
    %dma_wait3A_43 = arith.constant 0 : i32
    %dma_wait3A_44 = tpu.memref_slice %arg9[%multiple_of3A_33, %dma_wait3A_43] : memref<10240x128xf32, #tpu.memory_space<vmem_shared>> -> memref<128x128xf32, #tpu.memory_space<vmem_shared>>
    tpu.wait_dma2 semaphore(%arg12 : memref<!tpu.dma_semaphore, #tpu.memory_space<semaphore_mem>>) src(%arg5 : memref<128x128xf32, #tpu.memory_space<hbm>>) dst(%dma_wait3A_44 : memref<128x128xf32, #tpu.memory_space<vmem_shared>>)
    %barrier3A = arith.constant 0 : index
    tpu.barrier barrier_id(%barrier3A)
    %while3A = arith.constant 0 : i32
    %while3A_45 = arith.constant 0 : i32
    %while3A_46 = arith.subi %select_n3A_9, %while3A_45 : i32
    %while3A_47 = arith.addi %while3A_45, %while3A_46 : i32
    %while3A_48 = arith.constant 1 : i32
    %while3A_49 = arith.divsi %while3A_46, %while3A_48 : i32
    %while3A_50 = arith.muli %while3A_49, %while3A_48 : i32
    %while3A_51 = arith.addi %while3A_45, %while3A_50 : i32
    %while3A_52 = arith.constant 1 : i32
    scf.for %while3A_181 = %while3A_45 to %while3A_51 step %while3A_52  : i32 {
      %mul3A_182 = arith.constant 4 : i32
      %mul3A_183 = arith.muli %while3A_181, %mul3A_182 : i32
      %add3A_184 = arith.addi %select_n3A, %mul3A_183 : i32
      "tpu.region"() ({
        %run_scoped3A = tpu.sem_alloc : memref<!tpu.dma_semaphore, #tpu.memory_space<semaphore_mem>>
        %dma_start3A_190 = arith.constant 0 : i32
        %dma_start3A_191 = tpu.memref_slice %arg4[%add3A_184, %dma_start3A_190] : memref<1356x128xi32, #tpu.memory_space<hbm>> -> memref<4x128xi32, #tpu.memory_space<hbm>>
        %dma_start3A_192 = arith.constant 0 : i32
        %dma_start3A_193 = tpu.memref_slice %arg4[%add3A_184, %dma_start3A_192] : memref<1356x128xi32, #tpu.memory_space<hbm>> -> memref<4x128xi32, #tpu.memory_space<hbm>>
        tpu.enqueue_dma source(%dma_start3A_193 : memref<4x128xi32, #tpu.memory_space<hbm>>) target(%arg8 : memref<4x128xi32, #tpu.memory_space<vmem>>) target_semaphore(%run_scoped3A : memref<!tpu.dma_semaphore, #tpu.memory_space<semaphore_mem>>)
        %dma_wait3A_194 = arith.constant 0 : i32
        %dma_wait3A_195 = tpu.memref_slice %arg4[%add3A_184, %dma_wait3A_194] : memref<1356x128xi32, #tpu.memory_space<hbm>> -> memref<4x128xi32, #tpu.memory_space<hbm>>
        %dma_wait3A_196 = arith.constant 0 : i32
        %dma_wait3A_197 = tpu.memref_slice %arg4[%add3A_184, %dma_wait3A_196] : memref<1356x128xi32, #tpu.memory_space<hbm>> -> memref<4x128xi32, #tpu.memory_space<hbm>>
        tpu.wait_dma2 semaphore(%run_scoped3A : memref<!tpu.dma_semaphore, #tpu.memory_space<semaphore_mem>>) src(%dma_wait3A_197 : memref<4x128xi32, #tpu.memory_space<hbm>>) dst(%arg8 : memref<4x128xi32, #tpu.memory_space<vmem>>)
        tpu.yield
      }) : () -> ()
      "tpu.region"() ({
        %run_scoped3A = tpu.sem_alloc : memref<!tpu.dma_semaphore, #tpu.memory_space<semaphore_mem>>
        %dma_start3A_190 = arith.constant 0 : i32
        %dma_start3A_191 = tpu.memref_slice %arg3[%add3A_184, %dma_start3A_190] : memref<1356x128xi32, #tpu.memory_space<hbm>> -> memref<4x128xi32, #tpu.memory_space<hbm>>
        %dma_start3A_192 = arith.constant 0 : i32
        %dma_start3A_193 = tpu.memref_slice %arg3[%add3A_184, %dma_start3A_192] : memref<1356x128xi32, #tpu.memory_space<hbm>> -> memref<4x128xi32, #tpu.memory_space<hbm>>
        tpu.enqueue_dma source(%dma_start3A_193 : memref<4x128xi32, #tpu.memory_space<hbm>>) target(%arg7 : memref<4x128xi32, #tpu.memory_space<vmem>>) target_semaphore(%run_scoped3A : memref<!tpu.dma_semaphore, #tpu.memory_space<semaphore_mem>>)
        %dma_wait3A_194 = arith.constant 0 : i32
        %dma_wait3A_195 = tpu.memref_slice %arg3[%add3A_184, %dma_wait3A_194] : memref<1356x128xi32, #tpu.memory_space<hbm>> -> memref<4x128xi32, #tpu.memory_space<hbm>>
        %dma_wait3A_196 = arith.constant 0 : i32
        %dma_wait3A_197 = tpu.memref_slice %arg3[%add3A_184, %dma_wait3A_196] : memref<1356x128xi32, #tpu.memory_space<hbm>> -> memref<4x128xi32, #tpu.memory_space<hbm>>
        tpu.wait_dma2 semaphore(%run_scoped3A : memref<!tpu.dma_semaphore, #tpu.memory_space<semaphore_mem>>) src(%dma_wait3A_197 : memref<4x128xi32, #tpu.memory_space<hbm>>) dst(%arg7 : memref<4x128xi32, #tpu.memory_space<vmem>>)
        tpu.yield
      }) : () -> ()
      %scan3A = arith.constant 0 : i32
      %scan3A_185 = arith.constant 0 : i32
      %scan3A_186 = arith.constant 2 : i32
      %scan3A_187 = arith.addi %scan3A_185, %scan3A_186 : i32
      %scan3A_188 = arith.constant 1 : i32
      scf.for %scan3A_190 = %scan3A_185 to %scan3A_187 step %scan3A_188  : i32 {
        %mul3A_191 = arith.constant 2 : i32
        %mul3A_192 = arith.muli %scan3A_190, %mul3A_191 : i32
        %add3A_193 = arith.constant 0 : i32
        %add3A_194 = arith.addi %mul3A_192, %add3A_193 : i32
        %dma_start3A_195 = arith.constant 0 : i32
        %dma_start3A_196 = tpu.memref_slice %arg7[%add3A_194, %dma_start3A_195] : memref<4x128xi32, #tpu.memory_space<vmem>> -> memref<1x128xi32, #tpu.memory_space<vmem>>
        %dma_start3A_197 = tpu.memref_squeeze %dma_start3A_196 : memref<1x128xi32, #tpu.memory_space<vmem>> -> memref<128xi32, #tpu.memory_space<vmem>>
        %dma_start3A_198 = arith.constant 0 : i32
        %dma_start3A_199 = arith.constant 0 : i32
        %dma_start3A_200 = tpu.memref_slice %arg2[%dma_start3A_198, %dma_start3A_199] : memref<10240x128xf32, #tpu.memory_space<hbm>> -> memref<10240x128xf32, #tpu.memory_space<hbm>>
        tpu.enqueue_indirect_dma source(%dma_start3A_200 : memref<10240x128xf32, #tpu.memory_space<hbm>>) target(%arg10 : memref<128x128xf32, #tpu.memory_space<vmem>>) offsets(%dma_start3A_197 : memref<128xi32, #tpu.memory_space<vmem>>) semaphore(%arg12 : memref<!tpu.dma_semaphore, #tpu.memory_space<semaphore_mem>>)
        %add3A_201 = arith.constant 1 : i32
        %add3A_202 = arith.addi %mul3A_192, %add3A_201 : i32
        %dma_start3A_203 = arith.constant 0 : i32
        %dma_start3A_204 = tpu.memref_slice %arg7[%add3A_202, %dma_start3A_203] : memref<4x128xi32, #tpu.memory_space<vmem>> -> memref<1x128xi32, #tpu.memory_space<vmem>>
        %dma_start3A_205 = tpu.memref_squeeze %dma_start3A_204 : memref<1x128xi32, #tpu.memory_space<vmem>> -> memref<128xi32, #tpu.memory_space<vmem>>
        %dma_start3A_206 = arith.constant 0 : i32
        %dma_start3A_207 = arith.constant 0 : i32
        %dma_start3A_208 = tpu.memref_slice %arg2[%dma_start3A_206, %dma_start3A_207] : memref<10240x128xf32, #tpu.memory_space<hbm>> -> memref<10240x128xf32, #tpu.memory_space<hbm>>
        tpu.enqueue_indirect_dma source(%dma_start3A_208 : memref<10240x128xf32, #tpu.memory_space<hbm>>) target(%arg11 : memref<128x128xf32, #tpu.memory_space<vmem>>) offsets(%dma_start3A_205 : memref<128xi32, #tpu.memory_space<vmem>>) semaphore(%arg13 : memref<!tpu.dma_semaphore, #tpu.memory_space<semaphore_mem>>)
        %dma_wait3A_209 = arith.constant 0 : i32
        %dma_wait3A_210 = tpu.memref_slice %arg7[%add3A_194, %dma_wait3A_209] : memref<4x128xi32, #tpu.memory_space<vmem>> -> memref<1x128xi32, #tpu.memory_space<vmem>>
        %dma_wait3A_211 = tpu.memref_squeeze %dma_wait3A_210 : memref<1x128xi32, #tpu.memory_space<vmem>> -> memref<128xi32, #tpu.memory_space<vmem>>
        %dma_wait3A_212 = arith.constant 0 : i32
        %dma_wait3A_213 = arith.constant 0 : i32
        %dma_wait3A_214 = tpu.memref_slice %arg2[%dma_wait3A_212, %dma_wait3A_213] : memref<10240x128xf32, #tpu.memory_space<hbm>> -> memref<10240x128xf32, #tpu.memory_space<hbm>>
        tpu.wait_indirect_dma semaphore(%arg12 : memref<!tpu.dma_semaphore, #tpu.memory_space<semaphore_mem>>) src(%dma_wait3A_214 : memref<10240x128xf32, #tpu.memory_space<hbm>>) dst(%arg10 : memref<128x128xf32, #tpu.memory_space<vmem>>)
        %add3A_215 = arith.constant 0 : i32
        %add3A_216 = arith.addi %mul3A_192, %add3A_215 : i32
        %dma_start3A_217 = arith.constant 0 : i32
        %dma_start3A_218 = tpu.memref_slice %arg8[%add3A_216, %dma_start3A_217] : memref<4x128xi32, #tpu.memory_space<vmem>> -> memref<1x128xi32, #tpu.memory_space<vmem>>
        %dma_start3A_219 = tpu.memref_squeeze %dma_start3A_218 : memref<1x128xi32, #tpu.memory_space<vmem>> -> memref<128xi32, #tpu.memory_space<vmem>>
        %dma_start3A_220 = arith.constant 0 : i32
        %dma_start3A_221 = arith.constant 0 : i32
        %dma_start3A_222 = tpu.memref_slice %arg9[%dma_start3A_220, %dma_start3A_221] : memref<10240x128xf32, #tpu.memory_space<vmem_shared>> -> memref<10240x128xf32, #tpu.memory_space<vmem_shared>>
        tpu.enqueue_indirect_dma source(%arg10 : memref<128x128xf32, #tpu.memory_space<vmem>>) target(%dma_start3A_222 : memref<10240x128xf32, #tpu.memory_space<vmem_shared>>) offsets(%dma_start3A_219 : memref<128xi32, #tpu.memory_space<vmem>>) semaphore(%arg14 : memref<!tpu.dma_semaphore, #tpu.memory_space<semaphore_mem>>) {add = true}
        %dma_wait3A_223 = arith.constant 0 : i32
        %dma_wait3A_224 = tpu.memref_slice %arg7[%add3A_202, %dma_wait3A_223] : memref<4x128xi32, #tpu.memory_space<vmem>> -> memref<1x128xi32, #tpu.memory_space<vmem>>
        %dma_wait3A_225 = tpu.memref_squeeze %dma_wait3A_224 : memref<1x128xi32, #tpu.memory_space<vmem>> -> memref<128xi32, #tpu.memory_space<vmem>>
        %dma_wait3A_226 = arith.constant 0 : i32
        %dma_wait3A_227 = arith.constant 0 : i32
        %dma_wait3A_228 = tpu.memref_slice %arg2[%dma_wait3A_226, %dma_wait3A_227] : memref<10240x128xf32, #tpu.memory_space<hbm>> -> memref<10240x128xf32, #tpu.memory_space<hbm>>
        tpu.wait_indirect_dma semaphore(%arg13 : memref<!tpu.dma_semaphore, #tpu.memory_space<semaphore_mem>>) src(%dma_wait3A_228 : memref<10240x128xf32, #tpu.memory_space<hbm>>) dst(%arg11 : memref<128x128xf32, #tpu.memory_space<vmem>>)
        %add3A_229 = arith.constant 1 : i32
        %add3A_230 = arith.addi %mul3A_192, %add3A_229 : i32
        %dma_start3A_231 = arith.constant 0 : i32
        %dma_start3A_232 = tpu.memref_slice %arg8[%add3A_230, %dma_start3A_231] : memref<4x128xi32, #tpu.memory_space<vmem>> -> memref<1x128xi32, #tpu.memory_space<vmem>>
        %dma_start3A_233 = tpu.memref_squeeze %dma_start3A_232 : memref<1x128xi32, #tpu.memory_space<vmem>> -> memref<128xi32, #tpu.memory_space<vmem>>
        %dma_start3A_234 = arith.constant 0 : i32
        %dma_start3A_235 = arith.constant 0 : i32
        %dma_start3A_236 = tpu.memref_slice %arg9[%dma_start3A_234, %dma_start3A_235] : memref<10240x128xf32, #tpu.memory_space<vmem_shared>> -> memref<10240x128xf32, #tpu.memory_space<vmem_shared>>
        tpu.enqueue_indirect_dma source(%arg11 : memref<128x128xf32, #tpu.memory_space<vmem>>) target(%dma_start3A_236 : memref<10240x128xf32, #tpu.memory_space<vmem_shared>>) offsets(%dma_start3A_233 : memref<128xi32, #tpu.memory_space<vmem>>) semaphore(%arg15 : memref<!tpu.dma_semaphore, #tpu.memory_space<semaphore_mem>>) {add = true}
        %dma_wait3A_237 = arith.constant 0 : i32
        %dma_wait3A_238 = tpu.memref_slice %arg8[%add3A_216, %dma_wait3A_237] : memref<4x128xi32, #tpu.memory_space<vmem>> -> memref<1x128xi32, #tpu.memory_space<vmem>>
        %dma_wait3A_239 = tpu.memref_squeeze %dma_wait3A_238 : memref<1x128xi32, #tpu.memory_space<vmem>> -> memref<128xi32, #tpu.memory_space<vmem>>
        %dma_wait3A_240 = arith.constant 0 : i32
        %dma_wait3A_241 = arith.constant 0 : i32
        %dma_wait3A_242 = tpu.memref_slice %arg9[%dma_wait3A_240, %dma_wait3A_241] : memref<10240x128xf32, #tpu.memory_space<vmem_shared>> -> memref<10240x128xf32, #tpu.memory_space<vmem_shared>>
        tpu.wait_indirect_dma semaphore(%arg14 : memref<!tpu.dma_semaphore, #tpu.memory_space<semaphore_mem>>) src(%arg10 : memref<128x128xf32, #tpu.memory_space<vmem>>) dst(%dma_wait3A_242 : memref<10240x128xf32, #tpu.memory_space<vmem_shared>>)
        %dma_wait3A_243 = arith.constant 0 : i32
        %dma_wait3A_244 = tpu.memref_slice %arg8[%add3A_230, %dma_wait3A_243] : memref<4x128xi32, #tpu.memory_space<vmem>> -> memref<1x128xi32, #tpu.memory_space<vmem>>
        %dma_wait3A_245 = tpu.memref_squeeze %dma_wait3A_244 : memref<1x128xi32, #tpu.memory_space<vmem>> -> memref<128xi32, #tpu.memory_space<vmem>>
        %dma_wait3A_246 = arith.constant 0 : i32
        %dma_wait3A_247 = arith.constant 0 : i32
        %dma_wait3A_248 = tpu.memref_slice %arg9[%dma_wait3A_246, %dma_wait3A_247] : memref<10240x128xf32, #tpu.memory_space<vmem_shared>> -> memref<10240x128xf32, #tpu.memory_space<vmem_shared>>
        tpu.wait_indirect_dma semaphore(%arg15 : memref<!tpu.dma_semaphore, #tpu.memory_space<semaphore_mem>>) src(%arg11 : memref<128x128xf32, #tpu.memory_space<vmem>>) dst(%dma_wait3A_248 : memref<10240x128xf32, #tpu.memory_space<vmem_shared>>)
      }
      %scan3A_189 = arith.constant 2 : i32
    }
    %while3A_53 = arith.constant 1 : i32
    scf.for %while3A_181 = %while3A_51 to %while3A_47 step %while3A_53  : i32 {
      %mul3A_182 = arith.constant 4 : i32
      %mul3A_183 = arith.muli %while3A_181, %mul3A_182 : i32
      %add3A_184 = arith.addi %select_n3A, %mul3A_183 : i32
      "tpu.region"() ({
        %run_scoped3A = tpu.sem_alloc : memref<!tpu.dma_semaphore, #tpu.memory_space<semaphore_mem>>
        %dma_start3A_190 = arith.constant 0 : i32
        %dma_start3A_191 = tpu.memref_slice %arg4[%add3A_184, %dma_start3A_190] : memref<1356x128xi32, #tpu.memory_space<hbm>> -> memref<4x128xi32, #tpu.memory_space<hbm>>
        %dma_start3A_192 = arith.constant 0 : i32
        %dma_start3A_193 = tpu.memref_slice %arg4[%add3A_184, %dma_start3A_192] : memref<1356x128xi32, #tpu.memory_space<hbm>> -> memref<4x128xi32, #tpu.memory_space<hbm>>
        tpu.enqueue_dma source(%dma_start3A_193 : memref<4x128xi32, #tpu.memory_space<hbm>>) target(%arg8 : memref<4x128xi32, #tpu.memory_space<vmem>>) target_semaphore(%run_scoped3A : memref<!tpu.dma_semaphore, #tpu.memory_space<semaphore_mem>>)
        %dma_wait3A_194 = arith.constant 0 : i32
        %dma_wait3A_195 = tpu.memref_slice %arg4[%add3A_184, %dma_wait3A_194] : memref<1356x128xi32, #tpu.memory_space<hbm>> -> memref<4x128xi32, #tpu.memory_space<hbm>>
        %dma_wait3A_196 = arith.constant 0 : i32
        %dma_wait3A_197 = tpu.memref_slice %arg4[%add3A_184, %dma_wait3A_196] : memref<1356x128xi32, #tpu.memory_space<hbm>> -> memref<4x128xi32, #tpu.memory_space<hbm>>
        tpu.wait_dma2 semaphore(%run_scoped3A : memref<!tpu.dma_semaphore, #tpu.memory_space<semaphore_mem>>) src(%dma_wait3A_197 : memref<4x128xi32, #tpu.memory_space<hbm>>) dst(%arg8 : memref<4x128xi32, #tpu.memory_space<vmem>>)
        tpu.yield
      }) : () -> ()
      "tpu.region"() ({
        %run_scoped3A = tpu.sem_alloc : memref<!tpu.dma_semaphore, #tpu.memory_space<semaphore_mem>>
        %dma_start3A_190 = arith.constant 0 : i32
        %dma_start3A_191 = tpu.memref_slice %arg3[%add3A_184, %dma_start3A_190] : memref<1356x128xi32, #tpu.memory_space<hbm>> -> memref<4x128xi32, #tpu.memory_space<hbm>>
        %dma_start3A_192 = arith.constant 0 : i32
        %dma_start3A_193 = tpu.memref_slice %arg3[%add3A_184, %dma_start3A_192] : memref<1356x128xi32, #tpu.memory_space<hbm>> -> memref<4x128xi32, #tpu.memory_space<hbm>>
        tpu.enqueue_dma source(%dma_start3A_193 : memref<4x128xi32, #tpu.memory_space<hbm>>) target(%arg7 : memref<4x128xi32, #tpu.memory_space<vmem>>) target_semaphore(%run_scoped3A : memref<!tpu.dma_semaphore, #tpu.memory_space<semaphore_mem>>)
        %dma_wait3A_194 = arith.constant 0 : i32
        %dma_wait3A_195 = tpu.memref_slice %arg3[%add3A_184, %dma_wait3A_194] : memref<1356x128xi32, #tpu.memory_space<hbm>> -> memref<4x128xi32, #tpu.memory_space<hbm>>
        %dma_wait3A_196 = arith.constant 0 : i32
        %dma_wait3A_197 = tpu.memref_slice %arg3[%add3A_184, %dma_wait3A_196] : memref<1356x128xi32, #tpu.memory_space<hbm>> -> memref<4x128xi32, #tpu.memory_space<hbm>>
        tpu.wait_dma2 semaphore(%run_scoped3A : memref<!tpu.dma_semaphore, #tpu.memory_space<semaphore_mem>>) src(%dma_wait3A_197 : memref<4x128xi32, #tpu.memory_space<hbm>>) dst(%arg7 : memref<4x128xi32, #tpu.memory_space<vmem>>)
        tpu.yield
      }) : () -> ()
      %scan3A = arith.constant 0 : i32
      %scan3A_185 = arith.constant 0 : i32
      %scan3A_186 = arith.constant 2 : i32
      %scan3A_187 = arith.addi %scan3A_185, %scan3A_186 : i32
      %scan3A_188 = arith.constant 1 : i32
      scf.for %scan3A_190 = %scan3A_185 to %scan3A_187 step %scan3A_188  : i32 {
        %mul3A_191 = arith.constant 2 : i32
        %mul3A_192 = arith.muli %scan3A_190, %mul3A_191 : i32
        %add3A_193 = arith.constant 0 : i32
        %add3A_194 = arith.addi %mul3A_192, %add3A_193 : i32
        %dma_start3A_195 = arith.constant 0 : i32
        %dma_start3A_196 = tpu.memref_slice %arg7[%add3A_194, %dma_start3A_195] : memref<4x128xi32, #tpu.memory_space<vmem>> -> memref<1x128xi32, #tpu.memory_space<vmem>>
        %dma_start3A_197 = tpu.memref_squeeze %dma_start3A_196 : memref<1x128xi32, #tpu.memory_space<vmem>> -> memref<128xi32, #tpu.memory_space<vmem>>
        %dma_start3A_198 = arith.constant 0 : i32
        %dma_start3A_199 = arith.constant 0 : i32
        %dma_start3A_200 = tpu.memref_slice %arg2[%dma_start3A_198, %dma_start3A_199] : memref<10240x128xf32, #tpu.memory_space<hbm>> -> memref<10240x128xf32, #tpu.memory_space<hbm>>
        tpu.enqueue_indirect_dma source(%dma_start3A_200 : memref<10240x128xf32, #tpu.memory_space<hbm>>) target(%arg10 : memref<128x128xf32, #tpu.memory_space<vmem>>) offsets(%dma_start3A_197 : memref<128xi32, #tpu.memory_space<vmem>>) semaphore(%arg12 : memref<!tpu.dma_semaphore, #tpu.memory_space<semaphore_mem>>)
        %add3A_201 = arith.constant 1 : i32
        %add3A_202 = arith.addi %mul3A_192, %add3A_201 : i32
        %dma_start3A_203 = arith.constant 0 : i32
        %dma_start3A_204 = tpu.memref_slice %arg7[%add3A_202, %dma_start3A_203] : memref<4x128xi32, #tpu.memory_space<vmem>> -> memref<1x128xi32, #tpu.memory_space<vmem>>
        %dma_start3A_205 = tpu.memref_squeeze %dma_start3A_204 : memref<1x128xi32, #tpu.memory_space<vmem>> -> memref<128xi32, #tpu.memory_space<vmem>>
        %dma_start3A_206 = arith.constant 0 : i32
        %dma_start3A_207 = arith.constant 0 : i32
        %dma_start3A_208 = tpu.memref_slice %arg2[%dma_start3A_206, %dma_start3A_207] : memref<10240x128xf32, #tpu.memory_space<hbm>> -> memref<10240x128xf32, #tpu.memory_space<hbm>>
        tpu.enqueue_indirect_dma source(%dma_start3A_208 : memref<10240x128xf32, #tpu.memory_space<hbm>>) target(%arg11 : memref<128x128xf32, #tpu.memory_space<vmem>>) offsets(%dma_start3A_205 : memref<128xi32, #tpu.memory_space<vmem>>) semaphore(%arg13 : memref<!tpu.dma_semaphore, #tpu.memory_space<semaphore_mem>>)
        %dma_wait3A_209 = arith.constant 0 : i32
        %dma_wait3A_210 = tpu.memref_slice %arg7[%add3A_194, %dma_wait3A_209] : memref<4x128xi32, #tpu.memory_space<vmem>> -> memref<1x128xi32, #tpu.memory_space<vmem>>
        %dma_wait3A_211 = tpu.memref_squeeze %dma_wait3A_210 : memref<1x128xi32, #tpu.memory_space<vmem>> -> memref<128xi32, #tpu.memory_space<vmem>>
        %dma_wait3A_212 = arith.constant 0 : i32
        %dma_wait3A_213 = arith.constant 0 : i32
        %dma_wait3A_214 = tpu.memref_slice %arg2[%dma_wait3A_212, %dma_wait3A_213] : memref<10240x128xf32, #tpu.memory_space<hbm>> -> memref<10240x128xf32, #tpu.memory_space<hbm>>
        tpu.wait_indirect_dma semaphore(%arg12 : memref<!tpu.dma_semaphore, #tpu.memory_space<semaphore_mem>>) src(%dma_wait3A_214 : memref<10240x128xf32, #tpu.memory_space<hbm>>) dst(%arg10 : memref<128x128xf32, #tpu.memory_space<vmem>>)
        %add3A_215 = arith.constant 0 : i32
        %add3A_216 = arith.addi %mul3A_192, %add3A_215 : i32
        %dma_start3A_217 = arith.constant 0 : i32
        %dma_start3A_218 = tpu.memref_slice %arg8[%add3A_216, %dma_start3A_217] : memref<4x128xi32, #tpu.memory_space<vmem>> -> memref<1x128xi32, #tpu.memory_space<vmem>>
        %dma_start3A_219 = tpu.memref_squeeze %dma_start3A_218 : memref<1x128xi32, #tpu.memory_space<vmem>> -> memref<128xi32, #tpu.memory_space<vmem>>
        %dma_start3A_220 = arith.constant 0 : i32
        %dma_start3A_221 = arith.constant 0 : i32
        %dma_start3A_222 = tpu.memref_slice %arg9[%dma_start3A_220, %dma_start3A_221] : memref<10240x128xf32, #tpu.memory_space<vmem_shared>> -> memref<10240x128xf32, #tpu.memory_space<vmem_shared>>
        tpu.enqueue_indirect_dma source(%arg10 : memref<128x128xf32, #tpu.memory_space<vmem>>) target(%dma_start3A_222 : memref<10240x128xf32, #tpu.memory_space<vmem_shared>>) offsets(%dma_start3A_219 : memref<128xi32, #tpu.memory_space<vmem>>) semaphore(%arg14 : memref<!tpu.dma_semaphore, #tpu.memory_space<semaphore_mem>>) {add = true}
        %dma_wait3A_223 = arith.constant 0 : i32
        %dma_wait3A_224 = tpu.memref_slice %arg7[%add3A_202, %dma_wait3A_223] : memref<4x128xi32, #tpu.memory_space<vmem>> -> memref<1x128xi32, #tpu.memory_space<vmem>>
        %dma_wait3A_225 = tpu.memref_squeeze %dma_wait3A_224 : memref<1x128xi32, #tpu.memory_space<vmem>> -> memref<128xi32, #tpu.memory_space<vmem>>
        %dma_wait3A_226 = arith.constant 0 : i32
        %dma_wait3A_227 = arith.constant 0 : i32
        %dma_wait3A_228 = tpu.memref_slice %arg2[%dma_wait3A_226, %dma_wait3A_227] : memref<10240x128xf32, #tpu.memory_space<hbm>> -> memref<10240x128xf32, #tpu.memory_space<hbm>>
        tpu.wait_indirect_dma semaphore(%arg13 : memref<!tpu.dma_semaphore, #tpu.memory_space<semaphore_mem>>) src(%dma_wait3A_228 : memref<10240x128xf32, #tpu.memory_space<hbm>>) dst(%arg11 : memref<128x128xf32, #tpu.memory_space<vmem>>)
        %add3A_229 = arith.constant 1 : i32
        %add3A_230 = arith.addi %mul3A_192, %add3A_229 : i32
        %dma_start3A_231 = arith.constant 0 : i32
        %dma_start3A_232 = tpu.memref_slice %arg8[%add3A_230, %dma_start3A_231] : memref<4x128xi32, #tpu.memory_space<vmem>> -> memref<1x128xi32, #tpu.memory_space<vmem>>
        %dma_start3A_233 = tpu.memref_squeeze %dma_start3A_232 : memref<1x128xi32, #tpu.memory_space<vmem>> -> memref<128xi32, #tpu.memory_space<vmem>>
        %dma_start3A_234 = arith.constant 0 : i32
        %dma_start3A_235 = arith.constant 0 : i32
        %dma_start3A_236 = tpu.memref_slice %arg9[%dma_start3A_234, %dma_start3A_235] : memref<10240x128xf32, #tpu.memory_space<vmem_shared>> -> memref<10240x128xf32, #tpu.memory_space<vmem_shared>>
        tpu.enqueue_indirect_dma source(%arg11 : memref<128x128xf32, #tpu.memory_space<vmem>>) target(%dma_start3A_236 : memref<10240x128xf32, #tpu.memory_space<vmem_shared>>) offsets(%dma_start3A_233 : memref<128xi32, #tpu.memory_space<vmem>>) semaphore(%arg15 : memref<!tpu.dma_semaphore, #tpu.memory_space<semaphore_mem>>) {add = true}
        %dma_wait3A_237 = arith.constant 0 : i32
        %dma_wait3A_238 = tpu.memref_slice %arg8[%add3A_216, %dma_wait3A_237] : memref<4x128xi32, #tpu.memory_space<vmem>> -> memref<1x128xi32, #tpu.memory_space<vmem>>
        %dma_wait3A_239 = tpu.memref_squeeze %dma_wait3A_238 : memref<1x128xi32, #tpu.memory_space<vmem>> -> memref<128xi32, #tpu.memory_space<vmem>>
        %dma_wait3A_240 = arith.constant 0 : i32
        %dma_wait3A_241 = arith.constant 0 : i32
        %dma_wait3A_242 = tpu.memref_slice %arg9[%dma_wait3A_240, %dma_wait3A_241] : memref<10240x128xf32, #tpu.memory_space<vmem_shared>> -> memref<10240x128xf32, #tpu.memory_space<vmem_shared>>
        tpu.wait_indirect_dma semaphore(%arg14 : memref<!tpu.dma_semaphore, #tpu.memory_space<semaphore_mem>>) src(%arg10 : memref<128x128xf32, #tpu.memory_space<vmem>>) dst(%dma_wait3A_242 : memref<10240x128xf32, #tpu.memory_space<vmem_shared>>)
        %dma_wait3A_243 = arith.constant 0 : i32
        %dma_wait3A_244 = tpu.memref_slice %arg8[%add3A_230, %dma_wait3A_243] : memref<4x128xi32, #tpu.memory_space<vmem>> -> memref<1x128xi32, #tpu.memory_space<vmem>>
        %dma_wait3A_245 = tpu.memref_squeeze %dma_wait3A_244 : memref<1x128xi32, #tpu.memory_space<vmem>> -> memref<128xi32, #tpu.memory_space<vmem>>
        %dma_wait3A_246 = arith.constant 0 : i32
        %dma_wait3A_247 = arith.constant 0 : i32
        %dma_wait3A_248 = tpu.memref_slice %arg9[%dma_wait3A_246, %dma_wait3A_247] : memref<10240x128xf32, #tpu.memory_space<vmem_shared>> -> memref<10240x128xf32, #tpu.memory_space<vmem_shared>>
        tpu.wait_indirect_dma semaphore(%arg15 : memref<!tpu.dma_semaphore, #tpu.memory_space<semaphore_mem>>) src(%arg11 : memref<128x128xf32, #tpu.memory_space<vmem>>) dst(%dma_wait3A_248 : memref<10240x128xf32, #tpu.memory_space<vmem_shared>>)
      }
      %scan3A_189 = arith.constant 2 : i32
    }
    %barrier3A_54 = arith.constant 0 : index
    tpu.barrier barrier_id(%barrier3A_54)
    %mul3A_55 = arith.constant 10240 : i32
    %mul3A_56 = arith.muli %arg0, %mul3A_55 : i32
    %mul3A_57 = arith.constant 640 : i32
    %mul3A_58 = arith.muli %arg1, %mul3A_57 : i32
    %add3A_59 = arith.addi %mul3A_56, %mul3A_58 : i32
    %multiple_of3A_60 = tpu.assume_multiple %add3A_59, 128 : i32
    %mul3A_61 = arith.constant 640 : i32
    %mul3A_62 = arith.muli %arg1, %mul3A_61 : i32
    %add3A_63 = arith.constant 0 : i32
    %add3A_64 = arith.addi %mul3A_62, %add3A_63 : i32
    %multiple_of3A_65 = tpu.assume_multiple %add3A_64, 128 : i32
    %dma_start3A_66 = arith.constant 0 : i32
    %dma_start3A_67 = tpu.memref_slice %arg9[%multiple_of3A_65, %dma_start3A_66] : memref<10240x128xf32, #tpu.memory_space<vmem_shared>> -> memref<128x128xf32, #tpu.memory_space<vmem_shared>>
    %dma_start3A_68 = arith.constant 0 : i32
    %dma_start3A_69 = tpu.memref_slice %arg9[%multiple_of3A_65, %dma_start3A_68] : memref<10240x128xf32, #tpu.memory_space<vmem_shared>> -> memref<128x128xf32, #tpu.memory_space<vmem_shared>>
    tpu.enqueue_dma source(%dma_start3A_69 : memref<128x128xf32, #tpu.memory_space<vmem_shared>>) target(%arg10 : memref<128x128xf32, #tpu.memory_space<vmem>>) target_semaphore(%arg12 : memref<!tpu.dma_semaphore, #tpu.memory_space<semaphore_mem>>)
    %mul3A_70 = arith.constant 640 : i32
    %mul3A_71 = arith.muli %arg1, %mul3A_70 : i32
    %add3A_72 = arith.constant 128 : i32
    %add3A_73 = arith.addi %mul3A_71, %add3A_72 : i32
    %multiple_of3A_74 = tpu.assume_multiple %add3A_73, 128 : i32
    %dma_start3A_75 = arith.constant 0 : i32
    %dma_start3A_76 = tpu.memref_slice %arg9[%multiple_of3A_74, %dma_start3A_75] : memref<10240x128xf32, #tpu.memory_space<vmem_shared>> -> memref<128x128xf32, #tpu.memory_space<vmem_shared>>
    %dma_start3A_77 = arith.constant 0 : i32
    %dma_start3A_78 = tpu.memref_slice %arg9[%multiple_of3A_74, %dma_start3A_77] : memref<10240x128xf32, #tpu.memory_space<vmem_shared>> -> memref<128x128xf32, #tpu.memory_space<vmem_shared>>
    tpu.enqueue_dma source(%dma_start3A_78 : memref<128x128xf32, #tpu.memory_space<vmem_shared>>) target(%arg11 : memref<128x128xf32, #tpu.memory_space<vmem>>) target_semaphore(%arg13 : memref<!tpu.dma_semaphore, #tpu.memory_space<semaphore_mem>>)
    %dma_wait3A_79 = arith.constant 0 : i32
    %dma_wait3A_80 = tpu.memref_slice %arg9[%multiple_of3A_65, %dma_wait3A_79] : memref<10240x128xf32, #tpu.memory_space<vmem_shared>> -> memref<128x128xf32, #tpu.memory_space<vmem_shared>>
    %dma_wait3A_81 = arith.constant 0 : i32
    %dma_wait3A_82 = tpu.memref_slice %arg9[%multiple_of3A_65, %dma_wait3A_81] : memref<10240x128xf32, #tpu.memory_space<vmem_shared>> -> memref<128x128xf32, #tpu.memory_space<vmem_shared>>
    tpu.wait_dma2 semaphore(%arg12 : memref<!tpu.dma_semaphore, #tpu.memory_space<semaphore_mem>>) src(%dma_wait3A_82 : memref<128x128xf32, #tpu.memory_space<vmem_shared>>) dst(%arg10 : memref<128x128xf32, #tpu.memory_space<vmem>>)
    %add3A_83 = arith.constant 0 : i32
    %add3A_84 = arith.addi %multiple_of3A_60, %add3A_83 : i32
    %multiple_of3A_85 = tpu.assume_multiple %add3A_84, 128 : i32
    %dma_start3A_86 = arith.constant 0 : i32
    %dma_start3A_87 = tpu.memref_slice %arg6[%multiple_of3A_85, %dma_start3A_86] : memref<20480x128xf32, #tpu.memory_space<hbm>> -> memref<128x128xf32, #tpu.memory_space<hbm>>
    %dma_start3A_88 = arith.constant 0 : i32
    %dma_start3A_89 = tpu.memref_slice %arg6[%multiple_of3A_85, %dma_start3A_88] : memref<20480x128xf32, #tpu.memory_space<hbm>> -> memref<128x128xf32, #tpu.memory_space<hbm>>
    tpu.enqueue_dma source(%arg10 : memref<128x128xf32, #tpu.memory_space<vmem>>) target(%dma_start3A_89 : memref<128x128xf32, #tpu.memory_space<hbm>>) target_semaphore(%arg14 : memref<!tpu.dma_semaphore, #tpu.memory_space<semaphore_mem>>)
    %dma_wait3A_90 = arith.constant 0 : i32
    %dma_wait3A_91 = tpu.memref_slice %arg9[%multiple_of3A_74, %dma_wait3A_90] : memref<10240x128xf32, #tpu.memory_space<vmem_shared>> -> memref<128x128xf32, #tpu.memory_space<vmem_shared>>
    %dma_wait3A_92 = arith.constant 0 : i32
    %dma_wait3A_93 = tpu.memref_slice %arg9[%multiple_of3A_74, %dma_wait3A_92] : memref<10240x128xf32, #tpu.memory_space<vmem_shared>> -> memref<128x128xf32, #tpu.memory_space<vmem_shared>>
    tpu.wait_dma2 semaphore(%arg13 : memref<!tpu.dma_semaphore, #tpu.memory_space<semaphore_mem>>) src(%dma_wait3A_93 : memref<128x128xf32, #tpu.memory_space<vmem_shared>>) dst(%arg11 : memref<128x128xf32, #tpu.memory_space<vmem>>)
    %add3A_94 = arith.constant 128 : i32
    %add3A_95 = arith.addi %multiple_of3A_60, %add3A_94 : i32
    %multiple_of3A_96 = tpu.assume_multiple %add3A_95, 128 : i32
    %dma_start3A_97 = arith.constant 0 : i32
    %dma_start3A_98 = tpu.memref_slice %arg6[%multiple_of3A_96, %dma_start3A_97] : memref<20480x128xf32, #tpu.memory_space<hbm>> -> memref<128x128xf32, #tpu.memory_space<hbm>>
    %dma_start3A_99 = arith.constant 0 : i32
    %dma_start3A_100 = tpu.memref_slice %arg6[%multiple_of3A_96, %dma_start3A_99] : memref<20480x128xf32, #tpu.memory_space<hbm>> -> memref<128x128xf32, #tpu.memory_space<hbm>>
    tpu.enqueue_dma source(%arg11 : memref<128x128xf32, #tpu.memory_space<vmem>>) target(%dma_start3A_100 : memref<128x128xf32, #tpu.memory_space<hbm>>) target_semaphore(%arg15 : memref<!tpu.dma_semaphore, #tpu.memory_space<semaphore_mem>>)
    %dma_wait3A_101 = arith.constant 0 : i32
    %dma_wait3A_102 = tpu.memref_slice %arg6[%multiple_of3A_85, %dma_wait3A_101] : memref<20480x128xf32, #tpu.memory_space<hbm>> -> memref<128x128xf32, #tpu.memory_space<hbm>>
    %dma_wait3A_103 = arith.constant 0 : i32
    %dma_wait3A_104 = tpu.memref_slice %arg6[%multiple_of3A_85, %dma_wait3A_103] : memref<20480x128xf32, #tpu.memory_space<hbm>> -> memref<128x128xf32, #tpu.memory_space<hbm>>
    tpu.wait_dma2 semaphore(%arg14 : memref<!tpu.dma_semaphore, #tpu.memory_space<semaphore_mem>>) src(%arg10 : memref<128x128xf32, #tpu.memory_space<vmem>>) dst(%dma_wait3A_104 : memref<128x128xf32, #tpu.memory_space<hbm>>)
    %mul3A_105 = arith.constant 640 : i32
    %mul3A_106 = arith.muli %arg1, %mul3A_105 : i32
    %add3A_107 = arith.constant 256 : i32
    %add3A_108 = arith.addi %mul3A_106, %add3A_107 : i32
    %multiple_of3A_109 = tpu.assume_multiple %add3A_108, 128 : i32
    %dma_start3A_110 = arith.constant 0 : i32
    %dma_start3A_111 = tpu.memref_slice %arg9[%multiple_of3A_109, %dma_start3A_110] : memref<10240x128xf32, #tpu.memory_space<vmem_shared>> -> memref<128x128xf32, #tpu.memory_space<vmem_shared>>
    %dma_start3A_112 = arith.constant 0 : i32
    %dma_start3A_113 = tpu.memref_slice %arg9[%multiple_of3A_109, %dma_start3A_112] : memref<10240x128xf32, #tpu.memory_space<vmem_shared>> -> memref<128x128xf32, #tpu.memory_space<vmem_shared>>
    tpu.enqueue_dma source(%dma_start3A_113 : memref<128x128xf32, #tpu.memory_space<vmem_shared>>) target(%arg10 : memref<128x128xf32, #tpu.memory_space<vmem>>) target_semaphore(%arg12 : memref<!tpu.dma_semaphore, #tpu.memory_space<semaphore_mem>>)
    %dma_wait3A_114 = arith.constant 0 : i32
    %dma_wait3A_115 = tpu.memref_slice %arg9[%multiple_of3A_109, %dma_wait3A_114] : memref<10240x128xf32, #tpu.memory_space<vmem_shared>> -> memref<128x128xf32, #tpu.memory_space<vmem_shared>>
    %dma_wait3A_116 = arith.constant 0 : i32
    %dma_wait3A_117 = tpu.memref_slice %arg9[%multiple_of3A_109, %dma_wait3A_116] : memref<10240x128xf32, #tpu.memory_space<vmem_shared>> -> memref<128x128xf32, #tpu.memory_space<vmem_shared>>
    tpu.wait_dma2 semaphore(%arg12 : memref<!tpu.dma_semaphore, #tpu.memory_space<semaphore_mem>>) src(%dma_wait3A_117 : memref<128x128xf32, #tpu.memory_space<vmem_shared>>) dst(%arg10 : memref<128x128xf32, #tpu.memory_space<vmem>>)
    %add3A_118 = arith.constant 256 : i32
    %add3A_119 = arith.addi %multiple_of3A_60, %add3A_118 : i32
    %multiple_of3A_120 = tpu.assume_multiple %add3A_119, 128 : i32
    %dma_start3A_121 = arith.constant 0 : i32
    %dma_start3A_122 = tpu.memref_slice %arg6[%multiple_of3A_120, %dma_start3A_121] : memref<20480x128xf32, #tpu.memory_space<hbm>> -> memref<128x128xf32, #tpu.memory_space<hbm>>
    %dma_start3A_123 = arith.constant 0 : i32
    %dma_start3A_124 = tpu.memref_slice %arg6[%multiple_of3A_120, %dma_start3A_123] : memref<20480x128xf32, #tpu.memory_space<hbm>> -> memref<128x128xf32, #tpu.memory_space<hbm>>
    tpu.enqueue_dma source(%arg10 : memref<128x128xf32, #tpu.memory_space<vmem>>) target(%dma_start3A_124 : memref<128x128xf32, #tpu.memory_space<hbm>>) target_semaphore(%arg14 : memref<!tpu.dma_semaphore, #tpu.memory_space<semaphore_mem>>)
    %dma_wait3A_125 = arith.constant 0 : i32
    %dma_wait3A_126 = tpu.memref_slice %arg6[%multiple_of3A_96, %dma_wait3A_125] : memref<20480x128xf32, #tpu.memory_space<hbm>> -> memref<128x128xf32, #tpu.memory_space<hbm>>
    %dma_wait3A_127 = arith.constant 0 : i32
    %dma_wait3A_128 = tpu.memref_slice %arg6[%multiple_of3A_96, %dma_wait3A_127] : memref<20480x128xf32, #tpu.memory_space<hbm>> -> memref<128x128xf32, #tpu.memory_space<hbm>>
    tpu.wait_dma2 semaphore(%arg15 : memref<!tpu.dma_semaphore, #tpu.memory_space<semaphore_mem>>) src(%arg11 : memref<128x128xf32, #tpu.memory_space<vmem>>) dst(%dma_wait3A_128 : memref<128x128xf32, #tpu.memory_space<hbm>>)
    %mul3A_129 = arith.constant 640 : i32
    %mul3A_130 = arith.muli %arg1, %mul3A_129 : i32
    %add3A_131 = arith.constant 384 : i32
    %add3A_132 = arith.addi %mul3A_130, %add3A_131 : i32
    %multiple_of3A_133 = tpu.assume_multiple %add3A_132, 128 : i32
    %dma_start3A_134 = arith.constant 0 : i32
    %dma_start3A_135 = tpu.memref_slice %arg9[%multiple_of3A_133, %dma_start3A_134] : memref<10240x128xf32, #tpu.memory_space<vmem_shared>> -> memref<128x128xf32, #tpu.memory_space<vmem_shared>>
    %dma_start3A_136 = arith.constant 0 : i32
    %dma_start3A_137 = tpu.memref_slice %arg9[%multiple_of3A_133, %dma_start3A_136] : memref<10240x128xf32, #tpu.memory_space<vmem_shared>> -> memref<128x128xf32, #tpu.memory_space<vmem_shared>>
    tpu.enqueue_dma source(%dma_start3A_137 : memref<128x128xf32, #tpu.memory_space<vmem_shared>>) target(%arg11 : memref<128x128xf32, #tpu.memory_space<vmem>>) target_semaphore(%arg13 : memref<!tpu.dma_semaphore, #tpu.memory_space<semaphore_mem>>)
    %dma_wait3A_138 = arith.constant 0 : i32
    %dma_wait3A_139 = tpu.memref_slice %arg9[%multiple_of3A_133, %dma_wait3A_138] : memref<10240x128xf32, #tpu.memory_space<vmem_shared>> -> memref<128x128xf32, #tpu.memory_space<vmem_shared>>
    %dma_wait3A_140 = arith.constant 0 : i32
    %dma_wait3A_141 = tpu.memref_slice %arg9[%multiple_of3A_133, %dma_wait3A_140] : memref<10240x128xf32, #tpu.memory_space<vmem_shared>> -> memref<128x128xf32, #tpu.memory_space<vmem_shared>>
    tpu.wait_dma2 semaphore(%arg13 : memref<!tpu.dma_semaphore, #tpu.memory_space<semaphore_mem>>) src(%dma_wait3A_141 : memref<128x128xf32, #tpu.memory_space<vmem_shared>>) dst(%arg11 : memref<128x128xf32, #tpu.memory_space<vmem>>)
    %add3A_142 = arith.constant 384 : i32
    %add3A_143 = arith.addi %multiple_of3A_60, %add3A_142 : i32
    %multiple_of3A_144 = tpu.assume_multiple %add3A_143, 128 : i32
    %dma_start3A_145 = arith.constant 0 : i32
    %dma_start3A_146 = tpu.memref_slice %arg6[%multiple_of3A_144, %dma_start3A_145] : memref<20480x128xf32, #tpu.memory_space<hbm>> -> memref<128x128xf32, #tpu.memory_space<hbm>>
    %dma_start3A_147 = arith.constant 0 : i32
    %dma_start3A_148 = tpu.memref_slice %arg6[%multiple_of3A_144, %dma_start3A_147] : memref<20480x128xf32, #tpu.memory_space<hbm>> -> memref<128x128xf32, #tpu.memory_space<hbm>>
    tpu.enqueue_dma source(%arg11 : memref<128x128xf32, #tpu.memory_space<vmem>>) target(%dma_start3A_148 : memref<128x128xf32, #tpu.memory_space<hbm>>) target_semaphore(%arg15 : memref<!tpu.dma_semaphore, #tpu.memory_space<semaphore_mem>>)
    %dma_wait3A_149 = arith.constant 0 : i32
    %dma_wait3A_150 = tpu.memref_slice %arg6[%multiple_of3A_120, %dma_wait3A_149] : memref<20480x128xf32, #tpu.memory_space<hbm>> -> memref<128x128xf32, #tpu.memory_space<hbm>>
    %dma_wait3A_151 = arith.constant 0 : i32
    %dma_wait3A_152 = tpu.memref_slice %arg6[%multiple_of3A_120, %dma_wait3A_151] : memref<20480x128xf32, #tpu.memory_space<hbm>> -> memref<128x128xf32, #tpu.memory_space<hbm>>
    tpu.wait_dma2 semaphore(%arg14 : memref<!tpu.dma_semaphore, #tpu.memory_space<semaphore_mem>>) src(%arg10 : memref<128x128xf32, #tpu.memory_space<vmem>>) dst(%dma_wait3A_152 : memref<128x128xf32, #tpu.memory_space<hbm>>)
    %mul3A_153 = arith.constant 640 : i32
    %mul3A_154 = arith.muli %arg1, %mul3A_153 : i32
    %add3A_155 = arith.constant 512 : i32
    %add3A_156 = arith.addi %mul3A_154, %add3A_155 : i32
    %multiple_of3A_157 = tpu.assume_multiple %add3A_156, 128 : i32
    %dma_start3A_158 = arith.constant 0 : i32
    %dma_start3A_159 = tpu.memref_slice %arg9[%multiple_of3A_157, %dma_start3A_158] : memref<10240x128xf32, #tpu.memory_space<vmem_shared>> -> memref<128x128xf32, #tpu.memory_space<vmem_shared>>
    %dma_start3A_160 = arith.constant 0 : i32
    %dma_start3A_161 = tpu.memref_slice %arg9[%multiple_of3A_157, %dma_start3A_160] : memref<10240x128xf32, #tpu.memory_space<vmem_shared>> -> memref<128x128xf32, #tpu.memory_space<vmem_shared>>
    tpu.enqueue_dma source(%dma_start3A_161 : memref<128x128xf32, #tpu.memory_space<vmem_shared>>) target(%arg10 : memref<128x128xf32, #tpu.memory_space<vmem>>) target_semaphore(%arg12 : memref<!tpu.dma_semaphore, #tpu.memory_space<semaphore_mem>>)
    %dma_wait3A_162 = arith.constant 0 : i32
    %dma_wait3A_163 = tpu.memref_slice %arg9[%multiple_of3A_157, %dma_wait3A_162] : memref<10240x128xf32, #tpu.memory_space<vmem_shared>> -> memref<128x128xf32, #tpu.memory_space<vmem_shared>>
    %dma_wait3A_164 = arith.constant 0 : i32
    %dma_wait3A_165 = tpu.memref_slice %arg9[%multiple_of3A_157, %dma_wait3A_164] : memref<10240x128xf32, #tpu.memory_space<vmem_shared>> -> memref<128x128xf32, #tpu.memory_space<vmem_shared>>
    tpu.wait_dma2 semaphore(%arg12 : memref<!tpu.dma_semaphore, #tpu.memory_space<semaphore_mem>>) src(%dma_wait3A_165 : memref<128x128xf32, #tpu.memory_space<vmem_shared>>) dst(%arg10 : memref<128x128xf32, #tpu.memory_space<vmem>>)
    %add3A_166 = arith.constant 512 : i32
    %add3A_167 = arith.addi %multiple_of3A_60, %add3A_166 : i32
    %multiple_of3A_168 = tpu.assume_multiple %add3A_167, 128 : i32
    %dma_start3A_169 = arith.constant 0 : i32
    %dma_start3A_170 = tpu.memref_slice %arg6[%multiple_of3A_168, %dma_start3A_169] : memref<20480x128xf32, #tpu.memory_space<hbm>> -> memref<128x128xf32, #tpu.memory_space<hbm>>
    %dma_start3A_171 = arith.constant 0 : i32
    %dma_start3A_172 = tpu.memref_slice %arg6[%multiple_of3A_168, %dma_start3A_171] : memref<20480x128xf32, #tpu.memory_space<hbm>> -> memref<128x128xf32, #tpu.memory_space<hbm>>
    tpu.enqueue_dma source(%arg10 : memref<128x128xf32, #tpu.memory_space<vmem>>) target(%dma_start3A_172 : memref<128x128xf32, #tpu.memory_space<hbm>>) target_semaphore(%arg14 : memref<!tpu.dma_semaphore, #tpu.memory_space<semaphore_mem>>)
    %dma_wait3A_173 = arith.constant 0 : i32
    %dma_wait3A_174 = tpu.memref_slice %arg6[%multiple_of3A_144, %dma_wait3A_173] : memref<20480x128xf32, #tpu.memory_space<hbm>> -> memref<128x128xf32, #tpu.memory_space<hbm>>
    %dma_wait3A_175 = arith.constant 0 : i32
    %dma_wait3A_176 = tpu.memref_slice %arg6[%multiple_of3A_144, %dma_wait3A_175] : memref<20480x128xf32, #tpu.memory_space<hbm>> -> memref<128x128xf32, #tpu.memory_space<hbm>>
    tpu.wait_dma2 semaphore(%arg15 : memref<!tpu.dma_semaphore, #tpu.memory_space<semaphore_mem>>) src(%arg11 : memref<128x128xf32, #tpu.memory_space<vmem>>) dst(%dma_wait3A_176 : memref<128x128xf32, #tpu.memory_space<hbm>>)
    %dma_wait3A_177 = arith.constant 0 : i32
    %dma_wait3A_178 = tpu.memref_slice %arg6[%multiple_of3A_168, %dma_wait3A_177] : memref<20480x128xf32, #tpu.memory_space<hbm>> -> memref<128x128xf32, #tpu.memory_space<hbm>>
    %dma_wait3A_179 = arith.constant 0 : i32
    %dma_wait3A_180 = tpu.memref_slice %arg6[%multiple_of3A_168, %dma_wait3A_179] : memref<20480x128xf32, #tpu.memory_space<hbm>> -> memref<128x128xf32, #tpu.memory_space<hbm>>
    tpu.wait_dma2 semaphore(%arg14 : memref<!tpu.dma_semaphore, #tpu.memory_space<semaphore_mem>>) src(%arg10 : memref<128x128xf32, #tpu.memory_space<vmem>>) dst(%dma_wait3A_180 : memref<128x128xf32, #tpu.memory_space<hbm>>)
    return
  }
}

#map = affine_map<(d0, d1) -> (0, 0)>
module attributes {stable_mosaic.version = 14 : i64} {
  func.func @body(%arg0: i32, %arg1: i32, %arg2: memref<128x128xf32, #tpu.memory_space<hbm>>, %arg3: memref<1356x128xi32, #tpu.memory_space<hbm>>, %arg4: memref<1356x128xi32, #tpu.memory_space<hbm>>, %arg5: memref<128x128xf32, #tpu.memory_space<hbm>>, %arg6: memref<20480x128xf32, #tpu.memory_space<hbm>>, %arg7: memref<4x128xi32, #tpu.memory_space<vmem>>, %arg8: memref<4x128xi32, #tpu.memory_space<vmem>>, %arg9: memref<10240x128xf32, #tpu.memory_space<vmem_shared>>, %arg10: memref<128x128xf32, #tpu.memory_space<vmem>>, %arg11: memref<128x128xf32, #tpu.memory_space<vmem>>, %arg12: memref<!tpu.dma_semaphore, #tpu.memory_space<semaphore_mem>>, %arg13: memref<!tpu.dma_semaphore, #tpu.memory_space<semaphore_mem>>, %arg14: memref<!tpu.dma_semaphore, #tpu.memory_space<semaphore_mem>>, %arg15: memref<!tpu.dma_semaphore, #tpu.memory_space<semaphore_mem>>) attributes {dimension_semantics = [#tpu.dimension_semantics<core_parallel>, #tpu.dimension_semantics<subcore_parallel>], iteration_bounds = array<i64: 2, 16>, scalar_prefetch = 0 : i64, scratch_operands = 9 : i64, tpu.core_type = #tpu.core_type<sc_vector_subcore>, window_params = [{transform_indices = #map}, {transform_indices = #map}, {transform_indices = #map}, {transform_indices = #map}, {transform_indices = #map}]} {
    %eq3A = arith.constant 0 : i32
    %eq3A_0 = arith.cmpi eq, %arg0, %eq3A : i32
    %mul3A = arith.constant 40 : i32
    %mul3A_1 = arith.muli %arg1, %mul3A : i32
    %mul3A_2 = arith.constant 40 : i32
    %mul3A_3 = arith.muli %arg1, %mul3A_2 : i32
    %add3A = arith.constant 640 : i32
    %add3A_4 = arith.addi %add3A, %mul3A_3 : i32
    %select_n3A = arith.select %eq3A_0, %mul3A_1, %add3A_4 : i32
    %eq3A_5 = arith.constant 0 : i32
    %eq3A_6 = arith.cmpi eq, %arg0, %eq3A_5 : i32
    %select_n3A_7 = arith.constant 10 : i32
    %select_n3A_8 = arith.constant 10 : i32
    %select_n3A_9 = arith.select %eq3A_6, %select_n3A_8, %select_n3A_7 : i32
    %mul3A_10 = arith.constant 640 : i32
    %mul3A_11 = arith.muli %arg1, %mul3A_10 : i32
    %multiple_of3A = tpu.assume_multiple %mul3A_11, 128 : i32
    %add3A_12 = arith.constant 0 : i32
    %add3A_13 = arith.addi %multiple_of3A, %add3A_12 : i32
    %multiple_of3A_14 = tpu.assume_multiple %add3A_13, 128 : i32
    %dma_start3A = arith.constant 0 : i32
    %dma_start3A_15 = tpu.memref_slice %arg9[%multiple_of3A_14, %dma_start3A] : memref<10240x128xf32, #tpu.memory_space<vmem_shared>> -> memref<128x128xf32, #tpu.memory_space<vmem_shared>>
    tpu.enqueue_dma source(%arg5 : memref<128x128xf32, #tpu.memory_space<hbm>>) target(%dma_start3A_15 : memref<128x128xf32, #tpu.memory_space<vmem_shared>>) target_semaphore(%arg12 : memref<!tpu.dma_semaphore, #tpu.memory_space<semaphore_mem>>)
    %add3A_16 = arith.constant 128 : i32
    %add3A_17 = arith.addi %multiple_of3A, %add3A_16 : i32
    %multiple_of3A_18 = tpu.assume_multiple %add3A_17, 128 : i32
    %dma_start3A_19 = arith.constant 0 : i32
    %dma_start3A_20 = tpu.memref_slice %arg9[%multiple_of3A_18, %dma_start3A_19] : memref<10240x128xf32, #tpu.memory_space<vmem_shared>> -> memref<128x128xf32, #tpu.memory_space<vmem_shared>>
    tpu.enqueue_dma source(%arg5 : memref<128x128xf32, #tpu.memory_space<hbm>>) target(%dma_start3A_20 : memref<128x128xf32, #tpu.memory_space<vmem_shared>>) target_semaphore(%arg13 : memref<!tpu.dma_semaphore, #tpu.memory_space<semaphore_mem>>)
    %add3A_21 = arith.constant 256 : i32
    %add3A_22 = arith.addi %multiple_of3A, %add3A_21 : i32
    %multiple_of3A_23 = tpu.assume_multiple %add3A_22, 128 : i32
    %dma_start3A_24 = arith.constant 0 : i32
    %dma_start3A_25 = tpu.memref_slice %arg9[%multiple_of3A_23, %dma_start3A_24] : memref<10240x128xf32, #tpu.memory_space<vmem_shared>> -> memref<128x128xf32, #tpu.memory_space<vmem_shared>>
    tpu.enqueue_dma source(%arg5 : memref<128x128xf32, #tpu.memory_space<hbm>>) target(%dma_start3A_25 : memref<128x128xf32, #tpu.memory_space<vmem_shared>>) target_semaphore(%arg14 : memref<!tpu.dma_semaphore, #tpu.memory_space<semaphore_mem>>)
    %add3A_26 = arith.constant 384 : i32
    %add3A_27 = arith.addi %multiple_of3A, %add3A_26 : i32
    %multiple_of3A_28 = tpu.assume_multiple %add3A_27, 128 : i32
    %dma_start3A_29 = arith.constant 0 : i32
    %dma_start3A_30 = tpu.memref_slice %arg9[%multiple_of3A_28, %dma_start3A_29] : memref<10240x128xf32, #tpu.memory_space<vmem_shared>> -> memref<128x128xf32, #tpu.memory_space<vmem_shared>>
    tpu.enqueue_dma source(%arg5 : memref<128x128xf32, #tpu.memory_space<hbm>>) target(%dma_start3A_30 : memref<128x128xf32, #tpu.memory_space<vmem_shared>>) target_semaphore(%arg15 : memref<!tpu.dma_semaphore, #tpu.memory_space<semaphore_mem>>)
    %add3A_31 = arith.constant 512 : i32
    %add3A_32 = arith.addi %multiple_of3A, %add3A_31 : i32
    %multiple_of3A_33 = tpu.assume_multiple %add3A_32, 128 : i32
    %dma_wait3A = arith.constant 0 : i32
    %dma_wait3A_34 = tpu.memref_slice %arg9[%multiple_of3A_14, %dma_wait3A] : memref<10240x128xf32, #tpu.memory_space<vmem_shared>> -> memref<128x128xf32, #tpu.memory_space<vmem_shared>>
    tpu.wait_dma2 semaphore(%arg12 : memref<!tpu.dma_semaphore, #tpu.memory_space<semaphore_mem>>) src(%arg5 : memref<128x128xf32, #tpu.memory_space<hbm>>) dst(%dma_wait3A_34 : memref<128x128xf32, #tpu.memory_space<vmem_shared>>)
    %dma_start3A_35 = arith.constant 0 : i32
    %dma_start3A_36 = tpu.memref_slice %arg9[%multiple_of3A_33, %dma_start3A_35] : memref<10240x128xf32, #tpu.memory_space<vmem_shared>> -> memref<128x128xf32, #tpu.memory_space<vmem_shared>>
    tpu.enqueue_dma source(%arg5 : memref<128x128xf32, #tpu.memory_space<hbm>>) target(%dma_start3A_36 : memref<128x128xf32, #tpu.memory_space<vmem_shared>>) target_semaphore(%arg12 : memref<!tpu.dma_semaphore, #tpu.memory_space<semaphore_mem>>)
    "tpu.region"() ({
      %run_scoped3A = tpu.sem_alloc : memref<!tpu.dma_semaphore, #tpu.memory_space<semaphore_mem>>
      tpu.enqueue_dma source(%arg2 : memref<128x128xf32, #tpu.memory_space<hbm>>) target(%arg10 : memref<128x128xf32, #tpu.memory_space<vmem>>) target_semaphore(%run_scoped3A : memref<!tpu.dma_semaphore, #tpu.memory_space<semaphore_mem>>)
      tpu.wait_dma2 semaphore(%run_scoped3A : memref<!tpu.dma_semaphore, #tpu.memory_space<semaphore_mem>>) src(%arg2 : memref<128x128xf32, #tpu.memory_space<hbm>>) dst(%arg10 : memref<128x128xf32, #tpu.memory_space<vmem>>)
      tpu.yield
    }) : () -> ()
    %dma_wait3A_37 = arith.constant 0 : i32
    %dma_wait3A_38 = tpu.memref_slice %arg9[%multiple_of3A_18, %dma_wait3A_37] : memref<10240x128xf32, #tpu.memory_space<vmem_shared>> -> memref<128x128xf32, #tpu.memory_space<vmem_shared>>
    tpu.wait_dma2 semaphore(%arg13 : memref<!tpu.dma_semaphore, #tpu.memory_space<semaphore_mem>>) src(%arg5 : memref<128x128xf32, #tpu.memory_space<hbm>>) dst(%dma_wait3A_38 : memref<128x128xf32, #tpu.memory_space<vmem_shared>>)
    %dma_wait3A_39 = arith.constant 0 : i32
    %dma_wait3A_40 = tpu.memref_slice %arg9[%multiple_of3A_23, %dma_wait3A_39] : memref<10240x128xf32, #tpu.memory_space<vmem_shared>> -> memref<128x128xf32, #tpu.memory_space<vmem_shared>>
    tpu.wait_dma2 semaphore(%arg14 : memref<!tpu.dma_semaphore, #tpu.memory_space<semaphore_mem>>) src(%arg5 : memref<128x128xf32, #tpu.memory_space<hbm>>) dst(%dma_wait3A_40 : memref<128x128xf32, #tpu.memory_space<vmem_shared>>)
    %dma_wait3A_41 = arith.constant 0 : i32
    %dma_wait3A_42 = tpu.memref_slice %arg9[%multiple_of3A_28, %dma_wait3A_41] : memref<10240x128xf32, #tpu.memory_space<vmem_shared>> -> memref<128x128xf32, #tpu.memory_space<vmem_shared>>
    tpu.wait_dma2 semaphore(%arg15 : memref<!tpu.dma_semaphore, #tpu.memory_space<semaphore_mem>>) src(%arg5 : memref<128x128xf32, #tpu.memory_space<hbm>>) dst(%dma_wait3A_42 : memref<128x128xf32, #tpu.memory_space<vmem_shared>>)
    %dma_wait3A_43 = arith.constant 0 : i32
    %dma_wait3A_44 = tpu.memref_slice %arg9[%multiple_of3A_33, %dma_wait3A_43] : memref<10240x128xf32, #tpu.memory_space<vmem_shared>> -> memref<128x128xf32, #tpu.memory_space<vmem_shared>>
    tpu.wait_dma2 semaphore(%arg12 : memref<!tpu.dma_semaphore, #tpu.memory_space<semaphore_mem>>) src(%arg5 : memref<128x128xf32, #tpu.memory_space<hbm>>) dst(%dma_wait3A_44 : memref<128x128xf32, #tpu.memory_space<vmem_shared>>)
    %barrier3A = arith.constant 0 : index
    tpu.barrier barrier_id(%barrier3A)
    %while3A = arith.constant 0 : i32
    %while3A_45 = arith.constant 0 : i32
    %while3A_46 = arith.subi %select_n3A_9, %while3A_45 : i32
    %while3A_47 = arith.addi %while3A_45, %while3A_46 : i32
    %while3A_48 = arith.constant 1 : i32
    %while3A_49 = arith.divsi %while3A_46, %while3A_48 : i32
    %while3A_50 = arith.muli %while3A_49, %while3A_48 : i32
    %while3A_51 = arith.addi %while3A_45, %while3A_50 : i32
    %while3A_52 = arith.constant 1 : i32
    scf.for %while3A_181 = %while3A_45 to %while3A_51 step %while3A_52  : i32 {
      %mul3A_182 = arith.constant 4 : i32
      %mul3A_183 = arith.muli %while3A_181, %mul3A_182 : i32
      %add3A_184 = arith.addi %select_n3A, %mul3A_183 : i32
      "tpu.region"() ({
        %run_scoped3A = tpu.sem_alloc : memref<!tpu.dma_semaphore, #tpu.memory_space<semaphore_mem>>
        %dma_start3A_190 = arith.constant 0 : i32
        %dma_start3A_191 = tpu.memref_slice %arg4[%add3A_184, %dma_start3A_190] : memref<1356x128xi32, #tpu.memory_space<hbm>> -> memref<4x128xi32, #tpu.memory_space<hbm>>
        %dma_start3A_192 = arith.constant 0 : i32
        %dma_start3A_193 = tpu.memref_slice %arg4[%add3A_184, %dma_start3A_192] : memref<1356x128xi32, #tpu.memory_space<hbm>> -> memref<4x128xi32, #tpu.memory_space<hbm>>
        tpu.enqueue_dma source(%dma_start3A_193 : memref<4x128xi32, #tpu.memory_space<hbm>>) target(%arg8 : memref<4x128xi32, #tpu.memory_space<vmem>>) target_semaphore(%run_scoped3A : memref<!tpu.dma_semaphore, #tpu.memory_space<semaphore_mem>>)
        %dma_wait3A_194 = arith.constant 0 : i32
        %dma_wait3A_195 = tpu.memref_slice %arg4[%add3A_184, %dma_wait3A_194] : memref<1356x128xi32, #tpu.memory_space<hbm>> -> memref<4x128xi32, #tpu.memory_space<hbm>>
        %dma_wait3A_196 = arith.constant 0 : i32
        %dma_wait3A_197 = tpu.memref_slice %arg4[%add3A_184, %dma_wait3A_196] : memref<1356x128xi32, #tpu.memory_space<hbm>> -> memref<4x128xi32, #tpu.memory_space<hbm>>
        tpu.wait_dma2 semaphore(%run_scoped3A : memref<!tpu.dma_semaphore, #tpu.memory_space<semaphore_mem>>) src(%dma_wait3A_197 : memref<4x128xi32, #tpu.memory_space<hbm>>) dst(%arg8 : memref<4x128xi32, #tpu.memory_space<vmem>>)
        tpu.yield
      }) : () -> ()
      %scan3A = arith.constant 0 : i32
      %scan3A_185 = arith.constant 0 : i32
      %scan3A_186 = arith.constant 2 : i32
      %scan3A_187 = arith.addi %scan3A_185, %scan3A_186 : i32
      %scan3A_188 = arith.constant 1 : i32
      scf.for %scan3A_190 = %scan3A_185 to %scan3A_187 step %scan3A_188  : i32 {
        %mul3A_191 = arith.constant 2 : i32
        %mul3A_192 = arith.muli %scan3A_190, %mul3A_191 : i32
        %add3A_193 = arith.constant 0 : i32
        %add3A_194 = arith.addi %mul3A_192, %add3A_193 : i32
        %dma_start3A_195 = arith.constant 0 : i32
        %dma_start3A_196 = tpu.memref_slice %arg8[%add3A_194, %dma_start3A_195] : memref<4x128xi32, #tpu.memory_space<vmem>> -> memref<1x128xi32, #tpu.memory_space<vmem>>
        %dma_start3A_197 = tpu.memref_squeeze %dma_start3A_196 : memref<1x128xi32, #tpu.memory_space<vmem>> -> memref<128xi32, #tpu.memory_space<vmem>>
        %dma_start3A_198 = arith.constant 0 : i32
        %dma_start3A_199 = arith.constant 0 : i32
        %dma_start3A_200 = tpu.memref_slice %arg9[%dma_start3A_198, %dma_start3A_199] : memref<10240x128xf32, #tpu.memory_space<vmem_shared>> -> memref<10240x128xf32, #tpu.memory_space<vmem_shared>>
        tpu.enqueue_indirect_dma source(%arg10 : memref<128x128xf32, #tpu.memory_space<vmem>>) target(%dma_start3A_200 : memref<10240x128xf32, #tpu.memory_space<vmem_shared>>) offsets(%dma_start3A_197 : memref<128xi32, #tpu.memory_space<vmem>>) semaphore(%arg14 : memref<!tpu.dma_semaphore, #tpu.memory_space<semaphore_mem>>) {add = true}
        %add3A_201 = arith.constant 1 : i32
        %add3A_202 = arith.addi %mul3A_192, %add3A_201 : i32
        %dma_start3A_203 = arith.constant 0 : i32
        %dma_start3A_204 = tpu.memref_slice %arg8[%add3A_202, %dma_start3A_203] : memref<4x128xi32, #tpu.memory_space<vmem>> -> memref<1x128xi32, #tpu.memory_space<vmem>>
        %dma_start3A_205 = tpu.memref_squeeze %dma_start3A_204 : memref<1x128xi32, #tpu.memory_space<vmem>> -> memref<128xi32, #tpu.memory_space<vmem>>
        %dma_start3A_206 = arith.constant 0 : i32
        %dma_start3A_207 = arith.constant 0 : i32
        %dma_start3A_208 = tpu.memref_slice %arg9[%dma_start3A_206, %dma_start3A_207] : memref<10240x128xf32, #tpu.memory_space<vmem_shared>> -> memref<10240x128xf32, #tpu.memory_space<vmem_shared>>
        tpu.enqueue_indirect_dma source(%arg10 : memref<128x128xf32, #tpu.memory_space<vmem>>) target(%dma_start3A_208 : memref<10240x128xf32, #tpu.memory_space<vmem_shared>>) offsets(%dma_start3A_205 : memref<128xi32, #tpu.memory_space<vmem>>) semaphore(%arg15 : memref<!tpu.dma_semaphore, #tpu.memory_space<semaphore_mem>>) {add = true}
        %dma_wait3A_209 = arith.constant 0 : i32
        %dma_wait3A_210 = tpu.memref_slice %arg8[%add3A_194, %dma_wait3A_209] : memref<4x128xi32, #tpu.memory_space<vmem>> -> memref<1x128xi32, #tpu.memory_space<vmem>>
        %dma_wait3A_211 = tpu.memref_squeeze %dma_wait3A_210 : memref<1x128xi32, #tpu.memory_space<vmem>> -> memref<128xi32, #tpu.memory_space<vmem>>
        %dma_wait3A_212 = arith.constant 0 : i32
        %dma_wait3A_213 = arith.constant 0 : i32
        %dma_wait3A_214 = tpu.memref_slice %arg9[%dma_wait3A_212, %dma_wait3A_213] : memref<10240x128xf32, #tpu.memory_space<vmem_shared>> -> memref<10240x128xf32, #tpu.memory_space<vmem_shared>>
        tpu.wait_indirect_dma semaphore(%arg14 : memref<!tpu.dma_semaphore, #tpu.memory_space<semaphore_mem>>) src(%arg10 : memref<128x128xf32, #tpu.memory_space<vmem>>) dst(%dma_wait3A_214 : memref<10240x128xf32, #tpu.memory_space<vmem_shared>>)
        %dma_wait3A_215 = arith.constant 0 : i32
        %dma_wait3A_216 = tpu.memref_slice %arg8[%add3A_202, %dma_wait3A_215] : memref<4x128xi32, #tpu.memory_space<vmem>> -> memref<1x128xi32, #tpu.memory_space<vmem>>
        %dma_wait3A_217 = tpu.memref_squeeze %dma_wait3A_216 : memref<1x128xi32, #tpu.memory_space<vmem>> -> memref<128xi32, #tpu.memory_space<vmem>>
        %dma_wait3A_218 = arith.constant 0 : i32
        %dma_wait3A_219 = arith.constant 0 : i32
        %dma_wait3A_220 = tpu.memref_slice %arg9[%dma_wait3A_218, %dma_wait3A_219] : memref<10240x128xf32, #tpu.memory_space<vmem_shared>> -> memref<10240x128xf32, #tpu.memory_space<vmem_shared>>
        tpu.wait_indirect_dma semaphore(%arg15 : memref<!tpu.dma_semaphore, #tpu.memory_space<semaphore_mem>>) src(%arg10 : memref<128x128xf32, #tpu.memory_space<vmem>>) dst(%dma_wait3A_220 : memref<10240x128xf32, #tpu.memory_space<vmem_shared>>)
      }
      %scan3A_189 = arith.constant 2 : i32
    }
    %while3A_53 = arith.constant 1 : i32
    scf.for %while3A_181 = %while3A_51 to %while3A_47 step %while3A_53  : i32 {
      %mul3A_182 = arith.constant 4 : i32
      %mul3A_183 = arith.muli %while3A_181, %mul3A_182 : i32
      %add3A_184 = arith.addi %select_n3A, %mul3A_183 : i32
      "tpu.region"() ({
        %run_scoped3A = tpu.sem_alloc : memref<!tpu.dma_semaphore, #tpu.memory_space<semaphore_mem>>
        %dma_start3A_190 = arith.constant 0 : i32
        %dma_start3A_191 = tpu.memref_slice %arg4[%add3A_184, %dma_start3A_190] : memref<1356x128xi32, #tpu.memory_space<hbm>> -> memref<4x128xi32, #tpu.memory_space<hbm>>
        %dma_start3A_192 = arith.constant 0 : i32
        %dma_start3A_193 = tpu.memref_slice %arg4[%add3A_184, %dma_start3A_192] : memref<1356x128xi32, #tpu.memory_space<hbm>> -> memref<4x128xi32, #tpu.memory_space<hbm>>
        tpu.enqueue_dma source(%dma_start3A_193 : memref<4x128xi32, #tpu.memory_space<hbm>>) target(%arg8 : memref<4x128xi32, #tpu.memory_space<vmem>>) target_semaphore(%run_scoped3A : memref<!tpu.dma_semaphore, #tpu.memory_space<semaphore_mem>>)
        %dma_wait3A_194 = arith.constant 0 : i32
        %dma_wait3A_195 = tpu.memref_slice %arg4[%add3A_184, %dma_wait3A_194] : memref<1356x128xi32, #tpu.memory_space<hbm>> -> memref<4x128xi32, #tpu.memory_space<hbm>>
        %dma_wait3A_196 = arith.constant 0 : i32
        %dma_wait3A_197 = tpu.memref_slice %arg4[%add3A_184, %dma_wait3A_196] : memref<1356x128xi32, #tpu.memory_space<hbm>> -> memref<4x128xi32, #tpu.memory_space<hbm>>
        tpu.wait_dma2 semaphore(%run_scoped3A : memref<!tpu.dma_semaphore, #tpu.memory_space<semaphore_mem>>) src(%dma_wait3A_197 : memref<4x128xi32, #tpu.memory_space<hbm>>) dst(%arg8 : memref<4x128xi32, #tpu.memory_space<vmem>>)
        tpu.yield
      }) : () -> ()
      %scan3A = arith.constant 0 : i32
      %scan3A_185 = arith.constant 0 : i32
      %scan3A_186 = arith.constant 2 : i32
      %scan3A_187 = arith.addi %scan3A_185, %scan3A_186 : i32
      %scan3A_188 = arith.constant 1 : i32
      scf.for %scan3A_190 = %scan3A_185 to %scan3A_187 step %scan3A_188  : i32 {
        %mul3A_191 = arith.constant 2 : i32
        %mul3A_192 = arith.muli %scan3A_190, %mul3A_191 : i32
        %add3A_193 = arith.constant 0 : i32
        %add3A_194 = arith.addi %mul3A_192, %add3A_193 : i32
        %dma_start3A_195 = arith.constant 0 : i32
        %dma_start3A_196 = tpu.memref_slice %arg8[%add3A_194, %dma_start3A_195] : memref<4x128xi32, #tpu.memory_space<vmem>> -> memref<1x128xi32, #tpu.memory_space<vmem>>
        %dma_start3A_197 = tpu.memref_squeeze %dma_start3A_196 : memref<1x128xi32, #tpu.memory_space<vmem>> -> memref<128xi32, #tpu.memory_space<vmem>>
        %dma_start3A_198 = arith.constant 0 : i32
        %dma_start3A_199 = arith.constant 0 : i32
        %dma_start3A_200 = tpu.memref_slice %arg9[%dma_start3A_198, %dma_start3A_199] : memref<10240x128xf32, #tpu.memory_space<vmem_shared>> -> memref<10240x128xf32, #tpu.memory_space<vmem_shared>>
        tpu.enqueue_indirect_dma source(%arg10 : memref<128x128xf32, #tpu.memory_space<vmem>>) target(%dma_start3A_200 : memref<10240x128xf32, #tpu.memory_space<vmem_shared>>) offsets(%dma_start3A_197 : memref<128xi32, #tpu.memory_space<vmem>>) semaphore(%arg14 : memref<!tpu.dma_semaphore, #tpu.memory_space<semaphore_mem>>) {add = true}
        %add3A_201 = arith.constant 1 : i32
        %add3A_202 = arith.addi %mul3A_192, %add3A_201 : i32
        %dma_start3A_203 = arith.constant 0 : i32
        %dma_start3A_204 = tpu.memref_slice %arg8[%add3A_202, %dma_start3A_203] : memref<4x128xi32, #tpu.memory_space<vmem>> -> memref<1x128xi32, #tpu.memory_space<vmem>>
        %dma_start3A_205 = tpu.memref_squeeze %dma_start3A_204 : memref<1x128xi32, #tpu.memory_space<vmem>> -> memref<128xi32, #tpu.memory_space<vmem>>
        %dma_start3A_206 = arith.constant 0 : i32
        %dma_start3A_207 = arith.constant 0 : i32
        %dma_start3A_208 = tpu.memref_slice %arg9[%dma_start3A_206, %dma_start3A_207] : memref<10240x128xf32, #tpu.memory_space<vmem_shared>> -> memref<10240x128xf32, #tpu.memory_space<vmem_shared>>
        tpu.enqueue_indirect_dma source(%arg10 : memref<128x128xf32, #tpu.memory_space<vmem>>) target(%dma_start3A_208 : memref<10240x128xf32, #tpu.memory_space<vmem_shared>>) offsets(%dma_start3A_205 : memref<128xi32, #tpu.memory_space<vmem>>) semaphore(%arg15 : memref<!tpu.dma_semaphore, #tpu.memory_space<semaphore_mem>>) {add = true}
        %dma_wait3A_209 = arith.constant 0 : i32
        %dma_wait3A_210 = tpu.memref_slice %arg8[%add3A_194, %dma_wait3A_209] : memref<4x128xi32, #tpu.memory_space<vmem>> -> memref<1x128xi32, #tpu.memory_space<vmem>>
        %dma_wait3A_211 = tpu.memref_squeeze %dma_wait3A_210 : memref<1x128xi32, #tpu.memory_space<vmem>> -> memref<128xi32, #tpu.memory_space<vmem>>
        %dma_wait3A_212 = arith.constant 0 : i32
        %dma_wait3A_213 = arith.constant 0 : i32
        %dma_wait3A_214 = tpu.memref_slice %arg9[%dma_wait3A_212, %dma_wait3A_213] : memref<10240x128xf32, #tpu.memory_space<vmem_shared>> -> memref<10240x128xf32, #tpu.memory_space<vmem_shared>>
        tpu.wait_indirect_dma semaphore(%arg14 : memref<!tpu.dma_semaphore, #tpu.memory_space<semaphore_mem>>) src(%arg10 : memref<128x128xf32, #tpu.memory_space<vmem>>) dst(%dma_wait3A_214 : memref<10240x128xf32, #tpu.memory_space<vmem_shared>>)
        %dma_wait3A_215 = arith.constant 0 : i32
        %dma_wait3A_216 = tpu.memref_slice %arg8[%add3A_202, %dma_wait3A_215] : memref<4x128xi32, #tpu.memory_space<vmem>> -> memref<1x128xi32, #tpu.memory_space<vmem>>
        %dma_wait3A_217 = tpu.memref_squeeze %dma_wait3A_216 : memref<1x128xi32, #tpu.memory_space<vmem>> -> memref<128xi32, #tpu.memory_space<vmem>>
        %dma_wait3A_218 = arith.constant 0 : i32
        %dma_wait3A_219 = arith.constant 0 : i32
        %dma_wait3A_220 = tpu.memref_slice %arg9[%dma_wait3A_218, %dma_wait3A_219] : memref<10240x128xf32, #tpu.memory_space<vmem_shared>> -> memref<10240x128xf32, #tpu.memory_space<vmem_shared>>
        tpu.wait_indirect_dma semaphore(%arg15 : memref<!tpu.dma_semaphore, #tpu.memory_space<semaphore_mem>>) src(%arg10 : memref<128x128xf32, #tpu.memory_space<vmem>>) dst(%dma_wait3A_220 : memref<10240x128xf32, #tpu.memory_space<vmem_shared>>)
      }
      %scan3A_189 = arith.constant 2 : i32
    }
    %barrier3A_54 = arith.constant 0 : index
    tpu.barrier barrier_id(%barrier3A_54)
    %mul3A_55 = arith.constant 10240 : i32
    %mul3A_56 = arith.muli %arg0, %mul3A_55 : i32
    %mul3A_57 = arith.constant 640 : i32
    %mul3A_58 = arith.muli %arg1, %mul3A_57 : i32
    %add3A_59 = arith.addi %mul3A_56, %mul3A_58 : i32
    %multiple_of3A_60 = tpu.assume_multiple %add3A_59, 128 : i32
    %mul3A_61 = arith.constant 640 : i32
    %mul3A_62 = arith.muli %arg1, %mul3A_61 : i32
    %add3A_63 = arith.constant 0 : i32
    %add3A_64 = arith.addi %mul3A_62, %add3A_63 : i32
    %multiple_of3A_65 = tpu.assume_multiple %add3A_64, 128 : i32
    %dma_start3A_66 = arith.constant 0 : i32
    %dma_start3A_67 = tpu.memref_slice %arg9[%multiple_of3A_65, %dma_start3A_66] : memref<10240x128xf32, #tpu.memory_space<vmem_shared>> -> memref<128x128xf32, #tpu.memory_space<vmem_shared>>
    %dma_start3A_68 = arith.constant 0 : i32
    %dma_start3A_69 = tpu.memref_slice %arg9[%multiple_of3A_65, %dma_start3A_68] : memref<10240x128xf32, #tpu.memory_space<vmem_shared>> -> memref<128x128xf32, #tpu.memory_space<vmem_shared>>
    tpu.enqueue_dma source(%dma_start3A_69 : memref<128x128xf32, #tpu.memory_space<vmem_shared>>) target(%arg10 : memref<128x128xf32, #tpu.memory_space<vmem>>) target_semaphore(%arg12 : memref<!tpu.dma_semaphore, #tpu.memory_space<semaphore_mem>>)
    %mul3A_70 = arith.constant 640 : i32
    %mul3A_71 = arith.muli %arg1, %mul3A_70 : i32
    %add3A_72 = arith.constant 128 : i32
    %add3A_73 = arith.addi %mul3A_71, %add3A_72 : i32
    %multiple_of3A_74 = tpu.assume_multiple %add3A_73, 128 : i32
    %dma_start3A_75 = arith.constant 0 : i32
    %dma_start3A_76 = tpu.memref_slice %arg9[%multiple_of3A_74, %dma_start3A_75] : memref<10240x128xf32, #tpu.memory_space<vmem_shared>> -> memref<128x128xf32, #tpu.memory_space<vmem_shared>>
    %dma_start3A_77 = arith.constant 0 : i32
    %dma_start3A_78 = tpu.memref_slice %arg9[%multiple_of3A_74, %dma_start3A_77] : memref<10240x128xf32, #tpu.memory_space<vmem_shared>> -> memref<128x128xf32, #tpu.memory_space<vmem_shared>>
    tpu.enqueue_dma source(%dma_start3A_78 : memref<128x128xf32, #tpu.memory_space<vmem_shared>>) target(%arg11 : memref<128x128xf32, #tpu.memory_space<vmem>>) target_semaphore(%arg13 : memref<!tpu.dma_semaphore, #tpu.memory_space<semaphore_mem>>)
    %dma_wait3A_79 = arith.constant 0 : i32
    %dma_wait3A_80 = tpu.memref_slice %arg9[%multiple_of3A_65, %dma_wait3A_79] : memref<10240x128xf32, #tpu.memory_space<vmem_shared>> -> memref<128x128xf32, #tpu.memory_space<vmem_shared>>
    %dma_wait3A_81 = arith.constant 0 : i32
    %dma_wait3A_82 = tpu.memref_slice %arg9[%multiple_of3A_65, %dma_wait3A_81] : memref<10240x128xf32, #tpu.memory_space<vmem_shared>> -> memref<128x128xf32, #tpu.memory_space<vmem_shared>>
    tpu.wait_dma2 semaphore(%arg12 : memref<!tpu.dma_semaphore, #tpu.memory_space<semaphore_mem>>) src(%dma_wait3A_82 : memref<128x128xf32, #tpu.memory_space<vmem_shared>>) dst(%arg10 : memref<128x128xf32, #tpu.memory_space<vmem>>)
    %add3A_83 = arith.constant 0 : i32
    %add3A_84 = arith.addi %multiple_of3A_60, %add3A_83 : i32
    %multiple_of3A_85 = tpu.assume_multiple %add3A_84, 128 : i32
    %dma_start3A_86 = arith.constant 0 : i32
    %dma_start3A_87 = tpu.memref_slice %arg6[%multiple_of3A_85, %dma_start3A_86] : memref<20480x128xf32, #tpu.memory_space<hbm>> -> memref<128x128xf32, #tpu.memory_space<hbm>>
    %dma_start3A_88 = arith.constant 0 : i32
    %dma_start3A_89 = tpu.memref_slice %arg6[%multiple_of3A_85, %dma_start3A_88] : memref<20480x128xf32, #tpu.memory_space<hbm>> -> memref<128x128xf32, #tpu.memory_space<hbm>>
    tpu.enqueue_dma source(%arg10 : memref<128x128xf32, #tpu.memory_space<vmem>>) target(%dma_start3A_89 : memref<128x128xf32, #tpu.memory_space<hbm>>) target_semaphore(%arg14 : memref<!tpu.dma_semaphore, #tpu.memory_space<semaphore_mem>>)
    %dma_wait3A_90 = arith.constant 0 : i32
    %dma_wait3A_91 = tpu.memref_slice %arg9[%multiple_of3A_74, %dma_wait3A_90] : memref<10240x128xf32, #tpu.memory_space<vmem_shared>> -> memref<128x128xf32, #tpu.memory_space<vmem_shared>>
    %dma_wait3A_92 = arith.constant 0 : i32
    %dma_wait3A_93 = tpu.memref_slice %arg9[%multiple_of3A_74, %dma_wait3A_92] : memref<10240x128xf32, #tpu.memory_space<vmem_shared>> -> memref<128x128xf32, #tpu.memory_space<vmem_shared>>
    tpu.wait_dma2 semaphore(%arg13 : memref<!tpu.dma_semaphore, #tpu.memory_space<semaphore_mem>>) src(%dma_wait3A_93 : memref<128x128xf32, #tpu.memory_space<vmem_shared>>) dst(%arg11 : memref<128x128xf32, #tpu.memory_space<vmem>>)
    %add3A_94 = arith.constant 128 : i32
    %add3A_95 = arith.addi %multiple_of3A_60, %add3A_94 : i32
    %multiple_of3A_96 = tpu.assume_multiple %add3A_95, 128 : i32
    %dma_start3A_97 = arith.constant 0 : i32
    %dma_start3A_98 = tpu.memref_slice %arg6[%multiple_of3A_96, %dma_start3A_97] : memref<20480x128xf32, #tpu.memory_space<hbm>> -> memref<128x128xf32, #tpu.memory_space<hbm>>
    %dma_start3A_99 = arith.constant 0 : i32
    %dma_start3A_100 = tpu.memref_slice %arg6[%multiple_of3A_96, %dma_start3A_99] : memref<20480x128xf32, #tpu.memory_space<hbm>> -> memref<128x128xf32, #tpu.memory_space<hbm>>
    tpu.enqueue_dma source(%arg11 : memref<128x128xf32, #tpu.memory_space<vmem>>) target(%dma_start3A_100 : memref<128x128xf32, #tpu.memory_space<hbm>>) target_semaphore(%arg15 : memref<!tpu.dma_semaphore, #tpu.memory_space<semaphore_mem>>)
    %dma_wait3A_101 = arith.constant 0 : i32
    %dma_wait3A_102 = tpu.memref_slice %arg6[%multiple_of3A_85, %dma_wait3A_101] : memref<20480x128xf32, #tpu.memory_space<hbm>> -> memref<128x128xf32, #tpu.memory_space<hbm>>
    %dma_wait3A_103 = arith.constant 0 : i32
    %dma_wait3A_104 = tpu.memref_slice %arg6[%multiple_of3A_85, %dma_wait3A_103] : memref<20480x128xf32, #tpu.memory_space<hbm>> -> memref<128x128xf32, #tpu.memory_space<hbm>>
    tpu.wait_dma2 semaphore(%arg14 : memref<!tpu.dma_semaphore, #tpu.memory_space<semaphore_mem>>) src(%arg10 : memref<128x128xf32, #tpu.memory_space<vmem>>) dst(%dma_wait3A_104 : memref<128x128xf32, #tpu.memory_space<hbm>>)
    %mul3A_105 = arith.constant 640 : i32
    %mul3A_106 = arith.muli %arg1, %mul3A_105 : i32
    %add3A_107 = arith.constant 256 : i32
    %add3A_108 = arith.addi %mul3A_106, %add3A_107 : i32
    %multiple_of3A_109 = tpu.assume_multiple %add3A_108, 128 : i32
    %dma_start3A_110 = arith.constant 0 : i32
    %dma_start3A_111 = tpu.memref_slice %arg9[%multiple_of3A_109, %dma_start3A_110] : memref<10240x128xf32, #tpu.memory_space<vmem_shared>> -> memref<128x128xf32, #tpu.memory_space<vmem_shared>>
    %dma_start3A_112 = arith.constant 0 : i32
    %dma_start3A_113 = tpu.memref_slice %arg9[%multiple_of3A_109, %dma_start3A_112] : memref<10240x128xf32, #tpu.memory_space<vmem_shared>> -> memref<128x128xf32, #tpu.memory_space<vmem_shared>>
    tpu.enqueue_dma source(%dma_start3A_113 : memref<128x128xf32, #tpu.memory_space<vmem_shared>>) target(%arg10 : memref<128x128xf32, #tpu.memory_space<vmem>>) target_semaphore(%arg12 : memref<!tpu.dma_semaphore, #tpu.memory_space<semaphore_mem>>)
    %dma_wait3A_114 = arith.constant 0 : i32
    %dma_wait3A_115 = tpu.memref_slice %arg9[%multiple_of3A_109, %dma_wait3A_114] : memref<10240x128xf32, #tpu.memory_space<vmem_shared>> -> memref<128x128xf32, #tpu.memory_space<vmem_shared>>
    %dma_wait3A_116 = arith.constant 0 : i32
    %dma_wait3A_117 = tpu.memref_slice %arg9[%multiple_of3A_109, %dma_wait3A_116] : memref<10240x128xf32, #tpu.memory_space<vmem_shared>> -> memref<128x128xf32, #tpu.memory_space<vmem_shared>>
    tpu.wait_dma2 semaphore(%arg12 : memref<!tpu.dma_semaphore, #tpu.memory_space<semaphore_mem>>) src(%dma_wait3A_117 : memref<128x128xf32, #tpu.memory_space<vmem_shared>>) dst(%arg10 : memref<128x128xf32, #tpu.memory_space<vmem>>)
    %add3A_118 = arith.constant 256 : i32
    %add3A_119 = arith.addi %multiple_of3A_60, %add3A_118 : i32
    %multiple_of3A_120 = tpu.assume_multiple %add3A_119, 128 : i32
    %dma_start3A_121 = arith.constant 0 : i32
    %dma_start3A_122 = tpu.memref_slice %arg6[%multiple_of3A_120, %dma_start3A_121] : memref<20480x128xf32, #tpu.memory_space<hbm>> -> memref<128x128xf32, #tpu.memory_space<hbm>>
    %dma_start3A_123 = arith.constant 0 : i32
    %dma_start3A_124 = tpu.memref_slice %arg6[%multiple_of3A_120, %dma_start3A_123] : memref<20480x128xf32, #tpu.memory_space<hbm>> -> memref<128x128xf32, #tpu.memory_space<hbm>>
    tpu.enqueue_dma source(%arg10 : memref<128x128xf32, #tpu.memory_space<vmem>>) target(%dma_start3A_124 : memref<128x128xf32, #tpu.memory_space<hbm>>) target_semaphore(%arg14 : memref<!tpu.dma_semaphore, #tpu.memory_space<semaphore_mem>>)
    %dma_wait3A_125 = arith.constant 0 : i32
    %dma_wait3A_126 = tpu.memref_slice %arg6[%multiple_of3A_96, %dma_wait3A_125] : memref<20480x128xf32, #tpu.memory_space<hbm>> -> memref<128x128xf32, #tpu.memory_space<hbm>>
    %dma_wait3A_127 = arith.constant 0 : i32
    %dma_wait3A_128 = tpu.memref_slice %arg6[%multiple_of3A_96, %dma_wait3A_127] : memref<20480x128xf32, #tpu.memory_space<hbm>> -> memref<128x128xf32, #tpu.memory_space<hbm>>
    tpu.wait_dma2 semaphore(%arg15 : memref<!tpu.dma_semaphore, #tpu.memory_space<semaphore_mem>>) src(%arg11 : memref<128x128xf32, #tpu.memory_space<vmem>>) dst(%dma_wait3A_128 : memref<128x128xf32, #tpu.memory_space<hbm>>)
    %mul3A_129 = arith.constant 640 : i32
    %mul3A_130 = arith.muli %arg1, %mul3A_129 : i32
    %add3A_131 = arith.constant 384 : i32
    %add3A_132 = arith.addi %mul3A_130, %add3A_131 : i32
    %multiple_of3A_133 = tpu.assume_multiple %add3A_132, 128 : i32
    %dma_start3A_134 = arith.constant 0 : i32
    %dma_start3A_135 = tpu.memref_slice %arg9[%multiple_of3A_133, %dma_start3A_134] : memref<10240x128xf32, #tpu.memory_space<vmem_shared>> -> memref<128x128xf32, #tpu.memory_space<vmem_shared>>
    %dma_start3A_136 = arith.constant 0 : i32
    %dma_start3A_137 = tpu.memref_slice %arg9[%multiple_of3A_133, %dma_start3A_136] : memref<10240x128xf32, #tpu.memory_space<vmem_shared>> -> memref<128x128xf32, #tpu.memory_space<vmem_shared>>
    tpu.enqueue_dma source(%dma_start3A_137 : memref<128x128xf32, #tpu.memory_space<vmem_shared>>) target(%arg11 : memref<128x128xf32, #tpu.memory_space<vmem>>) target_semaphore(%arg13 : memref<!tpu.dma_semaphore, #tpu.memory_space<semaphore_mem>>)
    %dma_wait3A_138 = arith.constant 0 : i32
    %dma_wait3A_139 = tpu.memref_slice %arg9[%multiple_of3A_133, %dma_wait3A_138] : memref<10240x128xf32, #tpu.memory_space<vmem_shared>> -> memref<128x128xf32, #tpu.memory_space<vmem_shared>>
    %dma_wait3A_140 = arith.constant 0 : i32
    %dma_wait3A_141 = tpu.memref_slice %arg9[%multiple_of3A_133, %dma_wait3A_140] : memref<10240x128xf32, #tpu.memory_space<vmem_shared>> -> memref<128x128xf32, #tpu.memory_space<vmem_shared>>
    tpu.wait_dma2 semaphore(%arg13 : memref<!tpu.dma_semaphore, #tpu.memory_space<semaphore_mem>>) src(%dma_wait3A_141 : memref<128x128xf32, #tpu.memory_space<vmem_shared>>) dst(%arg11 : memref<128x128xf32, #tpu.memory_space<vmem>>)
    %add3A_142 = arith.constant 384 : i32
    %add3A_143 = arith.addi %multiple_of3A_60, %add3A_142 : i32
    %multiple_of3A_144 = tpu.assume_multiple %add3A_143, 128 : i32
    %dma_start3A_145 = arith.constant 0 : i32
    %dma_start3A_146 = tpu.memref_slice %arg6[%multiple_of3A_144, %dma_start3A_145] : memref<20480x128xf32, #tpu.memory_space<hbm>> -> memref<128x128xf32, #tpu.memory_space<hbm>>
    %dma_start3A_147 = arith.constant 0 : i32
    %dma_start3A_148 = tpu.memref_slice %arg6[%multiple_of3A_144, %dma_start3A_147] : memref<20480x128xf32, #tpu.memory_space<hbm>> -> memref<128x128xf32, #tpu.memory_space<hbm>>
    tpu.enqueue_dma source(%arg11 : memref<128x128xf32, #tpu.memory_space<vmem>>) target(%dma_start3A_148 : memref<128x128xf32, #tpu.memory_space<hbm>>) target_semaphore(%arg15 : memref<!tpu.dma_semaphore, #tpu.memory_space<semaphore_mem>>)
    %dma_wait3A_149 = arith.constant 0 : i32
    %dma_wait3A_150 = tpu.memref_slice %arg6[%multiple_of3A_120, %dma_wait3A_149] : memref<20480x128xf32, #tpu.memory_space<hbm>> -> memref<128x128xf32, #tpu.memory_space<hbm>>
    %dma_wait3A_151 = arith.constant 0 : i32
    %dma_wait3A_152 = tpu.memref_slice %arg6[%multiple_of3A_120, %dma_wait3A_151] : memref<20480x128xf32, #tpu.memory_space<hbm>> -> memref<128x128xf32, #tpu.memory_space<hbm>>
    tpu.wait_dma2 semaphore(%arg14 : memref<!tpu.dma_semaphore, #tpu.memory_space<semaphore_mem>>) src(%arg10 : memref<128x128xf32, #tpu.memory_space<vmem>>) dst(%dma_wait3A_152 : memref<128x128xf32, #tpu.memory_space<hbm>>)
    %mul3A_153 = arith.constant 640 : i32
    %mul3A_154 = arith.muli %arg1, %mul3A_153 : i32
    %add3A_155 = arith.constant 512 : i32
    %add3A_156 = arith.addi %mul3A_154, %add3A_155 : i32
    %multiple_of3A_157 = tpu.assume_multiple %add3A_156, 128 : i32
    %dma_start3A_158 = arith.constant 0 : i32
    %dma_start3A_159 = tpu.memref_slice %arg9[%multiple_of3A_157, %dma_start3A_158] : memref<10240x128xf32, #tpu.memory_space<vmem_shared>> -> memref<128x128xf32, #tpu.memory_space<vmem_shared>>
    %dma_start3A_160 = arith.constant 0 : i32
    %dma_start3A_161 = tpu.memref_slice %arg9[%multiple_of3A_157, %dma_start3A_160] : memref<10240x128xf32, #tpu.memory_space<vmem_shared>> -> memref<128x128xf32, #tpu.memory_space<vmem_shared>>
    tpu.enqueue_dma source(%dma_start3A_161 : memref<128x128xf32, #tpu.memory_space<vmem_shared>>) target(%arg10 : memref<128x128xf32, #tpu.memory_space<vmem>>) target_semaphore(%arg12 : memref<!tpu.dma_semaphore, #tpu.memory_space<semaphore_mem>>)
    %dma_wait3A_162 = arith.constant 0 : i32
    %dma_wait3A_163 = tpu.memref_slice %arg9[%multiple_of3A_157, %dma_wait3A_162] : memref<10240x128xf32, #tpu.memory_space<vmem_shared>> -> memref<128x128xf32, #tpu.memory_space<vmem_shared>>
    %dma_wait3A_164 = arith.constant 0 : i32
    %dma_wait3A_165 = tpu.memref_slice %arg9[%multiple_of3A_157, %dma_wait3A_164] : memref<10240x128xf32, #tpu.memory_space<vmem_shared>> -> memref<128x128xf32, #tpu.memory_space<vmem_shared>>
    tpu.wait_dma2 semaphore(%arg12 : memref<!tpu.dma_semaphore, #tpu.memory_space<semaphore_mem>>) src(%dma_wait3A_165 : memref<128x128xf32, #tpu.memory_space<vmem_shared>>) dst(%arg10 : memref<128x128xf32, #tpu.memory_space<vmem>>)
    %add3A_166 = arith.constant 512 : i32
    %add3A_167 = arith.addi %multiple_of3A_60, %add3A_166 : i32
    %multiple_of3A_168 = tpu.assume_multiple %add3A_167, 128 : i32
    %dma_start3A_169 = arith.constant 0 : i32
    %dma_start3A_170 = tpu.memref_slice %arg6[%multiple_of3A_168, %dma_start3A_169] : memref<20480x128xf32, #tpu.memory_space<hbm>> -> memref<128x128xf32, #tpu.memory_space<hbm>>
    %dma_start3A_171 = arith.constant 0 : i32
    %dma_start3A_172 = tpu.memref_slice %arg6[%multiple_of3A_168, %dma_start3A_171] : memref<20480x128xf32, #tpu.memory_space<hbm>> -> memref<128x128xf32, #tpu.memory_space<hbm>>
    tpu.enqueue_dma source(%arg10 : memref<128x128xf32, #tpu.memory_space<vmem>>) target(%dma_start3A_172 : memref<128x128xf32, #tpu.memory_space<hbm>>) target_semaphore(%arg14 : memref<!tpu.dma_semaphore, #tpu.memory_space<semaphore_mem>>)
    %dma_wait3A_173 = arith.constant 0 : i32
    %dma_wait3A_174 = tpu.memref_slice %arg6[%multiple_of3A_144, %dma_wait3A_173] : memref<20480x128xf32, #tpu.memory_space<hbm>> -> memref<128x128xf32, #tpu.memory_space<hbm>>
    %dma_wait3A_175 = arith.constant 0 : i32
    %dma_wait3A_176 = tpu.memref_slice %arg6[%multiple_of3A_144, %dma_wait3A_175] : memref<20480x128xf32, #tpu.memory_space<hbm>> -> memref<128x128xf32, #tpu.memory_space<hbm>>
    tpu.wait_dma2 semaphore(%arg15 : memref<!tpu.dma_semaphore, #tpu.memory_space<semaphore_mem>>) src(%arg11 : memref<128x128xf32, #tpu.memory_space<vmem>>) dst(%dma_wait3A_176 : memref<128x128xf32, #tpu.memory_space<hbm>>)
    %dma_wait3A_177 = arith.constant 0 : i32
    %dma_wait3A_178 = tpu.memref_slice %arg6[%multiple_of3A_168, %dma_wait3A_177] : memref<20480x128xf32, #tpu.memory_space<hbm>> -> memref<128x128xf32, #tpu.memory_space<hbm>>
    %dma_wait3A_179 = arith.constant 0 : i32
    %dma_wait3A_180 = tpu.memref_slice %arg6[%multiple_of3A_168, %dma_wait3A_179] : memref<20480x128xf32, #tpu.memory_space<hbm>> -> memref<128x128xf32, #tpu.memory_space<hbm>>
    tpu.wait_dma2 semaphore(%arg14 : memref<!tpu.dma_semaphore, #tpu.memory_space<semaphore_mem>>) src(%arg10 : memref<128x128xf32, #tpu.memory_space<vmem>>) dst(%dma_wait3A_180 : memref<128x128xf32, #tpu.memory_space<hbm>>)
    return
  }
}

#map = affine_map<(d0, d1) -> (0, 0)>
module attributes {stable_mosaic.version = 14 : i64} {
  func.func @body(%arg0: i32, %arg1: i32, %arg2: memref<10240x128xf32, #tpu.memory_space<hbm>>, %arg3: memref<1356x128xi32, #tpu.memory_space<hbm>>, %arg4: memref<1356x128xi32, #tpu.memory_space<hbm>>, %arg5: memref<128x128xf32, #tpu.memory_space<hbm>>, %arg6: memref<20480x128xf32, #tpu.memory_space<hbm>>, %arg7: memref<4x128xi32, #tpu.memory_space<vmem>>, %arg8: memref<4x128xi32, #tpu.memory_space<vmem>>, %arg9: memref<10240x128xf32, #tpu.memory_space<vmem_shared>>, %arg10: memref<128x128xf32, #tpu.memory_space<vmem>>, %arg11: memref<128x128xf32, #tpu.memory_space<vmem>>, %arg12: memref<!tpu.dma_semaphore, #tpu.memory_space<semaphore_mem>>, %arg13: memref<!tpu.dma_semaphore, #tpu.memory_space<semaphore_mem>>, %arg14: memref<!tpu.dma_semaphore, #tpu.memory_space<semaphore_mem>>, %arg15: memref<!tpu.dma_semaphore, #tpu.memory_space<semaphore_mem>>) attributes {dimension_semantics = [#tpu.dimension_semantics<core_parallel>, #tpu.dimension_semantics<subcore_parallel>], iteration_bounds = array<i64: 2, 16>, scalar_prefetch = 0 : i64, scratch_operands = 9 : i64, tpu.core_type = #tpu.core_type<sc_vector_subcore>, window_params = [{transform_indices = #map}, {transform_indices = #map}, {transform_indices = #map}, {transform_indices = #map}, {transform_indices = #map}]} {
    %eq3A = arith.constant 0 : i32
    %eq3A_0 = arith.cmpi eq, %arg0, %eq3A : i32
    %mul3A = arith.constant 76 : i32
    %mul3A_1 = arith.muli %arg1, %mul3A : i32
    %mul3A_2 = arith.constant 4 : i32
    %mul3A_3 = arith.muli %arg1, %mul3A_2 : i32
    %add3A = arith.constant 1216 : i32
    %add3A_4 = arith.addi %add3A, %mul3A_3 : i32
    %select_n3A = arith.select %eq3A_0, %mul3A_1, %add3A_4 : i32
    %eq3A_5 = arith.constant 0 : i32
    %eq3A_6 = arith.cmpi eq, %arg0, %eq3A_5 : i32
    %select_n3A_7 = arith.constant 1 : i32
    %select_n3A_8 = arith.constant 19 : i32
    %select_n3A_9 = arith.select %eq3A_6, %select_n3A_8, %select_n3A_7 : i32
    %mul3A_10 = arith.constant 640 : i32
    %mul3A_11 = arith.muli %arg1, %mul3A_10 : i32
    %multiple_of3A = tpu.assume_multiple %mul3A_11, 128 : i32
    %add3A_12 = arith.constant 0 : i32
    %add3A_13 = arith.addi %multiple_of3A, %add3A_12 : i32
    %multiple_of3A_14 = tpu.assume_multiple %add3A_13, 128 : i32
    %dma_start3A = arith.constant 0 : i32
    %dma_start3A_15 = tpu.memref_slice %arg9[%multiple_of3A_14, %dma_start3A] : memref<10240x128xf32, #tpu.memory_space<vmem_shared>> -> memref<128x128xf32, #tpu.memory_space<vmem_shared>>
    tpu.enqueue_dma source(%arg5 : memref<128x128xf32, #tpu.memory_space<hbm>>) target(%dma_start3A_15 : memref<128x128xf32, #tpu.memory_space<vmem_shared>>) target_semaphore(%arg12 : memref<!tpu.dma_semaphore, #tpu.memory_space<semaphore_mem>>)
    %add3A_16 = arith.constant 128 : i32
    %add3A_17 = arith.addi %multiple_of3A, %add3A_16 : i32
    %multiple_of3A_18 = tpu.assume_multiple %add3A_17, 128 : i32
    %dma_start3A_19 = arith.constant 0 : i32
    %dma_start3A_20 = tpu.memref_slice %arg9[%multiple_of3A_18, %dma_start3A_19] : memref<10240x128xf32, #tpu.memory_space<vmem_shared>> -> memref<128x128xf32, #tpu.memory_space<vmem_shared>>
    tpu.enqueue_dma source(%arg5 : memref<128x128xf32, #tpu.memory_space<hbm>>) target(%dma_start3A_20 : memref<128x128xf32, #tpu.memory_space<vmem_shared>>) target_semaphore(%arg13 : memref<!tpu.dma_semaphore, #tpu.memory_space<semaphore_mem>>)
    %add3A_21 = arith.constant 256 : i32
    %add3A_22 = arith.addi %multiple_of3A, %add3A_21 : i32
    %multiple_of3A_23 = tpu.assume_multiple %add3A_22, 128 : i32
    %dma_start3A_24 = arith.constant 0 : i32
    %dma_start3A_25 = tpu.memref_slice %arg9[%multiple_of3A_23, %dma_start3A_24] : memref<10240x128xf32, #tpu.memory_space<vmem_shared>> -> memref<128x128xf32, #tpu.memory_space<vmem_shared>>
    tpu.enqueue_dma source(%arg5 : memref<128x128xf32, #tpu.memory_space<hbm>>) target(%dma_start3A_25 : memref<128x128xf32, #tpu.memory_space<vmem_shared>>) target_semaphore(%arg14 : memref<!tpu.dma_semaphore, #tpu.memory_space<semaphore_mem>>)
    %add3A_26 = arith.constant 384 : i32
    %add3A_27 = arith.addi %multiple_of3A, %add3A_26 : i32
    %multiple_of3A_28 = tpu.assume_multiple %add3A_27, 128 : i32
    %dma_start3A_29 = arith.constant 0 : i32
    %dma_start3A_30 = tpu.memref_slice %arg9[%multiple_of3A_28, %dma_start3A_29] : memref<10240x128xf32, #tpu.memory_space<vmem_shared>> -> memref<128x128xf32, #tpu.memory_space<vmem_shared>>
    tpu.enqueue_dma source(%arg5 : memref<128x128xf32, #tpu.memory_space<hbm>>) target(%dma_start3A_30 : memref<128x128xf32, #tpu.memory_space<vmem_shared>>) target_semaphore(%arg15 : memref<!tpu.dma_semaphore, #tpu.memory_space<semaphore_mem>>)
    %add3A_31 = arith.constant 512 : i32
    %add3A_32 = arith.addi %multiple_of3A, %add3A_31 : i32
    %multiple_of3A_33 = tpu.assume_multiple %add3A_32, 128 : i32
    %dma_wait3A = arith.constant 0 : i32
    %dma_wait3A_34 = tpu.memref_slice %arg9[%multiple_of3A_14, %dma_wait3A] : memref<10240x128xf32, #tpu.memory_space<vmem_shared>> -> memref<128x128xf32, #tpu.memory_space<vmem_shared>>
    tpu.wait_dma2 semaphore(%arg12 : memref<!tpu.dma_semaphore, #tpu.memory_space<semaphore_mem>>) src(%arg5 : memref<128x128xf32, #tpu.memory_space<hbm>>) dst(%dma_wait3A_34 : memref<128x128xf32, #tpu.memory_space<vmem_shared>>)
    %dma_start3A_35 = arith.constant 0 : i32
    %dma_start3A_36 = tpu.memref_slice %arg9[%multiple_of3A_33, %dma_start3A_35] : memref<10240x128xf32, #tpu.memory_space<vmem_shared>> -> memref<128x128xf32, #tpu.memory_space<vmem_shared>>
    tpu.enqueue_dma source(%arg5 : memref<128x128xf32, #tpu.memory_space<hbm>>) target(%dma_start3A_36 : memref<128x128xf32, #tpu.memory_space<vmem_shared>>) target_semaphore(%arg12 : memref<!tpu.dma_semaphore, #tpu.memory_space<semaphore_mem>>)
    %dma_wait3A_37 = arith.constant 0 : i32
    %dma_wait3A_38 = tpu.memref_slice %arg9[%multiple_of3A_18, %dma_wait3A_37] : memref<10240x128xf32, #tpu.memory_space<vmem_shared>> -> memref<128x128xf32, #tpu.memory_space<vmem_shared>>
    tpu.wait_dma2 semaphore(%arg13 : memref<!tpu.dma_semaphore, #tpu.memory_space<semaphore_mem>>) src(%arg5 : memref<128x128xf32, #tpu.memory_space<hbm>>) dst(%dma_wait3A_38 : memref<128x128xf32, #tpu.memory_space<vmem_shared>>)
    %dma_wait3A_39 = arith.constant 0 : i32
    %dma_wait3A_40 = tpu.memref_slice %arg9[%multiple_of3A_23, %dma_wait3A_39] : memref<10240x128xf32, #tpu.memory_space<vmem_shared>> -> memref<128x128xf32, #tpu.memory_space<vmem_shared>>
    tpu.wait_dma2 semaphore(%arg14 : memref<!tpu.dma_semaphore, #tpu.memory_space<semaphore_mem>>) src(%arg5 : memref<128x128xf32, #tpu.memory_space<hbm>>) dst(%dma_wait3A_40 : memref<128x128xf32, #tpu.memory_space<vmem_shared>>)
    %dma_wait3A_41 = arith.constant 0 : i32
    %dma_wait3A_42 = tpu.memref_slice %arg9[%multiple_of3A_28, %dma_wait3A_41] : memref<10240x128xf32, #tpu.memory_space<vmem_shared>> -> memref<128x128xf32, #tpu.memory_space<vmem_shared>>
    tpu.wait_dma2 semaphore(%arg15 : memref<!tpu.dma_semaphore, #tpu.memory_space<semaphore_mem>>) src(%arg5 : memref<128x128xf32, #tpu.memory_space<hbm>>) dst(%dma_wait3A_42 : memref<128x128xf32, #tpu.memory_space<vmem_shared>>)
    %dma_wait3A_43 = arith.constant 0 : i32
    %dma_wait3A_44 = tpu.memref_slice %arg9[%multiple_of3A_33, %dma_wait3A_43] : memref<10240x128xf32, #tpu.memory_space<vmem_shared>> -> memref<128x128xf32, #tpu.memory_space<vmem_shared>>
    tpu.wait_dma2 semaphore(%arg12 : memref<!tpu.dma_semaphore, #tpu.memory_space<semaphore_mem>>) src(%arg5 : memref<128x128xf32, #tpu.memory_space<hbm>>) dst(%dma_wait3A_44 : memref<128x128xf32, #tpu.memory_space<vmem_shared>>)
    %barrier3A = arith.constant 0 : index
    tpu.barrier barrier_id(%barrier3A)
    %while3A = arith.constant 0 : i32
    %while3A_45 = arith.constant 0 : i32
    %while3A_46 = arith.subi %select_n3A_9, %while3A_45 : i32
    %while3A_47 = arith.addi %while3A_45, %while3A_46 : i32
    %while3A_48 = arith.constant 1 : i32
    %while3A_49 = arith.divsi %while3A_46, %while3A_48 : i32
    %while3A_50 = arith.muli %while3A_49, %while3A_48 : i32
    %while3A_51 = arith.addi %while3A_45, %while3A_50 : i32
    %while3A_52 = arith.constant 1 : i32
    scf.for %while3A_181 = %while3A_45 to %while3A_51 step %while3A_52  : i32 {
      %mul3A_182 = arith.constant 4 : i32
      %mul3A_183 = arith.muli %while3A_181, %mul3A_182 : i32
      %add3A_184 = arith.addi %select_n3A, %mul3A_183 : i32
      "tpu.region"() ({
        %run_scoped3A = tpu.sem_alloc : memref<!tpu.dma_semaphore, #tpu.memory_space<semaphore_mem>>
        %dma_start3A_190 = arith.constant 0 : i32
        %dma_start3A_191 = tpu.memref_slice %arg4[%add3A_184, %dma_start3A_190] : memref<1356x128xi32, #tpu.memory_space<hbm>> -> memref<4x128xi32, #tpu.memory_space<hbm>>
        %dma_start3A_192 = arith.constant 0 : i32
        %dma_start3A_193 = tpu.memref_slice %arg4[%add3A_184, %dma_start3A_192] : memref<1356x128xi32, #tpu.memory_space<hbm>> -> memref<4x128xi32, #tpu.memory_space<hbm>>
        tpu.enqueue_dma source(%dma_start3A_193 : memref<4x128xi32, #tpu.memory_space<hbm>>) target(%arg8 : memref<4x128xi32, #tpu.memory_space<vmem>>) target_semaphore(%run_scoped3A : memref<!tpu.dma_semaphore, #tpu.memory_space<semaphore_mem>>)
        %dma_wait3A_194 = arith.constant 0 : i32
        %dma_wait3A_195 = tpu.memref_slice %arg4[%add3A_184, %dma_wait3A_194] : memref<1356x128xi32, #tpu.memory_space<hbm>> -> memref<4x128xi32, #tpu.memory_space<hbm>>
        %dma_wait3A_196 = arith.constant 0 : i32
        %dma_wait3A_197 = tpu.memref_slice %arg4[%add3A_184, %dma_wait3A_196] : memref<1356x128xi32, #tpu.memory_space<hbm>> -> memref<4x128xi32, #tpu.memory_space<hbm>>
        tpu.wait_dma2 semaphore(%run_scoped3A : memref<!tpu.dma_semaphore, #tpu.memory_space<semaphore_mem>>) src(%dma_wait3A_197 : memref<4x128xi32, #tpu.memory_space<hbm>>) dst(%arg8 : memref<4x128xi32, #tpu.memory_space<vmem>>)
        tpu.yield
      }) : () -> ()
      "tpu.region"() ({
        %run_scoped3A = tpu.sem_alloc : memref<!tpu.dma_semaphore, #tpu.memory_space<semaphore_mem>>
        %dma_start3A_190 = arith.constant 0 : i32
        %dma_start3A_191 = tpu.memref_slice %arg3[%add3A_184, %dma_start3A_190] : memref<1356x128xi32, #tpu.memory_space<hbm>> -> memref<4x128xi32, #tpu.memory_space<hbm>>
        %dma_start3A_192 = arith.constant 0 : i32
        %dma_start3A_193 = tpu.memref_slice %arg3[%add3A_184, %dma_start3A_192] : memref<1356x128xi32, #tpu.memory_space<hbm>> -> memref<4x128xi32, #tpu.memory_space<hbm>>
        tpu.enqueue_dma source(%dma_start3A_193 : memref<4x128xi32, #tpu.memory_space<hbm>>) target(%arg7 : memref<4x128xi32, #tpu.memory_space<vmem>>) target_semaphore(%run_scoped3A : memref<!tpu.dma_semaphore, #tpu.memory_space<semaphore_mem>>)
        %dma_wait3A_194 = arith.constant 0 : i32
        %dma_wait3A_195 = tpu.memref_slice %arg3[%add3A_184, %dma_wait3A_194] : memref<1356x128xi32, #tpu.memory_space<hbm>> -> memref<4x128xi32, #tpu.memory_space<hbm>>
        %dma_wait3A_196 = arith.constant 0 : i32
        %dma_wait3A_197 = tpu.memref_slice %arg3[%add3A_184, %dma_wait3A_196] : memref<1356x128xi32, #tpu.memory_space<hbm>> -> memref<4x128xi32, #tpu.memory_space<hbm>>
        tpu.wait_dma2 semaphore(%run_scoped3A : memref<!tpu.dma_semaphore, #tpu.memory_space<semaphore_mem>>) src(%dma_wait3A_197 : memref<4x128xi32, #tpu.memory_space<hbm>>) dst(%arg7 : memref<4x128xi32, #tpu.memory_space<vmem>>)
        tpu.yield
      }) : () -> ()
      %scan3A = arith.constant 0 : i32
      %scan3A_185 = arith.constant 0 : i32
      %scan3A_186 = arith.constant 2 : i32
      %scan3A_187 = arith.addi %scan3A_185, %scan3A_186 : i32
      %scan3A_188 = arith.constant 1 : i32
      scf.for %scan3A_190 = %scan3A_185 to %scan3A_187 step %scan3A_188  : i32 {
        %mul3A_191 = arith.constant 2 : i32
        %mul3A_192 = arith.muli %scan3A_190, %mul3A_191 : i32
        %add3A_193 = arith.constant 0 : i32
        %add3A_194 = arith.addi %mul3A_192, %add3A_193 : i32
        %dma_start3A_195 = arith.constant 0 : i32
        %dma_start3A_196 = tpu.memref_slice %arg7[%add3A_194, %dma_start3A_195] : memref<4x128xi32, #tpu.memory_space<vmem>> -> memref<1x128xi32, #tpu.memory_space<vmem>>
        %dma_start3A_197 = tpu.memref_squeeze %dma_start3A_196 : memref<1x128xi32, #tpu.memory_space<vmem>> -> memref<128xi32, #tpu.memory_space<vmem>>
        %dma_start3A_198 = arith.constant 0 : i32
        %dma_start3A_199 = arith.constant 0 : i32
        %dma_start3A_200 = tpu.memref_slice %arg2[%dma_start3A_198, %dma_start3A_199] : memref<10240x128xf32, #tpu.memory_space<hbm>> -> memref<10240x128xf32, #tpu.memory_space<hbm>>
        tpu.enqueue_indirect_dma source(%dma_start3A_200 : memref<10240x128xf32, #tpu.memory_space<hbm>>) target(%arg10 : memref<128x128xf32, #tpu.memory_space<vmem>>) offsets(%dma_start3A_197 : memref<128xi32, #tpu.memory_space<vmem>>) semaphore(%arg12 : memref<!tpu.dma_semaphore, #tpu.memory_space<semaphore_mem>>)
        %add3A_201 = arith.constant 1 : i32
        %add3A_202 = arith.addi %mul3A_192, %add3A_201 : i32
        %dma_start3A_203 = arith.constant 0 : i32
        %dma_start3A_204 = tpu.memref_slice %arg7[%add3A_202, %dma_start3A_203] : memref<4x128xi32, #tpu.memory_space<vmem>> -> memref<1x128xi32, #tpu.memory_space<vmem>>
        %dma_start3A_205 = tpu.memref_squeeze %dma_start3A_204 : memref<1x128xi32, #tpu.memory_space<vmem>> -> memref<128xi32, #tpu.memory_space<vmem>>
        %dma_start3A_206 = arith.constant 0 : i32
        %dma_start3A_207 = arith.constant 0 : i32
        %dma_start3A_208 = tpu.memref_slice %arg2[%dma_start3A_206, %dma_start3A_207] : memref<10240x128xf32, #tpu.memory_space<hbm>> -> memref<10240x128xf32, #tpu.memory_space<hbm>>
        tpu.enqueue_indirect_dma source(%dma_start3A_208 : memref<10240x128xf32, #tpu.memory_space<hbm>>) target(%arg11 : memref<128x128xf32, #tpu.memory_space<vmem>>) offsets(%dma_start3A_205 : memref<128xi32, #tpu.memory_space<vmem>>) semaphore(%arg13 : memref<!tpu.dma_semaphore, #tpu.memory_space<semaphore_mem>>)
        %dma_wait3A_209 = arith.constant 0 : i32
        %dma_wait3A_210 = tpu.memref_slice %arg7[%add3A_194, %dma_wait3A_209] : memref<4x128xi32, #tpu.memory_space<vmem>> -> memref<1x128xi32, #tpu.memory_space<vmem>>
        %dma_wait3A_211 = tpu.memref_squeeze %dma_wait3A_210 : memref<1x128xi32, #tpu.memory_space<vmem>> -> memref<128xi32, #tpu.memory_space<vmem>>
        %dma_wait3A_212 = arith.constant 0 : i32
        %dma_wait3A_213 = arith.constant 0 : i32
        %dma_wait3A_214 = tpu.memref_slice %arg2[%dma_wait3A_212, %dma_wait3A_213] : memref<10240x128xf32, #tpu.memory_space<hbm>> -> memref<10240x128xf32, #tpu.memory_space<hbm>>
        tpu.wait_indirect_dma semaphore(%arg12 : memref<!tpu.dma_semaphore, #tpu.memory_space<semaphore_mem>>) src(%dma_wait3A_214 : memref<10240x128xf32, #tpu.memory_space<hbm>>) dst(%arg10 : memref<128x128xf32, #tpu.memory_space<vmem>>)
        %add3A_215 = arith.constant 0 : i32
        %add3A_216 = arith.addi %mul3A_192, %add3A_215 : i32
        %dma_start3A_217 = arith.constant 0 : i32
        %dma_start3A_218 = tpu.memref_slice %arg8[%add3A_216, %dma_start3A_217] : memref<4x128xi32, #tpu.memory_space<vmem>> -> memref<1x128xi32, #tpu.memory_space<vmem>>
        %dma_start3A_219 = tpu.memref_squeeze %dma_start3A_218 : memref<1x128xi32, #tpu.memory_space<vmem>> -> memref<128xi32, #tpu.memory_space<vmem>>
        %dma_start3A_220 = arith.constant 0 : i32
        %dma_start3A_221 = arith.constant 0 : i32
        %dma_start3A_222 = tpu.memref_slice %arg9[%dma_start3A_220, %dma_start3A_221] : memref<10240x128xf32, #tpu.memory_space<vmem_shared>> -> memref<10240x128xf32, #tpu.memory_space<vmem_shared>>
        tpu.enqueue_indirect_dma source(%arg10 : memref<128x128xf32, #tpu.memory_space<vmem>>) target(%dma_start3A_222 : memref<10240x128xf32, #tpu.memory_space<vmem_shared>>) offsets(%dma_start3A_219 : memref<128xi32, #tpu.memory_space<vmem>>) semaphore(%arg14 : memref<!tpu.dma_semaphore, #tpu.memory_space<semaphore_mem>>) {add = true}
        %dma_wait3A_223 = arith.constant 0 : i32
        %dma_wait3A_224 = tpu.memref_slice %arg7[%add3A_202, %dma_wait3A_223] : memref<4x128xi32, #tpu.memory_space<vmem>> -> memref<1x128xi32, #tpu.memory_space<vmem>>
        %dma_wait3A_225 = tpu.memref_squeeze %dma_wait3A_224 : memref<1x128xi32, #tpu.memory_space<vmem>> -> memref<128xi32, #tpu.memory_space<vmem>>
        %dma_wait3A_226 = arith.constant 0 : i32
        %dma_wait3A_227 = arith.constant 0 : i32
        %dma_wait3A_228 = tpu.memref_slice %arg2[%dma_wait3A_226, %dma_wait3A_227] : memref<10240x128xf32, #tpu.memory_space<hbm>> -> memref<10240x128xf32, #tpu.memory_space<hbm>>
        tpu.wait_indirect_dma semaphore(%arg13 : memref<!tpu.dma_semaphore, #tpu.memory_space<semaphore_mem>>) src(%dma_wait3A_228 : memref<10240x128xf32, #tpu.memory_space<hbm>>) dst(%arg11 : memref<128x128xf32, #tpu.memory_space<vmem>>)
        %add3A_229 = arith.constant 1 : i32
        %add3A_230 = arith.addi %mul3A_192, %add3A_229 : i32
        %dma_start3A_231 = arith.constant 0 : i32
        %dma_start3A_232 = tpu.memref_slice %arg8[%add3A_230, %dma_start3A_231] : memref<4x128xi32, #tpu.memory_space<vmem>> -> memref<1x128xi32, #tpu.memory_space<vmem>>
        %dma_start3A_233 = tpu.memref_squeeze %dma_start3A_232 : memref<1x128xi32, #tpu.memory_space<vmem>> -> memref<128xi32, #tpu.memory_space<vmem>>
        %dma_start3A_234 = arith.constant 0 : i32
        %dma_start3A_235 = arith.constant 0 : i32
        %dma_start3A_236 = tpu.memref_slice %arg9[%dma_start3A_234, %dma_start3A_235] : memref<10240x128xf32, #tpu.memory_space<vmem_shared>> -> memref<10240x128xf32, #tpu.memory_space<vmem_shared>>
        tpu.enqueue_indirect_dma source(%arg11 : memref<128x128xf32, #tpu.memory_space<vmem>>) target(%dma_start3A_236 : memref<10240x128xf32, #tpu.memory_space<vmem_shared>>) offsets(%dma_start3A_233 : memref<128xi32, #tpu.memory_space<vmem>>) semaphore(%arg15 : memref<!tpu.dma_semaphore, #tpu.memory_space<semaphore_mem>>) {add = true}
        %dma_wait3A_237 = arith.constant 0 : i32
        %dma_wait3A_238 = tpu.memref_slice %arg8[%add3A_216, %dma_wait3A_237] : memref<4x128xi32, #tpu.memory_space<vmem>> -> memref<1x128xi32, #tpu.memory_space<vmem>>
        %dma_wait3A_239 = tpu.memref_squeeze %dma_wait3A_238 : memref<1x128xi32, #tpu.memory_space<vmem>> -> memref<128xi32, #tpu.memory_space<vmem>>
        %dma_wait3A_240 = arith.constant 0 : i32
        %dma_wait3A_241 = arith.constant 0 : i32
        %dma_wait3A_242 = tpu.memref_slice %arg9[%dma_wait3A_240, %dma_wait3A_241] : memref<10240x128xf32, #tpu.memory_space<vmem_shared>> -> memref<10240x128xf32, #tpu.memory_space<vmem_shared>>
        tpu.wait_indirect_dma semaphore(%arg14 : memref<!tpu.dma_semaphore, #tpu.memory_space<semaphore_mem>>) src(%arg10 : memref<128x128xf32, #tpu.memory_space<vmem>>) dst(%dma_wait3A_242 : memref<10240x128xf32, #tpu.memory_space<vmem_shared>>)
        %dma_wait3A_243 = arith.constant 0 : i32
        %dma_wait3A_244 = tpu.memref_slice %arg8[%add3A_230, %dma_wait3A_243] : memref<4x128xi32, #tpu.memory_space<vmem>> -> memref<1x128xi32, #tpu.memory_space<vmem>>
        %dma_wait3A_245 = tpu.memref_squeeze %dma_wait3A_244 : memref<1x128xi32, #tpu.memory_space<vmem>> -> memref<128xi32, #tpu.memory_space<vmem>>
        %dma_wait3A_246 = arith.constant 0 : i32
        %dma_wait3A_247 = arith.constant 0 : i32
        %dma_wait3A_248 = tpu.memref_slice %arg9[%dma_wait3A_246, %dma_wait3A_247] : memref<10240x128xf32, #tpu.memory_space<vmem_shared>> -> memref<10240x128xf32, #tpu.memory_space<vmem_shared>>
        tpu.wait_indirect_dma semaphore(%arg15 : memref<!tpu.dma_semaphore, #tpu.memory_space<semaphore_mem>>) src(%arg11 : memref<128x128xf32, #tpu.memory_space<vmem>>) dst(%dma_wait3A_248 : memref<10240x128xf32, #tpu.memory_space<vmem_shared>>)
      }
      %scan3A_189 = arith.constant 2 : i32
    }
    %while3A_53 = arith.constant 1 : i32
    scf.for %while3A_181 = %while3A_51 to %while3A_47 step %while3A_53  : i32 {
      %mul3A_182 = arith.constant 4 : i32
      %mul3A_183 = arith.muli %while3A_181, %mul3A_182 : i32
      %add3A_184 = arith.addi %select_n3A, %mul3A_183 : i32
      "tpu.region"() ({
        %run_scoped3A = tpu.sem_alloc : memref<!tpu.dma_semaphore, #tpu.memory_space<semaphore_mem>>
        %dma_start3A_190 = arith.constant 0 : i32
        %dma_start3A_191 = tpu.memref_slice %arg4[%add3A_184, %dma_start3A_190] : memref<1356x128xi32, #tpu.memory_space<hbm>> -> memref<4x128xi32, #tpu.memory_space<hbm>>
        %dma_start3A_192 = arith.constant 0 : i32
        %dma_start3A_193 = tpu.memref_slice %arg4[%add3A_184, %dma_start3A_192] : memref<1356x128xi32, #tpu.memory_space<hbm>> -> memref<4x128xi32, #tpu.memory_space<hbm>>
        tpu.enqueue_dma source(%dma_start3A_193 : memref<4x128xi32, #tpu.memory_space<hbm>>) target(%arg8 : memref<4x128xi32, #tpu.memory_space<vmem>>) target_semaphore(%run_scoped3A : memref<!tpu.dma_semaphore, #tpu.memory_space<semaphore_mem>>)
        %dma_wait3A_194 = arith.constant 0 : i32
        %dma_wait3A_195 = tpu.memref_slice %arg4[%add3A_184, %dma_wait3A_194] : memref<1356x128xi32, #tpu.memory_space<hbm>> -> memref<4x128xi32, #tpu.memory_space<hbm>>
        %dma_wait3A_196 = arith.constant 0 : i32
        %dma_wait3A_197 = tpu.memref_slice %arg4[%add3A_184, %dma_wait3A_196] : memref<1356x128xi32, #tpu.memory_space<hbm>> -> memref<4x128xi32, #tpu.memory_space<hbm>>
        tpu.wait_dma2 semaphore(%run_scoped3A : memref<!tpu.dma_semaphore, #tpu.memory_space<semaphore_mem>>) src(%dma_wait3A_197 : memref<4x128xi32, #tpu.memory_space<hbm>>) dst(%arg8 : memref<4x128xi32, #tpu.memory_space<vmem>>)
        tpu.yield
      }) : () -> ()
      "tpu.region"() ({
        %run_scoped3A = tpu.sem_alloc : memref<!tpu.dma_semaphore, #tpu.memory_space<semaphore_mem>>
        %dma_start3A_190 = arith.constant 0 : i32
        %dma_start3A_191 = tpu.memref_slice %arg3[%add3A_184, %dma_start3A_190] : memref<1356x128xi32, #tpu.memory_space<hbm>> -> memref<4x128xi32, #tpu.memory_space<hbm>>
        %dma_start3A_192 = arith.constant 0 : i32
        %dma_start3A_193 = tpu.memref_slice %arg3[%add3A_184, %dma_start3A_192] : memref<1356x128xi32, #tpu.memory_space<hbm>> -> memref<4x128xi32, #tpu.memory_space<hbm>>
        tpu.enqueue_dma source(%dma_start3A_193 : memref<4x128xi32, #tpu.memory_space<hbm>>) target(%arg7 : memref<4x128xi32, #tpu.memory_space<vmem>>) target_semaphore(%run_scoped3A : memref<!tpu.dma_semaphore, #tpu.memory_space<semaphore_mem>>)
        %dma_wait3A_194 = arith.constant 0 : i32
        %dma_wait3A_195 = tpu.memref_slice %arg3[%add3A_184, %dma_wait3A_194] : memref<1356x128xi32, #tpu.memory_space<hbm>> -> memref<4x128xi32, #tpu.memory_space<hbm>>
        %dma_wait3A_196 = arith.constant 0 : i32
        %dma_wait3A_197 = tpu.memref_slice %arg3[%add3A_184, %dma_wait3A_196] : memref<1356x128xi32, #tpu.memory_space<hbm>> -> memref<4x128xi32, #tpu.memory_space<hbm>>
        tpu.wait_dma2 semaphore(%run_scoped3A : memref<!tpu.dma_semaphore, #tpu.memory_space<semaphore_mem>>) src(%dma_wait3A_197 : memref<4x128xi32, #tpu.memory_space<hbm>>) dst(%arg7 : memref<4x128xi32, #tpu.memory_space<vmem>>)
        tpu.yield
      }) : () -> ()
      %scan3A = arith.constant 0 : i32
      %scan3A_185 = arith.constant 0 : i32
      %scan3A_186 = arith.constant 2 : i32
      %scan3A_187 = arith.addi %scan3A_185, %scan3A_186 : i32
      %scan3A_188 = arith.constant 1 : i32
      scf.for %scan3A_190 = %scan3A_185 to %scan3A_187 step %scan3A_188  : i32 {
        %mul3A_191 = arith.constant 2 : i32
        %mul3A_192 = arith.muli %scan3A_190, %mul3A_191 : i32
        %add3A_193 = arith.constant 0 : i32
        %add3A_194 = arith.addi %mul3A_192, %add3A_193 : i32
        %dma_start3A_195 = arith.constant 0 : i32
        %dma_start3A_196 = tpu.memref_slice %arg7[%add3A_194, %dma_start3A_195] : memref<4x128xi32, #tpu.memory_space<vmem>> -> memref<1x128xi32, #tpu.memory_space<vmem>>
        %dma_start3A_197 = tpu.memref_squeeze %dma_start3A_196 : memref<1x128xi32, #tpu.memory_space<vmem>> -> memref<128xi32, #tpu.memory_space<vmem>>
        %dma_start3A_198 = arith.constant 0 : i32
        %dma_start3A_199 = arith.constant 0 : i32
        %dma_start3A_200 = tpu.memref_slice %arg2[%dma_start3A_198, %dma_start3A_199] : memref<10240x128xf32, #tpu.memory_space<hbm>> -> memref<10240x128xf32, #tpu.memory_space<hbm>>
        tpu.enqueue_indirect_dma source(%dma_start3A_200 : memref<10240x128xf32, #tpu.memory_space<hbm>>) target(%arg10 : memref<128x128xf32, #tpu.memory_space<vmem>>) offsets(%dma_start3A_197 : memref<128xi32, #tpu.memory_space<vmem>>) semaphore(%arg12 : memref<!tpu.dma_semaphore, #tpu.memory_space<semaphore_mem>>)
        %add3A_201 = arith.constant 1 : i32
        %add3A_202 = arith.addi %mul3A_192, %add3A_201 : i32
        %dma_start3A_203 = arith.constant 0 : i32
        %dma_start3A_204 = tpu.memref_slice %arg7[%add3A_202, %dma_start3A_203] : memref<4x128xi32, #tpu.memory_space<vmem>> -> memref<1x128xi32, #tpu.memory_space<vmem>>
        %dma_start3A_205 = tpu.memref_squeeze %dma_start3A_204 : memref<1x128xi32, #tpu.memory_space<vmem>> -> memref<128xi32, #tpu.memory_space<vmem>>
        %dma_start3A_206 = arith.constant 0 : i32
        %dma_start3A_207 = arith.constant 0 : i32
        %dma_start3A_208 = tpu.memref_slice %arg2[%dma_start3A_206, %dma_start3A_207] : memref<10240x128xf32, #tpu.memory_space<hbm>> -> memref<10240x128xf32, #tpu.memory_space<hbm>>
        tpu.enqueue_indirect_dma source(%dma_start3A_208 : memref<10240x128xf32, #tpu.memory_space<hbm>>) target(%arg11 : memref<128x128xf32, #tpu.memory_space<vmem>>) offsets(%dma_start3A_205 : memref<128xi32, #tpu.memory_space<vmem>>) semaphore(%arg13 : memref<!tpu.dma_semaphore, #tpu.memory_space<semaphore_mem>>)
        %dma_wait3A_209 = arith.constant 0 : i32
        %dma_wait3A_210 = tpu.memref_slice %arg7[%add3A_194, %dma_wait3A_209] : memref<4x128xi32, #tpu.memory_space<vmem>> -> memref<1x128xi32, #tpu.memory_space<vmem>>
        %dma_wait3A_211 = tpu.memref_squeeze %dma_wait3A_210 : memref<1x128xi32, #tpu.memory_space<vmem>> -> memref<128xi32, #tpu.memory_space<vmem>>
        %dma_wait3A_212 = arith.constant 0 : i32
        %dma_wait3A_213 = arith.constant 0 : i32
        %dma_wait3A_214 = tpu.memref_slice %arg2[%dma_wait3A_212, %dma_wait3A_213] : memref<10240x128xf32, #tpu.memory_space<hbm>> -> memref<10240x128xf32, #tpu.memory_space<hbm>>
        tpu.wait_indirect_dma semaphore(%arg12 : memref<!tpu.dma_semaphore, #tpu.memory_space<semaphore_mem>>) src(%dma_wait3A_214 : memref<10240x128xf32, #tpu.memory_space<hbm>>) dst(%arg10 : memref<128x128xf32, #tpu.memory_space<vmem>>)
        %add3A_215 = arith.constant 0 : i32
        %add3A_216 = arith.addi %mul3A_192, %add3A_215 : i32
        %dma_start3A_217 = arith.constant 0 : i32
        %dma_start3A_218 = tpu.memref_slice %arg8[%add3A_216, %dma_start3A_217] : memref<4x128xi32, #tpu.memory_space<vmem>> -> memref<1x128xi32, #tpu.memory_space<vmem>>
        %dma_start3A_219 = tpu.memref_squeeze %dma_start3A_218 : memref<1x128xi32, #tpu.memory_space<vmem>> -> memref<128xi32, #tpu.memory_space<vmem>>
        %dma_start3A_220 = arith.constant 0 : i32
        %dma_start3A_221 = arith.constant 0 : i32
        %dma_start3A_222 = tpu.memref_slice %arg9[%dma_start3A_220, %dma_start3A_221] : memref<10240x128xf32, #tpu.memory_space<vmem_shared>> -> memref<10240x128xf32, #tpu.memory_space<vmem_shared>>
        tpu.enqueue_indirect_dma source(%arg10 : memref<128x128xf32, #tpu.memory_space<vmem>>) target(%dma_start3A_222 : memref<10240x128xf32, #tpu.memory_space<vmem_shared>>) offsets(%dma_start3A_219 : memref<128xi32, #tpu.memory_space<vmem>>) semaphore(%arg14 : memref<!tpu.dma_semaphore, #tpu.memory_space<semaphore_mem>>) {add = true}
        %dma_wait3A_223 = arith.constant 0 : i32
        %dma_wait3A_224 = tpu.memref_slice %arg7[%add3A_202, %dma_wait3A_223] : memref<4x128xi32, #tpu.memory_space<vmem>> -> memref<1x128xi32, #tpu.memory_space<vmem>>
        %dma_wait3A_225 = tpu.memref_squeeze %dma_wait3A_224 : memref<1x128xi32, #tpu.memory_space<vmem>> -> memref<128xi32, #tpu.memory_space<vmem>>
        %dma_wait3A_226 = arith.constant 0 : i32
        %dma_wait3A_227 = arith.constant 0 : i32
        %dma_wait3A_228 = tpu.memref_slice %arg2[%dma_wait3A_226, %dma_wait3A_227] : memref<10240x128xf32, #tpu.memory_space<hbm>> -> memref<10240x128xf32, #tpu.memory_space<hbm>>
        tpu.wait_indirect_dma semaphore(%arg13 : memref<!tpu.dma_semaphore, #tpu.memory_space<semaphore_mem>>) src(%dma_wait3A_228 : memref<10240x128xf32, #tpu.memory_space<hbm>>) dst(%arg11 : memref<128x128xf32, #tpu.memory_space<vmem>>)
        %add3A_229 = arith.constant 1 : i32
        %add3A_230 = arith.addi %mul3A_192, %add3A_229 : i32
        %dma_start3A_231 = arith.constant 0 : i32
        %dma_start3A_232 = tpu.memref_slice %arg8[%add3A_230, %dma_start3A_231] : memref<4x128xi32, #tpu.memory_space<vmem>> -> memref<1x128xi32, #tpu.memory_space<vmem>>
        %dma_start3A_233 = tpu.memref_squeeze %dma_start3A_232 : memref<1x128xi32, #tpu.memory_space<vmem>> -> memref<128xi32, #tpu.memory_space<vmem>>
        %dma_start3A_234 = arith.constant 0 : i32
        %dma_start3A_235 = arith.constant 0 : i32
        %dma_start3A_236 = tpu.memref_slice %arg9[%dma_start3A_234, %dma_start3A_235] : memref<10240x128xf32, #tpu.memory_space<vmem_shared>> -> memref<10240x128xf32, #tpu.memory_space<vmem_shared>>
        tpu.enqueue_indirect_dma source(%arg11 : memref<128x128xf32, #tpu.memory_space<vmem>>) target(%dma_start3A_236 : memref<10240x128xf32, #tpu.memory_space<vmem_shared>>) offsets(%dma_start3A_233 : memref<128xi32, #tpu.memory_space<vmem>>) semaphore(%arg15 : memref<!tpu.dma_semaphore, #tpu.memory_space<semaphore_mem>>) {add = true}
        %dma_wait3A_237 = arith.constant 0 : i32
        %dma_wait3A_238 = tpu.memref_slice %arg8[%add3A_216, %dma_wait3A_237] : memref<4x128xi32, #tpu.memory_space<vmem>> -> memref<1x128xi32, #tpu.memory_space<vmem>>
        %dma_wait3A_239 = tpu.memref_squeeze %dma_wait3A_238 : memref<1x128xi32, #tpu.memory_space<vmem>> -> memref<128xi32, #tpu.memory_space<vmem>>
        %dma_wait3A_240 = arith.constant 0 : i32
        %dma_wait3A_241 = arith.constant 0 : i32
        %dma_wait3A_242 = tpu.memref_slice %arg9[%dma_wait3A_240, %dma_wait3A_241] : memref<10240x128xf32, #tpu.memory_space<vmem_shared>> -> memref<10240x128xf32, #tpu.memory_space<vmem_shared>>
        tpu.wait_indirect_dma semaphore(%arg14 : memref<!tpu.dma_semaphore, #tpu.memory_space<semaphore_mem>>) src(%arg10 : memref<128x128xf32, #tpu.memory_space<vmem>>) dst(%dma_wait3A_242 : memref<10240x128xf32, #tpu.memory_space<vmem_shared>>)
        %dma_wait3A_243 = arith.constant 0 : i32
        %dma_wait3A_244 = tpu.memref_slice %arg8[%add3A_230, %dma_wait3A_243] : memref<4x128xi32, #tpu.memory_space<vmem>> -> memref<1x128xi32, #tpu.memory_space<vmem>>
        %dma_wait3A_245 = tpu.memref_squeeze %dma_wait3A_244 : memref<1x128xi32, #tpu.memory_space<vmem>> -> memref<128xi32, #tpu.memory_space<vmem>>
        %dma_wait3A_246 = arith.constant 0 : i32
        %dma_wait3A_247 = arith.constant 0 : i32
        %dma_wait3A_248 = tpu.memref_slice %arg9[%dma_wait3A_246, %dma_wait3A_247] : memref<10240x128xf32, #tpu.memory_space<vmem_shared>> -> memref<10240x128xf32, #tpu.memory_space<vmem_shared>>
        tpu.wait_indirect_dma semaphore(%arg15 : memref<!tpu.dma_semaphore, #tpu.memory_space<semaphore_mem>>) src(%arg11 : memref<128x128xf32, #tpu.memory_space<vmem>>) dst(%dma_wait3A_248 : memref<10240x128xf32, #tpu.memory_space<vmem_shared>>)
      }
      %scan3A_189 = arith.constant 2 : i32
    }
    %barrier3A_54 = arith.constant 0 : index
    tpu.barrier barrier_id(%barrier3A_54)
    %mul3A_55 = arith.constant 10240 : i32
    %mul3A_56 = arith.muli %arg0, %mul3A_55 : i32
    %mul3A_57 = arith.constant 640 : i32
    %mul3A_58 = arith.muli %arg1, %mul3A_57 : i32
    %add3A_59 = arith.addi %mul3A_56, %mul3A_58 : i32
    %multiple_of3A_60 = tpu.assume_multiple %add3A_59, 128 : i32
    %mul3A_61 = arith.constant 640 : i32
    %mul3A_62 = arith.muli %arg1, %mul3A_61 : i32
    %add3A_63 = arith.constant 0 : i32
    %add3A_64 = arith.addi %mul3A_62, %add3A_63 : i32
    %multiple_of3A_65 = tpu.assume_multiple %add3A_64, 128 : i32
    %dma_start3A_66 = arith.constant 0 : i32
    %dma_start3A_67 = tpu.memref_slice %arg9[%multiple_of3A_65, %dma_start3A_66] : memref<10240x128xf32, #tpu.memory_space<vmem_shared>> -> memref<128x128xf32, #tpu.memory_space<vmem_shared>>
    %dma_start3A_68 = arith.constant 0 : i32
    %dma_start3A_69 = tpu.memref_slice %arg9[%multiple_of3A_65, %dma_start3A_68] : memref<10240x128xf32, #tpu.memory_space<vmem_shared>> -> memref<128x128xf32, #tpu.memory_space<vmem_shared>>
    tpu.enqueue_dma source(%dma_start3A_69 : memref<128x128xf32, #tpu.memory_space<vmem_shared>>) target(%arg10 : memref<128x128xf32, #tpu.memory_space<vmem>>) target_semaphore(%arg12 : memref<!tpu.dma_semaphore, #tpu.memory_space<semaphore_mem>>)
    %mul3A_70 = arith.constant 640 : i32
    %mul3A_71 = arith.muli %arg1, %mul3A_70 : i32
    %add3A_72 = arith.constant 128 : i32
    %add3A_73 = arith.addi %mul3A_71, %add3A_72 : i32
    %multiple_of3A_74 = tpu.assume_multiple %add3A_73, 128 : i32
    %dma_start3A_75 = arith.constant 0 : i32
    %dma_start3A_76 = tpu.memref_slice %arg9[%multiple_of3A_74, %dma_start3A_75] : memref<10240x128xf32, #tpu.memory_space<vmem_shared>> -> memref<128x128xf32, #tpu.memory_space<vmem_shared>>
    %dma_start3A_77 = arith.constant 0 : i32
    %dma_start3A_78 = tpu.memref_slice %arg9[%multiple_of3A_74, %dma_start3A_77] : memref<10240x128xf32, #tpu.memory_space<vmem_shared>> -> memref<128x128xf32, #tpu.memory_space<vmem_shared>>
    tpu.enqueue_dma source(%dma_start3A_78 : memref<128x128xf32, #tpu.memory_space<vmem_shared>>) target(%arg11 : memref<128x128xf32, #tpu.memory_space<vmem>>) target_semaphore(%arg13 : memref<!tpu.dma_semaphore, #tpu.memory_space<semaphore_mem>>)
    %dma_wait3A_79 = arith.constant 0 : i32
    %dma_wait3A_80 = tpu.memref_slice %arg9[%multiple_of3A_65, %dma_wait3A_79] : memref<10240x128xf32, #tpu.memory_space<vmem_shared>> -> memref<128x128xf32, #tpu.memory_space<vmem_shared>>
    %dma_wait3A_81 = arith.constant 0 : i32
    %dma_wait3A_82 = tpu.memref_slice %arg9[%multiple_of3A_65, %dma_wait3A_81] : memref<10240x128xf32, #tpu.memory_space<vmem_shared>> -> memref<128x128xf32, #tpu.memory_space<vmem_shared>>
    tpu.wait_dma2 semaphore(%arg12 : memref<!tpu.dma_semaphore, #tpu.memory_space<semaphore_mem>>) src(%dma_wait3A_82 : memref<128x128xf32, #tpu.memory_space<vmem_shared>>) dst(%arg10 : memref<128x128xf32, #tpu.memory_space<vmem>>)
    %add3A_83 = arith.constant 0 : i32
    %add3A_84 = arith.addi %multiple_of3A_60, %add3A_83 : i32
    %multiple_of3A_85 = tpu.assume_multiple %add3A_84, 128 : i32
    %dma_start3A_86 = arith.constant 0 : i32
    %dma_start3A_87 = tpu.memref_slice %arg6[%multiple_of3A_85, %dma_start3A_86] : memref<20480x128xf32, #tpu.memory_space<hbm>> -> memref<128x128xf32, #tpu.memory_space<hbm>>
    %dma_start3A_88 = arith.constant 0 : i32
    %dma_start3A_89 = tpu.memref_slice %arg6[%multiple_of3A_85, %dma_start3A_88] : memref<20480x128xf32, #tpu.memory_space<hbm>> -> memref<128x128xf32, #tpu.memory_space<hbm>>
    tpu.enqueue_dma source(%arg10 : memref<128x128xf32, #tpu.memory_space<vmem>>) target(%dma_start3A_89 : memref<128x128xf32, #tpu.memory_space<hbm>>) target_semaphore(%arg14 : memref<!tpu.dma_semaphore, #tpu.memory_space<semaphore_mem>>)
    %dma_wait3A_90 = arith.constant 0 : i32
    %dma_wait3A_91 = tpu.memref_slice %arg9[%multiple_of3A_74, %dma_wait3A_90] : memref<10240x128xf32, #tpu.memory_space<vmem_shared>> -> memref<128x128xf32, #tpu.memory_space<vmem_shared>>
    %dma_wait3A_92 = arith.constant 0 : i32
    %dma_wait3A_93 = tpu.memref_slice %arg9[%multiple_of3A_74, %dma_wait3A_92] : memref<10240x128xf32, #tpu.memory_space<vmem_shared>> -> memref<128x128xf32, #tpu.memory_space<vmem_shared>>
    tpu.wait_dma2 semaphore(%arg13 : memref<!tpu.dma_semaphore, #tpu.memory_space<semaphore_mem>>) src(%dma_wait3A_93 : memref<128x128xf32, #tpu.memory_space<vmem_shared>>) dst(%arg11 : memref<128x128xf32, #tpu.memory_space<vmem>>)
    %add3A_94 = arith.constant 128 : i32
    %add3A_95 = arith.addi %multiple_of3A_60, %add3A_94 : i32
    %multiple_of3A_96 = tpu.assume_multiple %add3A_95, 128 : i32
    %dma_start3A_97 = arith.constant 0 : i32
    %dma_start3A_98 = tpu.memref_slice %arg6[%multiple_of3A_96, %dma_start3A_97] : memref<20480x128xf32, #tpu.memory_space<hbm>> -> memref<128x128xf32, #tpu.memory_space<hbm>>
    %dma_start3A_99 = arith.constant 0 : i32
    %dma_start3A_100 = tpu.memref_slice %arg6[%multiple_of3A_96, %dma_start3A_99] : memref<20480x128xf32, #tpu.memory_space<hbm>> -> memref<128x128xf32, #tpu.memory_space<hbm>>
    tpu.enqueue_dma source(%arg11 : memref<128x128xf32, #tpu.memory_space<vmem>>) target(%dma_start3A_100 : memref<128x128xf32, #tpu.memory_space<hbm>>) target_semaphore(%arg15 : memref<!tpu.dma_semaphore, #tpu.memory_space<semaphore_mem>>)
    %dma_wait3A_101 = arith.constant 0 : i32
    %dma_wait3A_102 = tpu.memref_slice %arg6[%multiple_of3A_85, %dma_wait3A_101] : memref<20480x128xf32, #tpu.memory_space<hbm>> -> memref<128x128xf32, #tpu.memory_space<hbm>>
    %dma_wait3A_103 = arith.constant 0 : i32
    %dma_wait3A_104 = tpu.memref_slice %arg6[%multiple_of3A_85, %dma_wait3A_103] : memref<20480x128xf32, #tpu.memory_space<hbm>> -> memref<128x128xf32, #tpu.memory_space<hbm>>
    tpu.wait_dma2 semaphore(%arg14 : memref<!tpu.dma_semaphore, #tpu.memory_space<semaphore_mem>>) src(%arg10 : memref<128x128xf32, #tpu.memory_space<vmem>>) dst(%dma_wait3A_104 : memref<128x128xf32, #tpu.memory_space<hbm>>)
    %mul3A_105 = arith.constant 640 : i32
    %mul3A_106 = arith.muli %arg1, %mul3A_105 : i32
    %add3A_107 = arith.constant 256 : i32
    %add3A_108 = arith.addi %mul3A_106, %add3A_107 : i32
    %multiple_of3A_109 = tpu.assume_multiple %add3A_108, 128 : i32
    %dma_start3A_110 = arith.constant 0 : i32
    %dma_start3A_111 = tpu.memref_slice %arg9[%multiple_of3A_109, %dma_start3A_110] : memref<10240x128xf32, #tpu.memory_space<vmem_shared>> -> memref<128x128xf32, #tpu.memory_space<vmem_shared>>
    %dma_start3A_112 = arith.constant 0 : i32
    %dma_start3A_113 = tpu.memref_slice %arg9[%multiple_of3A_109, %dma_start3A_112] : memref<10240x128xf32, #tpu.memory_space<vmem_shared>> -> memref<128x128xf32, #tpu.memory_space<vmem_shared>>
    tpu.enqueue_dma source(%dma_start3A_113 : memref<128x128xf32, #tpu.memory_space<vmem_shared>>) target(%arg10 : memref<128x128xf32, #tpu.memory_space<vmem>>) target_semaphore(%arg12 : memref<!tpu.dma_semaphore, #tpu.memory_space<semaphore_mem>>)
    %dma_wait3A_114 = arith.constant 0 : i32
    %dma_wait3A_115 = tpu.memref_slice %arg9[%multiple_of3A_109, %dma_wait3A_114] : memref<10240x128xf32, #tpu.memory_space<vmem_shared>> -> memref<128x128xf32, #tpu.memory_space<vmem_shared>>
    %dma_wait3A_116 = arith.constant 0 : i32
    %dma_wait3A_117 = tpu.memref_slice %arg9[%multiple_of3A_109, %dma_wait3A_116] : memref<10240x128xf32, #tpu.memory_space<vmem_shared>> -> memref<128x128xf32, #tpu.memory_space<vmem_shared>>
    tpu.wait_dma2 semaphore(%arg12 : memref<!tpu.dma_semaphore, #tpu.memory_space<semaphore_mem>>) src(%dma_wait3A_117 : memref<128x128xf32, #tpu.memory_space<vmem_shared>>) dst(%arg10 : memref<128x128xf32, #tpu.memory_space<vmem>>)
    %add3A_118 = arith.constant 256 : i32
    %add3A_119 = arith.addi %multiple_of3A_60, %add3A_118 : i32
    %multiple_of3A_120 = tpu.assume_multiple %add3A_119, 128 : i32
    %dma_start3A_121 = arith.constant 0 : i32
    %dma_start3A_122 = tpu.memref_slice %arg6[%multiple_of3A_120, %dma_start3A_121] : memref<20480x128xf32, #tpu.memory_space<hbm>> -> memref<128x128xf32, #tpu.memory_space<hbm>>
    %dma_start3A_123 = arith.constant 0 : i32
    %dma_start3A_124 = tpu.memref_slice %arg6[%multiple_of3A_120, %dma_start3A_123] : memref<20480x128xf32, #tpu.memory_space<hbm>> -> memref<128x128xf32, #tpu.memory_space<hbm>>
    tpu.enqueue_dma source(%arg10 : memref<128x128xf32, #tpu.memory_space<vmem>>) target(%dma_start3A_124 : memref<128x128xf32, #tpu.memory_space<hbm>>) target_semaphore(%arg14 : memref<!tpu.dma_semaphore, #tpu.memory_space<semaphore_mem>>)
    %dma_wait3A_125 = arith.constant 0 : i32
    %dma_wait3A_126 = tpu.memref_slice %arg6[%multiple_of3A_96, %dma_wait3A_125] : memref<20480x128xf32, #tpu.memory_space<hbm>> -> memref<128x128xf32, #tpu.memory_space<hbm>>
    %dma_wait3A_127 = arith.constant 0 : i32
    %dma_wait3A_128 = tpu.memref_slice %arg6[%multiple_of3A_96, %dma_wait3A_127] : memref<20480x128xf32, #tpu.memory_space<hbm>> -> memref<128x128xf32, #tpu.memory_space<hbm>>
    tpu.wait_dma2 semaphore(%arg15 : memref<!tpu.dma_semaphore, #tpu.memory_space<semaphore_mem>>) src(%arg11 : memref<128x128xf32, #tpu.memory_space<vmem>>) dst(%dma_wait3A_128 : memref<128x128xf32, #tpu.memory_space<hbm>>)
    %mul3A_129 = arith.constant 640 : i32
    %mul3A_130 = arith.muli %arg1, %mul3A_129 : i32
    %add3A_131 = arith.constant 384 : i32
    %add3A_132 = arith.addi %mul3A_130, %add3A_131 : i32
    %multiple_of3A_133 = tpu.assume_multiple %add3A_132, 128 : i32
    %dma_start3A_134 = arith.constant 0 : i32
    %dma_start3A_135 = tpu.memref_slice %arg9[%multiple_of3A_133, %dma_start3A_134] : memref<10240x128xf32, #tpu.memory_space<vmem_shared>> -> memref<128x128xf32, #tpu.memory_space<vmem_shared>>
    %dma_start3A_136 = arith.constant 0 : i32
    %dma_start3A_137 = tpu.memref_slice %arg9[%multiple_of3A_133, %dma_start3A_136] : memref<10240x128xf32, #tpu.memory_space<vmem_shared>> -> memref<128x128xf32, #tpu.memory_space<vmem_shared>>
    tpu.enqueue_dma source(%dma_start3A_137 : memref<128x128xf32, #tpu.memory_space<vmem_shared>>) target(%arg11 : memref<128x128xf32, #tpu.memory_space<vmem>>) target_semaphore(%arg13 : memref<!tpu.dma_semaphore, #tpu.memory_space<semaphore_mem>>)
    %dma_wait3A_138 = arith.constant 0 : i32
    %dma_wait3A_139 = tpu.memref_slice %arg9[%multiple_of3A_133, %dma_wait3A_138] : memref<10240x128xf32, #tpu.memory_space<vmem_shared>> -> memref<128x128xf32, #tpu.memory_space<vmem_shared>>
    %dma_wait3A_140 = arith.constant 0 : i32
    %dma_wait3A_141 = tpu.memref_slice %arg9[%multiple_of3A_133, %dma_wait3A_140] : memref<10240x128xf32, #tpu.memory_space<vmem_shared>> -> memref<128x128xf32, #tpu.memory_space<vmem_shared>>
    tpu.wait_dma2 semaphore(%arg13 : memref<!tpu.dma_semaphore, #tpu.memory_space<semaphore_mem>>) src(%dma_wait3A_141 : memref<128x128xf32, #tpu.memory_space<vmem_shared>>) dst(%arg11 : memref<128x128xf32, #tpu.memory_space<vmem>>)
    %add3A_142 = arith.constant 384 : i32
    %add3A_143 = arith.addi %multiple_of3A_60, %add3A_142 : i32
    %multiple_of3A_144 = tpu.assume_multiple %add3A_143, 128 : i32
    %dma_start3A_145 = arith.constant 0 : i32
    %dma_start3A_146 = tpu.memref_slice %arg6[%multiple_of3A_144, %dma_start3A_145] : memref<20480x128xf32, #tpu.memory_space<hbm>> -> memref<128x128xf32, #tpu.memory_space<hbm>>
    %dma_start3A_147 = arith.constant 0 : i32
    %dma_start3A_148 = tpu.memref_slice %arg6[%multiple_of3A_144, %dma_start3A_147] : memref<20480x128xf32, #tpu.memory_space<hbm>> -> memref<128x128xf32, #tpu.memory_space<hbm>>
    tpu.enqueue_dma source(%arg11 : memref<128x128xf32, #tpu.memory_space<vmem>>) target(%dma_start3A_148 : memref<128x128xf32, #tpu.memory_space<hbm>>) target_semaphore(%arg15 : memref<!tpu.dma_semaphore, #tpu.memory_space<semaphore_mem>>)
    %dma_wait3A_149 = arith.constant 0 : i32
    %dma_wait3A_150 = tpu.memref_slice %arg6[%multiple_of3A_120, %dma_wait3A_149] : memref<20480x128xf32, #tpu.memory_space<hbm>> -> memref<128x128xf32, #tpu.memory_space<hbm>>
    %dma_wait3A_151 = arith.constant 0 : i32
    %dma_wait3A_152 = tpu.memref_slice %arg6[%multiple_of3A_120, %dma_wait3A_151] : memref<20480x128xf32, #tpu.memory_space<hbm>> -> memref<128x128xf32, #tpu.memory_space<hbm>>
    tpu.wait_dma2 semaphore(%arg14 : memref<!tpu.dma_semaphore, #tpu.memory_space<semaphore_mem>>) src(%arg10 : memref<128x128xf32, #tpu.memory_space<vmem>>) dst(%dma_wait3A_152 : memref<128x128xf32, #tpu.memory_space<hbm>>)
    %mul3A_153 = arith.constant 640 : i32
    %mul3A_154 = arith.muli %arg1, %mul3A_153 : i32
    %add3A_155 = arith.constant 512 : i32
    %add3A_156 = arith.addi %mul3A_154, %add3A_155 : i32
    %multiple_of3A_157 = tpu.assume_multiple %add3A_156, 128 : i32
    %dma_start3A_158 = arith.constant 0 : i32
    %dma_start3A_159 = tpu.memref_slice %arg9[%multiple_of3A_157, %dma_start3A_158] : memref<10240x128xf32, #tpu.memory_space<vmem_shared>> -> memref<128x128xf32, #tpu.memory_space<vmem_shared>>
    %dma_start3A_160 = arith.constant 0 : i32
    %dma_start3A_161 = tpu.memref_slice %arg9[%multiple_of3A_157, %dma_start3A_160] : memref<10240x128xf32, #tpu.memory_space<vmem_shared>> -> memref<128x128xf32, #tpu.memory_space<vmem_shared>>
    tpu.enqueue_dma source(%dma_start3A_161 : memref<128x128xf32, #tpu.memory_space<vmem_shared>>) target(%arg10 : memref<128x128xf32, #tpu.memory_space<vmem>>) target_semaphore(%arg12 : memref<!tpu.dma_semaphore, #tpu.memory_space<semaphore_mem>>)
    %dma_wait3A_162 = arith.constant 0 : i32
    %dma_wait3A_163 = tpu.memref_slice %arg9[%multiple_of3A_157, %dma_wait3A_162] : memref<10240x128xf32, #tpu.memory_space<vmem_shared>> -> memref<128x128xf32, #tpu.memory_space<vmem_shared>>
    %dma_wait3A_164 = arith.constant 0 : i32
    %dma_wait3A_165 = tpu.memref_slice %arg9[%multiple_of3A_157, %dma_wait3A_164] : memref<10240x128xf32, #tpu.memory_space<vmem_shared>> -> memref<128x128xf32, #tpu.memory_space<vmem_shared>>
    tpu.wait_dma2 semaphore(%arg12 : memref<!tpu.dma_semaphore, #tpu.memory_space<semaphore_mem>>) src(%dma_wait3A_165 : memref<128x128xf32, #tpu.memory_space<vmem_shared>>) dst(%arg10 : memref<128x128xf32, #tpu.memory_space<vmem>>)
    %add3A_166 = arith.constant 512 : i32
    %add3A_167 = arith.addi %multiple_of3A_60, %add3A_166 : i32
    %multiple_of3A_168 = tpu.assume_multiple %add3A_167, 128 : i32
    %dma_start3A_169 = arith.constant 0 : i32
    %dma_start3A_170 = tpu.memref_slice %arg6[%multiple_of3A_168, %dma_start3A_169] : memref<20480x128xf32, #tpu.memory_space<hbm>> -> memref<128x128xf32, #tpu.memory_space<hbm>>
    %dma_start3A_171 = arith.constant 0 : i32
    %dma_start3A_172 = tpu.memref_slice %arg6[%multiple_of3A_168, %dma_start3A_171] : memref<20480x128xf32, #tpu.memory_space<hbm>> -> memref<128x128xf32, #tpu.memory_space<hbm>>
    tpu.enqueue_dma source(%arg10 : memref<128x128xf32, #tpu.memory_space<vmem>>) target(%dma_start3A_172 : memref<128x128xf32, #tpu.memory_space<hbm>>) target_semaphore(%arg14 : memref<!tpu.dma_semaphore, #tpu.memory_space<semaphore_mem>>)
    %dma_wait3A_173 = arith.constant 0 : i32
    %dma_wait3A_174 = tpu.memref_slice %arg6[%multiple_of3A_144, %dma_wait3A_173] : memref<20480x128xf32, #tpu.memory_space<hbm>> -> memref<128x128xf32, #tpu.memory_space<hbm>>
    %dma_wait3A_175 = arith.constant 0 : i32
    %dma_wait3A_176 = tpu.memref_slice %arg6[%multiple_of3A_144, %dma_wait3A_175] : memref<20480x128xf32, #tpu.memory_space<hbm>> -> memref<128x128xf32, #tpu.memory_space<hbm>>
    tpu.wait_dma2 semaphore(%arg15 : memref<!tpu.dma_semaphore, #tpu.memory_space<semaphore_mem>>) src(%arg11 : memref<128x128xf32, #tpu.memory_space<vmem>>) dst(%dma_wait3A_176 : memref<128x128xf32, #tpu.memory_space<hbm>>)
    %dma_wait3A_177 = arith.constant 0 : i32
    %dma_wait3A_178 = tpu.memref_slice %arg6[%multiple_of3A_168, %dma_wait3A_177] : memref<20480x128xf32, #tpu.memory_space<hbm>> -> memref<128x128xf32, #tpu.memory_space<hbm>>
    %dma_wait3A_179 = arith.constant 0 : i32
    %dma_wait3A_180 = tpu.memref_slice %arg6[%multiple_of3A_168, %dma_wait3A_179] : memref<20480x128xf32, #tpu.memory_space<hbm>> -> memref<128x128xf32, #tpu.memory_space<hbm>>
    tpu.wait_dma2 semaphore(%arg14 : memref<!tpu.dma_semaphore, #tpu.memory_space<semaphore_mem>>) src(%arg10 : memref<128x128xf32, #tpu.memory_space<vmem>>) dst(%dma_wait3A_180 : memref<128x128xf32, #tpu.memory_space<hbm>>)
    return
  }
}

module attributes {stable_mosaic.version = 14 : i64} {
  func.func @_tc1_body(%arg0: i32, %arg1: memref<1024x256xf32, #tpu.memory_space<vmem>>, %arg2: memref<256x256xf32, #tpu.memory_space<vmem>>, %arg3: memref<2x1024x128xf32, #tpu.memory_space<vmem>>, %arg4: memref<1024x128xf32, #tpu.memory_space<vmem>>, %arg5: memref<1024x128xf32, #tpu.memory_space<vmem>>) attributes {dimension_semantics = [#tpu.dimension_semantics<arbitrary>], iteration_bounds = array<i64: 10>, scalar_prefetch = 0 : i64, scratch_operands = 0 : i64, tpu.core_type = #tpu.core_type<tc>, window_params = [{transform_indices = @transform_0, window_bounds = array<i64: 1024, 256>}, {pipeline_mode = #tpu.pipeline_mode<synchronous>, transform_indices = @transform_1, window_bounds = array<i64: 256, 256>}, {transform_indices = @transform_2, window_bounds = array<i64: 2, 1024, 128>}, {transform_indices = @transform_3, window_bounds = array<i64: 1024, 128>}, {transform_indices = @transform_4, window_bounds = array<i64: 1024, 128>}]} {
    %get3A = arith.constant 0 : index
    %get3A_0 = arith.constant 0 : index
    %get3A_1 = arith.constant 0 : index
    %get3A_2 = vector.load %arg3[%get3A, %get3A_0, %get3A_1] : memref<2x1024x128xf32, #tpu.memory_space<vmem>>, vector<1x1024x1xf32>
    %get3A_3 = vector.shape_cast %get3A_2 : vector<1x1024x1xf32> to vector<1024x1xf32>
    %get3A_4 = arith.constant 1 : index
    %get3A_5 = arith.constant 0 : index
    %get3A_6 = arith.constant 0 : index
    %get3A_7 = vector.load %arg3[%get3A_4, %get3A_5, %get3A_6] : memref<2x1024x128xf32, #tpu.memory_space<vmem>>, vector<1x1024x1xf32>
    %get3A_8 = vector.shape_cast %get3A_7 : vector<1x1024x1xf32> to vector<1024x1xf32>
    %add3A = arith.addf %get3A_3, %get3A_8 : vector<1024x1xf32>
    %add3A_9 = arith.constant 1.000000e+00 : f32
    %add3A_10 = vector.broadcast %add3A_9 : f32 to vector<1024x1xf32>
    %add3A_11 = arith.addf %add3A, %add3A_10 : vector<1024x1xf32>
    %rsqrt3A = math.rsqrt %add3A_11 : vector<1024x1xf32>
    %get3A_12 = arith.constant 0 : index
    %get3A_13 = arith.constant 0 : index
    %get3A_14 = vector.load %arg1[%get3A_12, %get3A_13] : memref<1024x256xf32, #tpu.memory_space<vmem>>, vector<1024x256xf32>
    %get3A_15 = arith.constant 0 : index
    %get3A_16 = arith.constant 0 : index
    %get3A_17 = vector.load %arg2[%get3A_15, %get3A_16] : memref<256x256xf32, #tpu.memory_space<vmem>>, vector<256x256xf32>
    %dot_general3A = arith.constant dense<0.000000e+00> : vector<1024x256xf32>
    %dot_general3A_18 = tpu.matmul %get3A_14, %get3A_17, %dot_general3A {dimension_numbers = #tpu.dot_dimension_numbers<[1], [0], [0], [1], [0, 0, 1, 1], [], []>, transpose_lhs_hint = false} : vector<1024x256xf32>, vector<256x256xf32>, vector<1024x256xf32> -> vector<1024x256xf32>
    %mul3A = vector.broadcast %rsqrt3A : vector<1024x1xf32> to vector<1024x256xf32>
    %mul3A_19 = arith.mulf %dot_general3A_18, %mul3A : vector<1024x256xf32>
    %slice3A = vector.extract_strided_slice %mul3A_19 {offsets = [0, 0], sizes = [1024, 128], strides = [1, 1]} : vector<1024x256xf32> to vector<1024x128xf32>
    %swap3A = arith.constant 0 : index
    %swap3A_20 = arith.constant 0 : index
    %swap3A_21 = vector.load %arg4[%swap3A, %swap3A_20] : memref<1024x128xf32, #tpu.memory_space<vmem>>, vector<1024x128xf32>
    tpu.vector_store %arg4[%swap3A, %swap3A_20], %slice3A {strides = array<i32>} : memref<1024x128xf32, #tpu.memory_space<vmem>>, vector<1024x128xf32>,
    %slice3A_22 = vector.extract_strided_slice %mul3A_19 {offsets = [0, 128], sizes = [1024, 128], strides = [1, 1]} : vector<1024x256xf32> to vector<1024x128xf32>
    %swap3A_23 = arith.constant 0 : index
    %swap3A_24 = arith.constant 0 : index
    %swap3A_25 = vector.load %arg5[%swap3A_23, %swap3A_24] : memref<1024x128xf32, #tpu.memory_space<vmem>>, vector<1024x128xf32>
    tpu.vector_store %arg5[%swap3A_23, %swap3A_24], %slice3A_22 {strides = array<i32>} : memref<1024x128xf32, #tpu.memory_space<vmem>>, vector<1024x128xf32>,
    return
  }
  func.func @transform_0(%arg0: i32) -> (i32, i32) {
    %c0_i32 = arith.constant 0 : i32
    %c0_i32_0 = arith.constant 0 : i32
    return %arg0, %c0_i32 : i32, i32
  }
  func.func @transform_1(%arg0: i32) -> (i32, i32) {
    %c0_i32 = arith.constant 0 : i32
    %c0_i32_0 = arith.constant 0 : i32
    %c0_i32_1 = arith.constant 0 : i32
    return %c0_i32, %c0_i32_0 : i32, i32
  }
  func.func @transform_2(%arg0: i32) -> (i32, i32, i32) {
    %c0_i32 = arith.constant 0 : i32
    %c0_i32_0 = arith.constant 0 : i32
    %c0_i32_1 = arith.constant 0 : i32
    return %c0_i32, %arg0, %c0_i32_0 : i32, i32, i32
  }
  func.func @transform_3(%arg0: i32) -> (i32, i32) {
    %c0_i32 = arith.constant 0 : i32
    %c0_i32_0 = arith.constant 0 : i32
    return %arg0, %c0_i32 : i32, i32
  }
  func.func @transform_4(%arg0: i32) -> (i32, i32) {
    %c0_i32 = arith.constant 0 : i32
    %c0_i32_0 = arith.constant 0 : i32
    return %arg0, %c0_i32 : i32, i32
  }
}

module attributes {stable_mosaic.version = 14 : i64} {
  func.func @_tc2_body(%arg0: i32, %arg1: memref<2x1024x128xf32, #tpu.memory_space<vmem>>, %arg2: memref<2x1024x128xf32, #tpu.memory_space<vmem>>, %arg3: memref<1024x128xf32, #tpu.memory_space<vmem>>, %arg4: memref<1024x128xf32, #tpu.memory_space<vmem>>, %arg5: memref<2x1024x128xf32, #tpu.memory_space<vmem>>, %arg6: memref<1x256xf32, #tpu.memory_space<vmem>>, %arg7: memref<256x128xf32, #tpu.memory_space<vmem>>, %arg8: memref<1024x128xf32, #tpu.memory_space<vmem>>) attributes {dimension_semantics = [#tpu.dimension_semantics<arbitrary>], iteration_bounds = array<i64: 10>, scalar_prefetch = 0 : i64, scratch_operands = 0 : i64, tpu.core_type = #tpu.core_type<tc>, window_params = [{transform_indices = @transform_0, window_bounds = array<i64: 2, 1024, 128>}, {transform_indices = @transform_1, window_bounds = array<i64: 2, 1024, 128>}, {transform_indices = @transform_2, window_bounds = array<i64: 1024, 128>}, {transform_indices = @transform_3, window_bounds = array<i64: 1024, 128>}, {transform_indices = @transform_4, window_bounds = array<i64: 2, 1024, 128>}, {pipeline_mode = #tpu.pipeline_mode<synchronous>, transform_indices = @transform_5, window_bounds = array<i64: 1, 256>}, {pipeline_mode = #tpu.pipeline_mode<synchronous>, transform_indices = @transform_6, window_bounds = array<i64: 256, 128>}, {transform_indices = @transform_7, window_bounds = array<i64: 1024, 128>}]} {
    %get3A = arith.constant 0 : index
    %get3A_0 = arith.constant 0 : index
    %get3A_1 = arith.constant 0 : index
    %get3A_2 = vector.load %arg5[%get3A, %get3A_0, %get3A_1] : memref<2x1024x128xf32, #tpu.memory_space<vmem>>, vector<1x1024x1xf32>
    %get3A_3 = vector.shape_cast %get3A_2 : vector<1x1024x1xf32> to vector<1024x1xf32>
    %get3A_4 = arith.constant 1 : index
    %get3A_5 = arith.constant 0 : index
    %get3A_6 = arith.constant 0 : index
    %get3A_7 = vector.load %arg5[%get3A_4, %get3A_5, %get3A_6] : memref<2x1024x128xf32, #tpu.memory_space<vmem>>, vector<1x1024x1xf32>
    %get3A_8 = vector.shape_cast %get3A_7 : vector<1x1024x1xf32> to vector<1024x1xf32>
    %add3A = arith.addf %get3A_3, %get3A_8 : vector<1024x1xf32>
    %add3A_9 = arith.constant 1.000000e+00 : f32
    %add3A_10 = vector.broadcast %add3A_9 : f32 to vector<1024x1xf32>
    %add3A_11 = arith.addf %add3A, %add3A_10 : vector<1024x1xf32>
    %rsqrt3A = math.rsqrt %add3A_11 : vector<1024x1xf32>
    %get3A_12 = arith.constant 0 : index
    %get3A_13 = arith.constant 0 : index
    %get3A_14 = arith.constant 0 : index
    %get3A_15 = vector.load %arg1[%get3A_12, %get3A_13, %get3A_14] : memref<2x1024x128xf32, #tpu.memory_space<vmem>>, vector<1x1024x128xf32>
    %get3A_16 = vector.shape_cast %get3A_15 : vector<1x1024x128xf32> to vector<1024x128xf32>
    %get3A_17 = arith.constant 1 : index
    %get3A_18 = arith.constant 0 : index
    %get3A_19 = arith.constant 0 : index
    %get3A_20 = vector.load %arg1[%get3A_17, %get3A_18, %get3A_19] : memref<2x1024x128xf32, #tpu.memory_space<vmem>>, vector<1x1024x128xf32>
    %get3A_21 = vector.shape_cast %get3A_20 : vector<1x1024x128xf32> to vector<1024x128xf32>
    %add3A_22 = arith.addf %get3A_16, %get3A_21 : vector<1024x128xf32>
    %get3A_23 = arith.constant 0 : index
    %get3A_24 = arith.constant 0 : index
    %get3A_25 = vector.load %arg3[%get3A_23, %get3A_24] : memref<1024x128xf32, #tpu.memory_space<vmem>>, vector<1024x128xf32>
    %add3A_26 = arith.addf %add3A_22, %get3A_25 : vector<1024x128xf32>
    %get3A_27 = arith.constant 0 : index
    %get3A_28 = arith.constant 0 : index
    %get3A_29 = arith.constant 0 : index
    %get3A_30 = vector.load %arg2[%get3A_27, %get3A_28, %get3A_29] : memref<2x1024x128xf32, #tpu.memory_space<vmem>>, vector<1x1024x128xf32>
    %get3A_31 = vector.shape_cast %get3A_30 : vector<1x1024x128xf32> to vector<1024x128xf32>
    %get3A_32 = arith.constant 1 : index
    %get3A_33 = arith.constant 0 : index
    %get3A_34 = arith.constant 0 : index
    %get3A_35 = vector.load %arg2[%get3A_32, %get3A_33, %get3A_34] : memref<2x1024x128xf32, #tpu.memory_space<vmem>>, vector<1x1024x128xf32>
    %get3A_36 = vector.shape_cast %get3A_35 : vector<1x1024x128xf32> to vector<1024x128xf32>
    %add3A_37 = arith.addf %get3A_31, %get3A_36 : vector<1024x128xf32>
    %get3A_38 = arith.constant 0 : index
    %get3A_39 = arith.constant 0 : index
    %get3A_40 = vector.load %arg4[%get3A_38, %get3A_39] : memref<1024x128xf32, #tpu.memory_space<vmem>>, vector<1024x128xf32>
    %add3A_41 = arith.addf %add3A_37, %get3A_40 : vector<1024x128xf32>
    %concatenate3A = tpu.concatenate %add3A_26, %add3A_41 in 1 : vector<1024x128xf32>, vector<1024x128xf32> -> vector<1024x256xf32>
    %mul3A = vector.broadcast %rsqrt3A : vector<1024x1xf32> to vector<1024x256xf32>
    %mul3A_42 = arith.mulf %concatenate3A, %mul3A : vector<1024x256xf32>
    %get3A_43 = arith.constant 0 : index
    %get3A_44 = arith.constant 0 : index
    %get3A_45 = vector.load %arg6[%get3A_43, %get3A_44] : memref<1x256xf32, #tpu.memory_space<vmem>>, vector<1x256xf32>
    %add3A_46 = vector.broadcast %get3A_45 : vector<1x256xf32> to vector<1024x256xf32>
    %add3A_47 = arith.addf %mul3A_42, %add3A_46 : vector<1024x256xf32>
    %max3A = arith.constant 0.000000e+00 : f32
    %max3A_48 = vector.broadcast %max3A : f32 to vector<1024x256xf32>
    %max3A_49 = arith.maximumf %add3A_47, %max3A_48 : vector<1024x256xf32>
    %get3A_50 = arith.constant 0 : index
    %get3A_51 = arith.constant 0 : index
    %get3A_52 = vector.load %arg7[%get3A_50, %get3A_51] : memref<256x128xf32, #tpu.memory_space<vmem>>, vector<256x128xf32>
    %dot_general3A = arith.constant dense<0.000000e+00> : vector<1024x128xf32>
    %dot_general3A_53 = tpu.matmul %max3A_49, %get3A_52, %dot_general3A {dimension_numbers = #tpu.dot_dimension_numbers<[1], [0], [0], [1], [0, 0, 1, 1], [], []>, transpose_lhs_hint = false} : vector<1024x256xf32>, vector<256x128xf32>, vector<1024x128xf32> -> vector<1024x128xf32>
    %mul3A_54 = vector.broadcast %rsqrt3A : vector<1024x1xf32> to vector<1024x128xf32>
    %mul3A_55 = arith.mulf %dot_general3A_53, %mul3A_54 : vector<1024x128xf32>
    %swap3A = arith.constant 0 : index
    %swap3A_56 = arith.constant 0 : index
    %swap3A_57 = vector.load %arg8[%swap3A, %swap3A_56] : memref<1024x128xf32, #tpu.memory_space<vmem>>, vector<1024x128xf32>
    tpu.vector_store %arg8[%swap3A, %swap3A_56], %mul3A_55 {strides = array<i32>} : memref<1024x128xf32, #tpu.memory_space<vmem>>, vector<1024x128xf32>,
    return
  }
  func.func @transform_0(%arg0: i32) -> (i32, i32, i32) {
    %c0_i32 = arith.constant 0 : i32
    %c0_i32_0 = arith.constant 0 : i32
    %c0_i32_1 = arith.constant 0 : i32
    return %c0_i32, %arg0, %c0_i32_0 : i32, i32, i32
  }
  func.func @transform_1(%arg0: i32) -> (i32, i32, i32) {
    %c0_i32 = arith.constant 0 : i32
    %c0_i32_0 = arith.constant 0 : i32
    %c0_i32_1 = arith.constant 0 : i32
    return %c0_i32, %arg0, %c0_i32_0 : i32, i32, i32
  }
  func.func @transform_2(%arg0: i32) -> (i32, i32) {
    %c0_i32 = arith.constant 0 : i32
    %c0_i32_0 = arith.constant 0 : i32
    return %arg0, %c0_i32 : i32, i32
  }
  func.func @transform_3(%arg0: i32) -> (i32, i32) {
    %c0_i32 = arith.constant 0 : i32
    %c0_i32_0 = arith.constant 0 : i32
    return %arg0, %c0_i32 : i32, i32
  }
  func.func @transform_4(%arg0: i32) -> (i32, i32, i32) {
    %c0_i32 = arith.constant 0 : i32
    %c0_i32_0 = arith.constant 0 : i32
    %c0_i32_1 = arith.constant 0 : i32
    return %c0_i32, %arg0, %c0_i32_0 : i32, i32, i32
  }
  func.func @transform_5(%arg0: i32) -> (i32, i32) {
    %c0_i32 = arith.constant 0 : i32
    %c0_i32_0 = arith.constant 0 : i32
    %c0_i32_1 = arith.constant 0 : i32
    return %c0_i32, %c0_i32_0 : i32, i32
  }
  func.func @transform_6(%arg0: i32) -> (i32, i32) {
    %c0_i32 = arith.constant 0 : i32
    %c0_i32_0 = arith.constant 0 : i32
    %c0_i32_1 = arith.constant 0 : i32
    return %c0_i32, %c0_i32_0 : i32, i32
  }
  func.func @transform_7(%arg0: i32) -> (i32, i32) {
    %c0_i32 = arith.constant 0 : i32
    %c0_i32_0 = arith.constant 0 : i32
    return %arg0, %c0_i32 : i32, i32
  }
}

module attributes {stable_mosaic.version = 14 : i64} {
  func.func @_tc3_body(%arg0: i32, %arg1: memref<2x1024x128xf32, #tpu.memory_space<vmem>>, %arg2: memref<1024x128xf32, #tpu.memory_space<vmem>>, %arg3: memref<2x1024x128xf32, #tpu.memory_space<vmem>>, %arg4: memref<1x128xf32, #tpu.memory_space<vmem>>, %arg5: memref<1024x128xf32, #tpu.memory_space<vmem>>) attributes {dimension_semantics = [#tpu.dimension_semantics<arbitrary>], iteration_bounds = array<i64: 10>, scalar_prefetch = 0 : i64, scratch_operands = 0 : i64, tpu.core_type = #tpu.core_type<tc>, window_params = [{transform_indices = @transform_0, window_bounds = array<i64: 2, 1024, 128>}, {transform_indices = @transform_1, window_bounds = array<i64: 1024, 128>}, {transform_indices = @transform_2, window_bounds = array<i64: 2, 1024, 128>}, {pipeline_mode = #tpu.pipeline_mode<synchronous>, transform_indices = @transform_3, window_bounds = array<i64: 1, 128>}, {transform_indices = @transform_4, window_bounds = array<i64: 1024, 128>}]} {
    %get3A = arith.constant 0 : index
    %get3A_0 = arith.constant 0 : index
    %get3A_1 = arith.constant 0 : index
    %get3A_2 = vector.load %arg3[%get3A, %get3A_0, %get3A_1] : memref<2x1024x128xf32, #tpu.memory_space<vmem>>, vector<1x1024x1xf32>
    %get3A_3 = vector.shape_cast %get3A_2 : vector<1x1024x1xf32> to vector<1024x1xf32>
    %get3A_4 = arith.constant 1 : index
    %get3A_5 = arith.constant 0 : index
    %get3A_6 = arith.constant 0 : index
    %get3A_7 = vector.load %arg3[%get3A_4, %get3A_5, %get3A_6] : memref<2x1024x128xf32, #tpu.memory_space<vmem>>, vector<1x1024x1xf32>
    %get3A_8 = vector.shape_cast %get3A_7 : vector<1x1024x1xf32> to vector<1024x1xf32>
    %add3A = arith.addf %get3A_3, %get3A_8 : vector<1024x1xf32>
    %add3A_9 = arith.constant 1.000000e+00 : f32
    %add3A_10 = vector.broadcast %add3A_9 : f32 to vector<1024x1xf32>
    %add3A_11 = arith.addf %add3A, %add3A_10 : vector<1024x1xf32>
    %rsqrt3A = math.rsqrt %add3A_11 : vector<1024x1xf32>
    %get3A_12 = arith.constant 0 : index
    %get3A_13 = arith.constant 0 : index
    %get3A_14 = arith.constant 0 : index
    %get3A_15 = vector.load %arg1[%get3A_12, %get3A_13, %get3A_14] : memref<2x1024x128xf32, #tpu.memory_space<vmem>>, vector<1x1024x128xf32>
    %get3A_16 = vector.shape_cast %get3A_15 : vector<1x1024x128xf32> to vector<1024x128xf32>
    %get3A_17 = arith.constant 1 : index
    %get3A_18 = arith.constant 0 : index
    %get3A_19 = arith.constant 0 : index
    %get3A_20 = vector.load %arg1[%get3A_17, %get3A_18, %get3A_19] : memref<2x1024x128xf32, #tpu.memory_space<vmem>>, vector<1x1024x128xf32>
    %get3A_21 = vector.shape_cast %get3A_20 : vector<1x1024x128xf32> to vector<1024x128xf32>
    %add3A_22 = arith.addf %get3A_16, %get3A_21 : vector<1024x128xf32>
    %get3A_23 = arith.constant 0 : index
    %get3A_24 = arith.constant 0 : index
    %get3A_25 = vector.load %arg2[%get3A_23, %get3A_24] : memref<1024x128xf32, #tpu.memory_space<vmem>>, vector<1024x128xf32>
    %add3A_26 = arith.addf %add3A_22, %get3A_25 : vector<1024x128xf32>
    %mul3A = vector.broadcast %rsqrt3A : vector<1024x1xf32> to vector<1024x128xf32>
    %mul3A_27 = arith.mulf %add3A_26, %mul3A : vector<1024x128xf32>
    %get3A_28 = arith.constant 0 : index
    %get3A_29 = arith.constant 0 : index
    %get3A_30 = vector.load %arg4[%get3A_28, %get3A_29] : memref<1x128xf32, #tpu.memory_space<vmem>>, vector<1x128xf32>
    %add3A_31 = vector.broadcast %get3A_30 : vector<1x128xf32> to vector<1024x128xf32>
    %add3A_32 = arith.addf %mul3A_27, %add3A_31 : vector<1024x128xf32>
    %max3A = arith.constant 0.000000e+00 : f32
    %max3A_33 = vector.broadcast %max3A : f32 to vector<1024x128xf32>
    %max3A_34 = arith.maximumf %add3A_32, %max3A_33 : vector<1024x128xf32>
    %swap3A = arith.constant 0 : index
    %swap3A_35 = arith.constant 0 : index
    %swap3A_36 = vector.load %arg5[%swap3A, %swap3A_35] : memref<1024x128xf32, #tpu.memory_space<vmem>>, vector<1024x128xf32>
    tpu.vector_store %arg5[%swap3A, %swap3A_35], %max3A_34 {strides = array<i32>} : memref<1024x128xf32, #tpu.memory_space<vmem>>, vector<1024x128xf32>,
    return
  }
  func.func @transform_0(%arg0: i32) -> (i32, i32, i32) {
    %c0_i32 = arith.constant 0 : i32
    %c0_i32_0 = arith.constant 0 : i32
    %c0_i32_1 = arith.constant 0 : i32
    return %c0_i32, %arg0, %c0_i32_0 : i32, i32, i32
  }
  func.func @transform_1(%arg0: i32) -> (i32, i32) {
    %c0_i32 = arith.constant 0 : i32
    %c0_i32_0 = arith.constant 0 : i32
    return %arg0, %c0_i32 : i32, i32
  }
  func.func @transform_2(%arg0: i32) -> (i32, i32, i32) {
    %c0_i32 = arith.constant 0 : i32
    %c0_i32_0 = arith.constant 0 : i32
    %c0_i32_1 = arith.constant 0 : i32
    return %c0_i32, %arg0, %c0_i32_0 : i32, i32, i32
  }
  func.func @transform_3(%arg0: i32) -> (i32, i32) {
    %c0_i32 = arith.constant 0 : i32
    %c0_i32_0 = arith.constant 0 : i32
    %c0_i32_1 = arith.constant 0 : i32
    return %c0_i32, %c0_i32_0 : i32, i32
  }
  func.func @transform_4(%arg0: i32) -> (i32, i32) {
    %c0_i32 = arith.constant 0 : i32
    %c0_i32_0 = arith.constant 0 : i32
    return %arg0, %c0_i32 : i32, i32
  }
}

</mosaic_0001>

<sc_bundles>
// kernel: kernel.12.cloned.1.call-start
scs
__scs_entry_jumppad:
0x0: {  	(pc) =	sbr.rel $0x88, $3  }
0x1: {  	(tag) =	ssettag $0x0;
	lr =	simm.s32 $0x1  }
0x2: {  	[smem:$0x3F9B] =	sst lr;
	_ =	strace $0xD0000000  }
0x3: {  	_ = 	snop  }
0x4: {  	_ = 	snop  }
0x5: {  	_ = 	snop  }
0x6: {  	_ = 	snop  }
0x7: {  	_ = 	snop  }
__scs_overlays_trampoline_lowered:
0x8: {  	[smem:$0x3FAA] =	sst s0  }
0x9: {  	[smem:$0x3FAB] =	sst s1  }
0xa: {  	[smem:$0x3FAC] =	sst s2  }
0xb: {  	[smem:$0x3FAD] =	sst s3  }
0xc: {  	[smem:$0x3FAE] =	sst s4  }
0xd: {  	[smem:$0x3FAF] =	sst s5  }
0xe: {  	[smem:$0x3FB0] =	sst s6  }
0xf: {  	[smem:$0x3FB1] =	sst s7  }
0x10: {  	[smem:$0x3FB2] =	sst s8  }
0x11: {  	[smem:$0x3FB3] =	sst s9;
	s0 =	simm.s32 @!p0 $0x0  }
0x12: {  	s1 =	sld [smem:$0x3F99];
	s0 =	simm.s32 @p0 $0x1  }
0x13: {  	[smem:$0x3FB4] =	sst s0;
	s0 =	simm.s32 @!p1 $0x0  }
0x14: {  	s2 =	sld [smem:$0x3F98];
	s0 =	simm.s32 @p1 $0x1  }
0x15: {  	[smem:$0x3FB5] =	sst s0;
	s0 =	simm.s32 @!p2 $0x0  }
0x16: {  	s3 =	sld [smem:$0x3FDB];
	s0 =	simm.s32 @p2 $0x1  }
0x17: {  	s4 =	simm.s32 $0x1BF5;
	[smem:$0x3FB7] =	sst s0  }
0x18: {  	s0 =	sld [smem:$0x3F9A];
	_ =	swait.ge [sflag:s4], $0x0  }
0x19: {  	s7 =	sld [smem:$0x3F9B]  }
0x1a: {  	s8 =	sadd.s32 $0xFFFFE003, lr  }
0x1b: {  	s9 =	sadd.s32 $0xFFFFFEF7, lr;
	s5 =	simm.s32 $0xFFFFFFFF;
	p2 =	slt.u32 s8, $0xFFFFF086  }
0x1c: {  	p1 =	slt.u32 s9, $0xF7A;
	s5 =	simm.s32 @!p2 $0x0  }
0x1d: {  	s5 =	simm.s32 @p1 $0x1;
	p0 =	seq.s32 s7, s2  }
0x1e: {  	s7 =	smul.u32 @!p0 $0xF7A, s2;
	p2 =	seq.s32 @!p0 s5, $0x0  }
0x1f: {  	s9 =	smul.u32 $0xF7A, s1;
	s8 =	simm.s32 @!p0 $0x1BF5;
	p2 =	por !p2, p0  }
0x20: {  	[sflag:s8] =	ssyncset.s32 @!p0 $0xFFFFF086;
	s6 =	sadd.s32 @!p0 s3, s7;
	s7 =	simm.s32 @!p0 $0x108  }
0x21: {  	s3 =	sadd.s32 s3, s9;
	s6 =	sadd.s32 @!p0 $0x88, s6;
	s7 =	simm.s32 @p2 $0x1082  }
0x22: {  	[simem:s7], [sflag:s8] =	dma.local @!p0 [hbm:s6], $0xF7A  }
0x23: {  	s9 =	sor.u32 $0xD0000000, s2;
	s6 =	simm.s32 $0x108;
	_ =	swait.ge @!p0 [sflag:s8], $0x0  }
0x24: {  	s3 =	sadd.s32 $0x88, s3;
	s6 =	simm.s32 @!p1 $0x1082;
	[sflag:s4] =	ssyncset.s32 $0xFFFFF086  }
0x25: {  	[simem:s6], [sflag:s4] =	dma.local [hbm:s3], $0xF7A  }
0x26: {  	[smem:$0x3F9B] =	sst s1;
	(tag) =	ssettag s2;
	_ =	strace s9  }
0x27: {  	s1 =	sld [smem:$0x3FAB]  }
0x28: {  	s2 =	sld [smem:$0x3FAC]  }
0x29: {  	s4 =	sld [smem:$0x3FAE]  }
0x2a: {  	p0 =	seq.s32 s5, $0x0;
	s5 =	sld [smem:$0x3FAF]  }
0x2b: {  	s6 =	sld [smem:$0x3FB0]  }
0x2c: {  	s7 =	sld [smem:$0x3FB1]  }
0x2d: {  	s3 =	simm.s32 $0x108;
	s8 =	sld [smem:$0x3FB2]  }
0x2e: {  	s3 =	simm.s32 @!p0 $0x1082;
	s9 =	sld [smem:$0x3FB3]  }
0x2f: {  	lr =	sadd.s32 s0, s3;
	s0 =	sld [smem:$0x3FAA]  }
0x30: {  	s3 =	sld [smem:$0x3FAD]  }
0x31: {  	[smem:$0x3FB6] =	sst s10  }
0x32: {  	s10 =	sld [smem:$0x3FB4];
	_ =	sdelay $0x3  }
0x33: {  	p0 =	seq.s32 s10, $0x1;
	s10 =	sld [smem:$0x3FB6];
	_ =	sdelay $0x3  }
0x34: {  	[smem:$0x3FB6] =	sst s10  }
0x35: {  	s10 =	sld [smem:$0x3FB5];
	_ =	sdelay $0x3  }
0x36: {  	p1 =	seq.s32 s10, $0x1;
	s10 =	sld [smem:$0x3FB6];
	_ =	sdelay $0x3  }
0x37: {  	[smem:$0x3FB6] =	sst s10  }
0x38: {  	s10 =	sld [smem:$0x3FB7]  }
0x39: {  	_ = 	snop;
	(pc) =	sbr.ind lr, $3  }
0x3a: {  	_ = 	snop  }
0x3b: {  	_ = 	snop  }
0x3c: {  	p2 =	seq.s32 s10, $0x1;
	s10 =	sld [smem:$0x3FB6]  }
0x3d: {  	_ =	shalt  }
0x3e: {  	_ =	shalt  }
0x3f: {  	_ =	shalt  }
0x40: {  	_ =	shalt  }
0x41: {  	_ =	shalt  }
0x42: {  	_ =	shalt  }
0x43: {  	_ =	shalt  }
0x44: {  	_ =	shalt  }
0x45: {  	_ =	shalt  }
0x46: {  	_ =	shalt  }
0x47: {  	_ =	shalt  }
0x48: {  	_ =	shalt  }
0x49: {  	_ =	shalt  }
0x4a: {  	_ =	shalt  }
0x4b: {  	_ =	shalt  }
0x4c: {  	_ =	shalt  }
0x4d: {  	_ =	shalt  }
0x4e: {  	_ =	shalt  }
0x4f: {  	_ =	shalt  }
0x50: {  	_ =	shalt  }
0x51: {  	_ =	shalt  }
0x52: {  	_ =	shalt  }
0x53: {  	_ =	shalt  }
0x54: {  	_ =	shalt  }
0x55: {  	_ =	shalt  }
0x56: {  	_ =	shalt  }
0x57: {  	_ =	shalt  }
0x58: {  	_ =	shalt  }
0x59: {  	_ =	shalt  }
0x5a: {  	_ =	shalt  }
0x5b: {  	_ =	shalt  }
0x5c: {  	_ =	shalt  }
0x5d: {  	_ =	shalt  }
0x5e: {  	_ =	shalt  }
0x5f: {  	_ =	shalt  }
0x60: {  	_ =	shalt  }
0x61: {  	_ =	shalt  }
0x62: {  	_ =	shalt  }
0x63: {  	_ =	shalt  }
0x64: {  	_ =	shalt  }
0x65: {  	_ =	shalt  }
0x66: {  	_ =	shalt  }
0x67: {  	_ =	shalt  }
0x68: {  	_ =	shalt  }
0x69: {  	_ =	shalt  }
0x6a: {  	_ =	shalt  }
0x6b: {  	_ =	shalt  }
0x6c: {  	_ =	shalt  }
0x6d: {  	_ =	shalt  }
0x6e: {  	_ =	shalt  }
0x6f: {  	_ =	shalt  }
0x70: {  	_ =	shalt  }
0x71: {  	_ =	shalt  }
0x72: {  	_ =	shalt  }
0x73: {  	_ =	shalt  }
0x74: {  	_ =	shalt  }
0x75: {  	_ =	shalt  }
0x76: {  	_ =	shalt  }
0x77: {  	_ =	shalt  }
0x78: {  	_ =	shalt  }
0x79: {  	_ =	shalt  }
0x7a: {  	_ =	shalt  }
0x7b: {  	_ =	shalt  }
0x7c: {  	_ =	shalt  }
0x7d: {  	_ =	shalt  }
0x7e: {  	_ =	shalt  }
0x7f: {  	_ =	shalt  }
0x80: {  	_ =	shalt  }
0x81: {  	_ =	shalt  }
0x82: {  	_ =	shalt  }
0x83: {  	_ =	shalt  }
0x84: {  	_ =	shalt  }
0x85: {  	_ =	shalt  }
0x86: {  	_ =	shalt  }
0x87: {  	_ =	shalt  }
.Lfunc_end0:
.L_simem_size_0:
called_computation.1_lowered:
.L_overlay_start_0:
0x88: {  	s2 =	sld [smem:$0x3FD9]  }
0x89: {  	s3 =	sld [smem:$0x3FFE];
	_ =	sdelay $0x1  }
0x8a: {  	s1 =	srdreg.scid  }
0x8b: {  	s0 =	sand.u32 $0x1, s1  }
0x8c: {  	s17 =	sshll.u32 s0, $0xA;
	s2 =	sadd.s32 s3, s2  }
0x8d: {  	s2 =	sadd.s32 s2, s17  }
0x8e: {  	[smem:$0x3FC2] =	sst s2  }
0x8f: {  	_ = 	snop  }
0x90: {  	s18 =	sld [smem:$0x3FD0];
	(tm) =	ssettm $0x1  }
0x91: {  	s19 =	sld [smem:$0x3FFB];
	_ =	sdelay $0x3  }
0x92: {  	_ =	strace s19  }
0x93: {  	s2 =	sld [smem:$0x3FFC];
	_ =	sdelay $0x3  }
0x94: {  	_ =	strace s2  }
0x95: {  	s2 =	sld [smem:$0x3FFD];
	_ =	sdelay $0x3  }
0x96: {  	_ =	strace s2  }
0x97: {  	_ =	strace $0x8FFFFFFF  }
0x98: {  	s20 =	sld [smem:$0x3FDB];
	_ =	sdelay $0x1  }
0x99: {  	s4 =	simm.s32 $_scs_section_size  }
0x9a: {  	s5 =	simm.s32 $_size__tile_overlayer_lowered;
	s6 =	simm.s32 $_tile_overlayer_lowered  }
0x9b: {  	s7 =	simm.s32 $0x1BFF;
	s21 =	sshll.u32 s6, $0x1;
	s4 =	sadd.s32 s4, s20  }
0x9c: {  	s22 =	simm.s32 $0x0;
	s5 =	sshll.u32 s5, $0x1;
	s6 =	sadd.s32 s21, s4  }
0x9d: {  	[timem:s22], [sflag:s7] =	dma.local [hbm:s6], s5  }
0x9e: {  	_ =	swait.ge [sflag:s7], s5  }
0x9f: {  	s5 =	ssub.s32 $0x0, s5;
	[sflag:s7] =	ssyncset.done $0x0  }
0xa0: {  	[sflag:s7] =	ssyncadd.s32 s5;
	_ =	sdelay $0x1  }
0xa1: {  	s23 =	simm.s32 $0x1B8B  }
0xa2: {  	_ =	swait.ge [sflag:s23], $0x1  }
0xa3: {  	[sflag:s23] =	ssyncset.done $0x0  }
0xa4: {  	[sflag:s23] =	ssyncadd.s32 $0xFFFFFFFF  }
0xa5: {  	s5 =	sld [smem:$0x0]  }
0xa6: {  	s6 =	sand.u32 $0xFFFFFFFE, s1  }
0xa7: {  	p0 =	sne.s32 s1, s6  }
0xa8: {  	s6 =	sshll.u32 @p0 s6, $0xE  }
0xa9: {  	s6 =	sadd.s32 @p0 $0x11B8D, s6;
	s7 =	sshll.u32 @p0 s5, $0x11  }
0xaa: {  	s6 =	sor.u32 @p0 s7, s6  }
0xab: {  	[sflag:s6] =	ssyncadd.remote.s32 @p0 $0x1;
	_ =	sdelay $0x1  }
0xac: {  	s6 =	simm.s32 @p0 $0x1B8D  }
0xad: {  	_ =	swait.eq @p0 [sflag:s6], $0x1  }
0xae: {  	[sflag:s6] =	ssyncadd.s32 @p0 $0xFFFFFFFF  }
0xaf: {  	s7 =	sshll.u32 @!p0 s1, $0xE  }
0xb0: {  	s7 =	sor.u32 @!p0 $0x4000, s7;
	s6 =	simm.s32 @!p0 $0x1B8D  }
0xb1: {  	s5 =	sshll.u32 @!p0 s5, $0x11;
	s7 =	sadd.s32 @!p0 $0x11B8D, s7;
	_ =	swait.eq @!p0 [sflag:s6], $0x1  }
0xb2: {  	s5 =	sor.u32 @!p0 s5, s7;
	[sflag:s6] =	ssyncadd.s32 @!p0 $0xFFFFFFFF  }
0xb3: {  	s25 =	simm.s32 $0x1B8E;
	s24 =	sld [smem:$0x3FFE];
	[sflag:s5] =	ssyncadd.remote.s32 @!p0 $0x1  }
0xb4: {  	s26 =	simm.s32 $execute0_lowered;
	[smem:$0x3FD2] =	sst s25  }
0xb5: {  	s6 =	sshll.u32 s26, $0x1;
	_ =	strace $0x8000004C;
	[dreg:$0x1] =	wrdreg $0xFFFFFFFF  }
0xb6: {  	s28 =	simm.s32 $_size_execute0_lowered;
	s4 =	sadd.s32 s4, s6;
	[dreg:$0x0] =	wrdreg $0x0  }
0xb7: {  	s6 =	sshll.u32 s28, $0x1;
	[dreg:$0x2] =	wrdreg s4  }
0xb8: {  	[dreg:$0x3] =	wrdreg s6  }
0xb9: {  	[dreg:$0x4] =	wrdreg $0xC0  }
0xba: {  	_ =	task [dreg:s22], $0x5FFFF  }
0xbb: {  	[dreg:$0x1] =	wrdreg $0xFFFFFFFF  }
0xbc: {  	[dreg:$0x0] =	wrdreg $0x60  }
0xbd: {  	[dreg:$0x2] =	wrdreg s24  }
0xbe: {  	[dreg:$0x3] =	wrdreg s18  }
0xbf: {  	[dreg:$0x4] =	wrdreg $0x4000  }
0xc0: {  	[dreg:$0x5] =	wrdreg $0x9  }
0xc1: {  	_ =	task.clear_ibuf [dreg:s22], $0x6FFFF;
	_ =	strace $0x9000004C  }
0xc2: {  	s29 =	simm.s32 $0x9;
	_ =	strace $0x8000004E  }
0xc3: {  	_ =	swait.ge [sflag:s29], $0x1  }
0xc4: {  	[sflag:s29] =	ssyncadd.s32 $0xFFFFFFFF  }
0xc5: {  	_ =	strace $0x9000004E  }
0xc6: {  	_ =	sfence  }
0xc7: {  	s30 =	sld [smem:$0x0];
	_ =	sdelay $0x2  }
0xc8: {  	s31 =	sshll.u32 s1, $0xD;
	s1 =	sshrl.u32 s1, $0x2  }
0xc9: {  	s4 =	sand.u32 $0x4000, s31;
	s1 =	sadd.s32 s1, s30  }
0xca: {  	s0 =	sor.u32 s4, s0;
	s1 =	sshll.u32 s1, $0x11  }
0xcb: {  	s0 =	sor.u32 s1, s0  }
0xcc: {  	s0 =	sadd.s32 $0x8F2B, s0  }
0xcd: {  	[sflag:s0] =	ssyncadd.remote.s32 $0x1  }
0xce: {  	_ =	sfence.sel $0xFFFF  }
0xcf: {  	[dreg:$0x0] =	wrdreg $0xFFFFFFFF;
	(pc) =	sbr.abs _section_cstart, $3  }
0xd0: {  	[dreg:$0x1] =	wrdreg $0xFFFFFFFF  }
0xd1: {  	_ =	task.clear_ibuf [dreg:s22], $0x2FFFF;
	_ =	strace $0x9FFFFFFF  }
0xd2: {  	(tm) =	ssettm $0x7FFFFFFF  }
0xd3: {  	_ =	shalt  }
tec
execute0_lowered:
.L_overlay_start_1:
0x0: {  	(tag) =	ssettag $0x1  }
0x1: {  	s0 =	rddreg [dreg:$0x0]  }
0x2: {  	s1 =	rddreg [dreg:$0x1]  }
0x3: {  	s2 =	rddreg [dreg:$0x2]  }
0x4: {  	s3 =	simm.s32 $0x0;
	s11 =	stileid.u32;
	s4 =	srdreg.scid  }
0x5: {  	s28 =	simm.s32 $0x2;
	s29 =	simm.s32 $0x3;
	s30 =	simm.s32 $0x4  }
0x6: {  	s31 =	simm.s32 $0x200;
	[smem:$0x7FF] =	sst s3;
	s5 =	smul.u32 $0x4C, s11  }
0x7: {  	s8 =	sand.u32 $0x1, s4;
	s24 =	sshll.u32 s11, $0x2;
	s6 =	smul.u32 $0x280, s11  }
0x8: {  	s4 =	sadd.s32 $0x81A00, s0;
	s25 =	smul.u32 $0x50000, s11;
	s13 =	sshll.u32 s11, $0x6  }
0x9: {  	p0 =	seq.s32 s8, $0x0;
	s7 =	sor.u32 $0x4C0, s24;
	s9 =	smul.u32 $0x2800, s8  }
0xa: {  	_ =	strace $0x8000004D;
	s10 =	ssub.s32 $0x2, s8;
	s7 =	smov.u32 @p0 s5  }
0xb: {  	s5 =	sadd.s32 $0x8A00, s0;
	s16 =	sshrl.u32 s25, $0x2;
	s17 =	sshrl.u32 s10, $0x1  }
0xc: {  	s25 =	sor.u32 $0x1C02, s13;
	p0 =	sne.s32 s8, $0x0;
	s8 =	simm.s32 $0x280  }
0xd: {  	s12 =	sshll.u32 s7, $0x4;
	s6 =	sadd.s32 s6, s9;
	s14 =	ssub.s32 s10, s17  }
0xe: {  	s7 =	sor.u32 $0x1C01, s13;
	[dreg:$0xd] =	wrdreg s25;
	s25 =	sor.u32 $0x1C04, s13  }
0xf: {  	s9 =	simm.s32 $0x180;
	s26 =	sadd.s32 s12, s0;
	s6 =	sshll.u32 s6, $0x4  }
0x10: {  	s21 =	smax.u32 s14, $0x1;
	s23 =	sadd.s32 s12, s1;
	s1 =	simm.s32 $0x80  }
0x11: {  	s12 =	simm.s32 $0x14400;
	s14 =	simm.s32 $0x100;
	[dreg:$0x9] =	wrdreg s21  }
0x12: {  	s0 =	sadd.s32 s6, s0;
	s22 =	sadd.s32 $0x3400, s26;
	[dreg:$0xb] =	wrdreg s23  }
0x13: {  	s6 =	sadd.s32 s16, s2;
	s17 =	sadd.s32 $0xF9A00, s0;
	[dreg:$0xa] =	wrdreg s22  }
0x14: {  	s23 =	sor.u32 $0x1C03, s13;
	s18 =	sadd.s32 $0xFA200, s0;
	[dreg:$0x4] =	wrdreg s17  }
0x15: {  	s13 =	simm.s32 $0x18400;
	s19 =	sadd.s32 $0xFAA00, s0;
	[dreg:$0x5] =	wrdreg s18  }
0x16: {  	s15 =	sadd.s32 $0x4000, s6;
	s20 =	sadd.s32 $0xFB200, s0;
	[dreg:$0x6] =	wrdreg s19  }
0x17: {  	s16 =	sadd.s32 $0x8000, s6;
	s0 =	sadd.s32 $0xFBA00, s0;
	[dreg:$0x7] =	wrdreg s20  }
0x18: {  	s10 =	sadd.s32 $0xC000, s6;
	s24 =	sshrl.u32 s6, $0x3;
	[dreg:$0x8] =	wrdreg s0  }
0x19: {  	s11 =	sadd.s32 $0x10000, s6;
	[dreg:$0xc] =	wrdreg s24;
	s21 =	smov.u32 s15  }
0x1a: {  	s26 =	sshrl.u32 s15, $0x3;
	s22 =	smov.u32 s16;
	s24 =	sshrl.u32 s16, $0x3  }
0x1b: {  	s0 =	simm.s32 $0x5;
	s15 =	simm.s32 $0x300;
	s16 =	simm.s32 $0x380  }
0x1c: {  	s17 =	simm.s32 $0x0;
	[dreg:$0xe] =	wrdreg s26;
	s26 =	simm.s32 $0x1  }
.LBB2_1:
0x1d: {  	s18 =	rddreg [dreg:$0xc]  }
0x1e: {  	[spmem:s18], [sflag:s7] =	dma.local [hbm:s5], $0x800  }
0x1f: {  	s18 =	rddreg [dreg:$0xd]  }
0x20: {  	s19 =	rddreg [dreg:$0xe]  }
0x21: {  	[spmem:s19], [sflag:s18] =	dma.local [hbm:s5], $0x800  }
0x22: {  	s19 =	sshrl.u32 s10, $0x3  }
0x23: {  	[spmem:s24], [sflag:s23] =	dma.local [hbm:s5], $0x800  }
0x24: {  	[spmem:s19], [sflag:s25] =	dma.local [hbm:s5], $0x800  }
0x25: {  	_ =	swait.ge [sflag:s26], $0x800  }
0x26: {  	[sflag:s26] =	ssyncset.done $0x0  }
0x27: {  	s20 =	sshrl.u32 s11, $0x3;
	[sflag:s26] =	ssyncadd.s32 $0xFFFFF800  }
0x28: {  	[spmem:s20], [sflag:s7] =	dma.local [hbm:s5], $0x800  }
0x29: {  	_ =	swait.ge [sflag:s28], $0x800  }
0x2a: {  	[sflag:s28] =	ssyncset.done $0x0  }
0x2b: {  	[sflag:s28] =	ssyncadd.s32 $0xFFFFF800  }
0x2c: {  	_ =	swait.ge [sflag:s29], $0x800  }
0x2d: {  	[sflag:s29] =	ssyncset.done $0x0  }
0x2e: {  	[sflag:s29] =	ssyncadd.s32 $0xFFFFF800  }
0x2f: {  	_ =	swait.ge [sflag:s30], $0x800  }
0x30: {  	[sflag:s30] =	ssyncset.done $0x0  }
0x31: {  	[sflag:s30] =	ssyncadd.s32 $0xFFFFF800  }
0x32: {  	_ =	swait.ge [sflag:s26], $0x800  }
0x33: {  	[sflag:s26] =	ssyncset.done $0x0  }
0x34: {  	[sflag:s26] =	ssyncadd.s32 $0xFFFFF800  }
0x35: {  	[bflag:$0x0] =	sbarrier.arrive $0xFFFF  }
0x36: {  	s19 =	rddreg [dreg:$0xb]  }
0x37: {  	s18 =	simm.s32 $0x0;
	s20 =	rddreg [dreg:$0xa]  }
.LBB2_2:
0x38: {  	[tilespmem:s31], [sflag:$0x5] =	stream.linear.gather [hbm4b:s19+s3], $0x200, $0x38;
	[tilespmem:$0x1C400] =	vst v63  }
0x39: {  	_ =	swait.ge [sflag:s0], $0x200  }
0x3a: {  	[sflag:s0] =	ssyncset.done $0x0  }
0x3b: {  	[sflag:s0] =	ssyncadd.s32 $0xFFFFFE00  }
0x3c: {  	[tilespmem:s3], [sflag:$0x5] =	stream.linear.gather [hbm4b:s20+s3], $0x200, $0x38;
	[tilespmem:$0x1C400] =	vst v63  }
0x3d: {  	_ =	swait.ge [sflag:s0], $0x200  }
0x3e: {  	[sflag:s0] =	ssyncset.done $0x0  }
0x3f: {  	[sflag:s0] =	ssyncadd.s32 $0xFFFFFE00  }
0x40: {  	[tilespmem:s12], [sflag:$0x1] =	stream.indirect.gather [hbm4b:s4+s1], $0x80, s3, s1, $0xb8;
	[tilespmem:$0x1C400] =	vst v63  }
0x41: {  	_ = 	snop  }
0x42: {  	[tilespmem:s13], [sflag:$0x2] =	stream.indirect.gather [hbm4b:s4+s1], $0x80, s1, s1, $0xb8;
	[tilespmem:$0x1C400] =	vst v63  }
0x43: {  	_ =	swait.ge [sflag:s26], $0x4000  }
0x44: {  	[sflag:s26] =	ssyncset.done $0x0  }
0x45: {  	[sflag:s26] =	ssyncadd.s32 $0xFFFFC000  }
0x46: {  	[spmem:s2] =	stream.indirect.scatter.add.f32 [tilespmem:s12], [sflag:$0x3], $0x80, s31, s1, $0xb8;
	[tilespmem:$0x1C400] =	vst v63  }
0x47: {  	_ =	swait.ge [sflag:s28], $0x4000  }
0x48: {  	[sflag:s28] =	ssyncset.done $0x0  }
0x49: {  	[sflag:s28] =	ssyncadd.s32 $0xFFFFC000  }
0x4a: {  	[spmem:s2] =	stream.indirect.scatter.add.f32 [tilespmem:s13], [sflag:$0x4], $0x80, s8, s1, $0xb8;
	[tilespmem:$0x1C400] =	vst v63  }
0x4b: {  	_ =	swait.ge [sflag:s29], $0x4000  }
0x4c: {  	[sflag:s29] =	ssyncset.done $0x0  }
0x4d: {  	[sflag:s29] =	ssyncadd.s32 $0xFFFFC000  }
0x4e: {  	_ =	swait.ge [sflag:s30], $0x4000  }
0x4f: {  	[sflag:s30] =	ssyncset.done $0x0  }
0x50: {  	[sflag:s30] =	ssyncadd.s32 $0xFFFFC000  }
0x51: {  	[tilespmem:s12], [sflag:$0x1] =	stream.indirect.gather [hbm4b:s4+s1], $0x80, s14, s1, $0xb8;
	[tilespmem:$0x1C400] =	vst v63  }
0x52: {  	_ = 	snop  }
0x53: {  	[tilespmem:s13], [sflag:$0x2] =	stream.indirect.gather [hbm4b:s4+s1], $0x80, s9, s1, $0xb8;
	[tilespmem:$0x1C400] =	vst v63  }
0x54: {  	_ =	swait.ge [sflag:s26], $0x4000  }
0x55: {  	[sflag:s26] =	ssyncset.done $0x0  }
0x56: {  	[sflag:s26] =	ssyncadd.s32 $0xFFFFC000  }
0x57: {  	[spmem:s2] =	stream.indirect.scatter.add.f32 [tilespmem:s12], [sflag:$0x3], $0x80, s15, s1, $0xb8;
	[tilespmem:$0x1C400] =	vst v63  }
0x58: {  	_ =	swait.ge [sflag:s28], $0x4000  }
0x59: {  	[sflag:s28] =	ssyncset.done $0x0  }
0x5a: {  	p1 =	slt.u32 @!p0 s18, $0x12;
	[sflag:s28] =	ssyncadd.s32 $0xFFFFC000  }
0x5b: {  	[spmem:s2] =	stream.indirect.scatter.add.f32 [tilespmem:s13], [sflag:$0x4], $0x80, s16, s1, $0xb8;
	[tilespmem:$0x1C400] =	vst v63  }
0x5c: {  	p1 =	por p0, !p1;
	_ =	swait.ge [sflag:s29], $0x4000  }
.Ltmp0:
0x5d: {  	[sflag:s29] =	ssyncset.done $0x0;
	(pc) =	sbr.rel @!p1 .LBB2_2-.Ltmp0, $4  }
0x5e: {  	[sflag:s29] =	ssyncadd.s32 $0xFFFFC000  }
0x5f: {  	_ =	swait.ge [sflag:s30], $0x4000  }
0x60: {  	s18 =	sadd.s32 $0x1, s18;
	[sflag:s30] =	ssyncset.done $0x0  }
0x61: {  	s19 =	sadd.s32 $0x40, s19;
	s20 =	sadd.s32 $0x40, s20;
	[sflag:s30] =	ssyncadd.s32 $0xFFFFC000  }
0x62: {  	[bflag:$0x0] =	sbarrier.arrive $0xFFFF  }
0x63: {  	[tilespmem:s12], [sflag:$0x1] =	stream.linear.gather [spmem:s6], $0x4000, $0x38;
	[tilespmem:$0x1C400] =	vst v63  }
0x64: {  	_ = 	snop  }
0x65: {  	[tilespmem:s13], [sflag:$0x2] =	stream.linear.gather [spmem:s21], $0x4000, $0x38;
	[tilespmem:$0x1C400] =	vst v63  }
0x66: {  	_ =	swait.ge [sflag:s26], $0x4000  }
0x67: {  	[sflag:s26] =	ssyncset.done $0x0  }
0x68: {  	s18 =	rddreg [dreg:$0x4];
	[sflag:s26] =	ssyncadd.s32 $0xFFFFC000  }
0x69: {  	[hbm4b:s18+s3] =	stream.linear.scatter [tilespmem:s12], [sflag:$0x3], $0x4000, $0x38;
	[tilespmem:$0x1C400] =	vst v63  }
0x6a: {  	_ =	swait.ge [sflag:s28], $0x4000  }
0x6b: {  	[sflag:s28] =	ssyncset.done $0x0  }
0x6c: {  	s20 =	rddreg [dreg:$0x5];
	[sflag:s28] =	ssyncadd.s32 $0xFFFFC000  }
0x6d: {  	[hbm4b:s20+s3] =	stream.linear.scatter [tilespmem:s13], [sflag:$0x4], $0x4000, $0x38;
	[tilespmem:$0x1C400] =	vst v63  }
0x6e: {  	_ =	swait.ge [sflag:s29], $0x4000  }
0x6f: {  	[sflag:s29] =	ssyncset.done $0x0  }
0x70: {  	[sflag:s29] =	ssyncadd.s32 $0xFFFFC000  }
0x71: {  	[tilespmem:s12], [sflag:$0x1] =	stream.linear.gather [spmem:s22], $0x4000, $0x38;
	[tilespmem:$0x1C400] =	vst v63  }
0x72: {  	_ =	swait.ge [sflag:s26], $0x4000  }
0x73: {  	[sflag:s26] =	ssyncset.done $0x0  }
0x74: {  	s19 =	rddreg [dreg:$0x6];
	[sflag:s26] =	ssyncadd.s32 $0xFFFFC000  }
0x75: {  	[hbm4b:s19+s3] =	stream.linear.scatter [tilespmem:s12], [sflag:$0x3], $0x4000, $0x38;
	[tilespmem:$0x1C400] =	vst v63  }
0x76: {  	_ =	swait.ge [sflag:s30], $0x4000  }
0x77: {  	[sflag:s30] =	ssyncset.done $0x0  }
0x78: {  	[sflag:s30] =	ssyncadd.s32 $0xFFFFC000  }
0x79: {  	[tilespmem:s13], [sflag:$0x2] =	stream.linear.gather [spmem:s10], $0x4000, $0x38;
	[tilespmem:$0x1C400] =	vst v63  }
0x7a: {  	_ =	swait.ge [sflag:s28], $0x4000  }
0x7b: {  	[sflag:s28] =	ssyncset.done $0x0  }
0x7c: {  	s20 =	rddreg [dreg:$0x7];
	[sflag:s28] =	ssyncadd.s32 $0xFFFFC000  }
0x7d: {  	[hbm4b:s20+s3] =	stream.linear.scatter [tilespmem:s13], [sflag:$0x4], $0x4000, $0x38;
	[tilespmem:$0x1C400] =	vst v63  }
0x7e: {  	_ =	swait.ge [sflag:s29], $0x4000  }
0x7f: {  	[sflag:s29] =	ssyncset.done $0x0  }
0x80: {  	[sflag:s29] =	ssyncadd.s32 $0xFFFFC000  }
0x81: {  	[tilespmem:s12], [sflag:$0x1] =	stream.linear.gather [spmem:s11], $0x4000, $0x38;
	[tilespmem:$0x1C400] =	vst v63  }
0x82: {  	_ =	swait.ge [sflag:s26], $0x4000  }
0x83: {  	[sflag:s26] =	ssyncset.done $0x0  }
0x84: {  	s19 =	rddreg [dreg:$0x8];
	[sflag:s26] =	ssyncadd.s32 $0xFFFFC000  }
0x85: {  	[hbm4b:s19+s3] =	stream.linear.scatter [tilespmem:s12], [sflag:$0x3], $0x4000, $0x38;
	[tilespmem:$0x1C400] =	vst v63  }
0x86: {  	_ =	swait.ge [sflag:s30], $0x4000  }
0x87: {  	[sflag:s30] =	ssyncset.done $0x0  }
0x88: {  	[sflag:s30] =	ssyncadd.s32 $0xFFFFC000  }
0x89: {  	_ =	swait.ge [sflag:s29], $0x4000  }
0x8a: {  	s17 =	sadd.s32 $0x1, s17;
	s20 =	rddreg [dreg:$0x9]  }
0x8b: {  	p1 =	sne.s32 s17, s20  }
.Ltmp1:
0x8c: {  	_ = 	snop;
	(pc) =	sbr.rel @p1 .LBB2_1-.Ltmp1, $3  }
0x8d: {  	_ =	sdelay $0x1  }
0x8e: {  	[sflag:s29] =	ssyncset.done $0x0  }
0x8f: {  	[sflag:s29] =	ssyncadd.s32 $0xFFFFC000  }
0x90: {  	_ =	sfence.sel $0x180000  }
0x91: {  	[bflag:$0x0] =	sbarrier.arrive $0xFFFF  }
0x92: {  	_ =	strace $0x9000004D  }
0x93: {  	s0 =	stileid.u32;
	[bflag:$0x2] =	sbarrier.arrive $0xFFFF  }
0x94: {  	p0 =	sne.s32 s0, $0x0;
	s0 =	rddreg [dreg:$0x3]  }
0x95: {  	s0 =	sadd.s32 @!p0 $0x100000, s0  }
0x96: {  	[sflag:s0] =	ssyncadd.tile.s32 @!p0 $0x1;
	_ =	shalt  }
.Lfunc_end2:
_tile_overlayer_lowered:
.L_overlay_start_2:
0x97: {  	(tag) =	ssettag $0x2  }
0x98: {  	s0 =	rddreg [dreg:$0x0];
	s2 =	stileid.u32  }
0x99: {  	s1 =	rddreg [dreg:$0x1];
	p0 =	sne.s32 s2, $0x0  }
0x9a: {  	s3 =	rddreg [dreg:$0x2];
	[bflag:$0x3] =	sbarrier.arrive $0xFFFF;
	s2 =	simm.s32 @!p0 $0x1C05  }
0x9b: {  	[timem:s3], [sflag:s2] =	dma.local @!p0 [hbm:s0], s1  }
0x9c: {  	s0 =	simm.s32 @!p0 $0x5  }
0x9d: {  	_ =	swait.ge @!p0 [sflag:s0], s1  }
0x9e: {  	s1 =	ssub.s32 @!p0 $0x0, s1;
	[sflag:s0] =	ssyncset.done @!p0 $0x0  }
0x9f: {  	[sflag:s0] =	ssyncadd.s32 @!p0 s1  }
0xa0: {  	[bflag:$0x3] =	sbarrier.arrive $0xFFFF  }
0xa1: {  	_ =	shalt  }

// kernel: kernel.15.cloned.1.call-start
scs
__scs_entry_jumppad:
0x0: {  	(pc) =	sbr.rel $0x88, $3  }
0x1: {  	(tag) =	ssettag $0x0;
	lr =	simm.s32 $0x1  }
0x2: {  	[smem:$0x3F9B] =	sst lr;
	_ =	strace $0xD0000000  }
0x3: {  	_ = 	snop  }
0x4: {  	_ = 	snop  }
0x5: {  	_ = 	snop  }
0x6: {  	_ = 	snop  }
0x7: {  	_ = 	snop  }
__scs_overlays_trampoline_lowered:
0x8: {  	[smem:$0x3FAA] =	sst s0  }
0x9: {  	[smem:$0x3FAB] =	sst s1  }
0xa: {  	[smem:$0x3FAC] =	sst s2  }
0xb: {  	[smem:$0x3FAD] =	sst s3  }
0xc: {  	[smem:$0x3FAE] =	sst s4  }
0xd: {  	[smem:$0x3FAF] =	sst s5  }
0xe: {  	[smem:$0x3FB0] =	sst s6  }
0xf: {  	[smem:$0x3FB1] =	sst s7  }
0x10: {  	[smem:$0x3FB2] =	sst s8  }
0x11: {  	[smem:$0x3FB3] =	sst s9;
	s0 =	simm.s32 @!p0 $0x0  }
0x12: {  	s1 =	sld [smem:$0x3F99];
	s0 =	simm.s32 @p0 $0x1  }
0x13: {  	[smem:$0x3FB4] =	sst s0;
	s0 =	simm.s32 @!p1 $0x0  }
0x14: {  	s2 =	sld [smem:$0x3F98];
	s0 =	simm.s32 @p1 $0x1  }
0x15: {  	[smem:$0x3FB5] =	sst s0;
	s0 =	simm.s32 @!p2 $0x0  }
0x16: {  	s3 =	sld [smem:$0x3FDB];
	s0 =	simm.s32 @p2 $0x1  }
0x17: {  	s4 =	simm.s32 $0x1BF5;
	[smem:$0x3FB7] =	sst s0  }
0x18: {  	s0 =	sld [smem:$0x3F9A];
	_ =	swait.ge [sflag:s4], $0x0  }
0x19: {  	s7 =	sld [smem:$0x3F9B]  }
0x1a: {  	s8 =	sadd.s32 $0xFFFFE003, lr  }
0x1b: {  	s9 =	sadd.s32 $0xFFFFFEF7, lr;
	s5 =	simm.s32 $0xFFFFFFFF;
	p2 =	slt.u32 s8, $0xFFFFF086  }
0x1c: {  	p1 =	slt.u32 s9, $0xF7A;
	s5 =	simm.s32 @!p2 $0x0  }
0x1d: {  	s5 =	simm.s32 @p1 $0x1;
	p0 =	seq.s32 s7, s2  }
0x1e: {  	s7 =	smul.u32 @!p0 $0xF7A, s2;
	p2 =	seq.s32 @!p0 s5, $0x0  }
0x1f: {  	s9 =	smul.u32 $0xF7A, s1;
	s8 =	simm.s32 @!p0 $0x1BF5;
	p2 =	por !p2, p0  }
0x20: {  	[sflag:s8] =	ssyncset.s32 @!p0 $0xFFFFF086;
	s6 =	sadd.s32 @!p0 s3, s7;
	s7 =	simm.s32 @!p0 $0x108  }
0x21: {  	s3 =	sadd.s32 s3, s9;
	s6 =	sadd.s32 @!p0 $0x88, s6;
	s7 =	simm.s32 @p2 $0x1082  }
0x22: {  	[simem:s7], [sflag:s8] =	dma.local @!p0 [hbm:s6], $0xF7A  }
0x23: {  	s9 =	sor.u32 $0xD0000000, s2;
	s6 =	simm.s32 $0x108;
	_ =	swait.ge @!p0 [sflag:s8], $0x0  }
0x24: {  	s3 =	sadd.s32 $0x88, s3;
	s6 =	simm.s32 @!p1 $0x1082;
	[sflag:s4] =	ssyncset.s32 $0xFFFFF086  }
0x25: {  	[simem:s6], [sflag:s4] =	dma.local [hbm:s3], $0xF7A  }
0x26: {  	[smem:$0x3F9B] =	sst s1;
	(tag) =	ssettag s2;
	_ =	strace s9  }
0x27: {  	s1 =	sld [smem:$0x3FAB]  }
0x28: {  	s2 =	sld [smem:$0x3FAC]  }
0x29: {  	s4 =	sld [smem:$0x3FAE]  }
0x2a: {  	p0 =	seq.s32 s5, $0x0;
	s5 =	sld [smem:$0x3FAF]  }
0x2b: {  	s6 =	sld [smem:$0x3FB0]  }
0x2c: {  	s7 =	sld [smem:$0x3FB1]  }
0x2d: {  	s3 =	simm.s32 $0x108;
	s8 =	sld [smem:$0x3FB2]  }
0x2e: {  	s3 =	simm.s32 @!p0 $0x1082;
	s9 =	sld [smem:$0x3FB3]  }
0x2f: {  	lr =	sadd.s32 s0, s3;
	s0 =	sld [smem:$0x3FAA]  }
0x30: {  	s3 =	sld [smem:$0x3FAD]  }
0x31: {  	[smem:$0x3FB6] =	sst s10  }
0x32: {  	s10 =	sld [smem:$0x3FB4];
	_ =	sdelay $0x3  }
0x33: {  	p0 =	seq.s32 s10, $0x1;
	s10 =	sld [smem:$0x3FB6];
	_ =	sdelay $0x3  }
0x34: {  	[smem:$0x3FB6] =	sst s10  }
0x35: {  	s10 =	sld [smem:$0x3FB5];
	_ =	sdelay $0x3  }
0x36: {  	p1 =	seq.s32 s10, $0x1;
	s10 =	sld [smem:$0x3FB6];
	_ =	sdelay $0x3  }
0x37: {  	[smem:$0x3FB6] =	sst s10  }
0x38: {  	s10 =	sld [smem:$0x3FB7]  }
0x39: {  	_ = 	snop;
	(pc) =	sbr.ind lr, $3  }
0x3a: {  	_ = 	snop  }
0x3b: {  	_ = 	snop  }
0x3c: {  	p2 =	seq.s32 s10, $0x1;
	s10 =	sld [smem:$0x3FB6]  }
0x3d: {  	_ =	shalt  }
0x3e: {  	_ =	shalt  }
0x3f: {  	_ =	shalt  }
0x40: {  	_ =	shalt  }
0x41: {  	_ =	shalt  }
0x42: {  	_ =	shalt  }
0x43: {  	_ =	shalt  }
0x44: {  	_ =	shalt  }
0x45: {  	_ =	shalt  }
0x46: {  	_ =	shalt  }
0x47: {  	_ =	shalt  }
0x48: {  	_ =	shalt  }
0x49: {  	_ =	shalt  }
0x4a: {  	_ =	shalt  }
0x4b: {  	_ =	shalt  }
0x4c: {  	_ =	shalt  }
0x4d: {  	_ =	shalt  }
0x4e: {  	_ =	shalt  }
0x4f: {  	_ =	shalt  }
0x50: {  	_ =	shalt  }
0x51: {  	_ =	shalt  }
0x52: {  	_ =	shalt  }
0x53: {  	_ =	shalt  }
0x54: {  	_ =	shalt  }
0x55: {  	_ =	shalt  }
0x56: {  	_ =	shalt  }
0x57: {  	_ =	shalt  }
0x58: {  	_ =	shalt  }
0x59: {  	_ =	shalt  }
0x5a: {  	_ =	shalt  }
0x5b: {  	_ =	shalt  }
0x5c: {  	_ =	shalt  }
0x5d: {  	_ =	shalt  }
0x5e: {  	_ =	shalt  }
0x5f: {  	_ =	shalt  }
0x60: {  	_ =	shalt  }
0x61: {  	_ =	shalt  }
0x62: {  	_ =	shalt  }
0x63: {  	_ =	shalt  }
0x64: {  	_ =	shalt  }
0x65: {  	_ =	shalt  }
0x66: {  	_ =	shalt  }
0x67: {  	_ =	shalt  }
0x68: {  	_ =	shalt  }
0x69: {  	_ =	shalt  }
0x6a: {  	_ =	shalt  }
0x6b: {  	_ =	shalt  }
0x6c: {  	_ =	shalt  }
0x6d: {  	_ =	shalt  }
0x6e: {  	_ =	shalt  }
0x6f: {  	_ =	shalt  }
0x70: {  	_ =	shalt  }
0x71: {  	_ =	shalt  }
0x72: {  	_ =	shalt  }
0x73: {  	_ =	shalt  }
0x74: {  	_ =	shalt  }
0x75: {  	_ =	shalt  }
0x76: {  	_ =	shalt  }
0x77: {  	_ =	shalt  }
0x78: {  	_ =	shalt  }
0x79: {  	_ =	shalt  }
0x7a: {  	_ =	shalt  }
0x7b: {  	_ =	shalt  }
0x7c: {  	_ =	shalt  }
0x7d: {  	_ =	shalt  }
0x7e: {  	_ =	shalt  }
0x7f: {  	_ =	shalt  }
0x80: {  	_ =	shalt  }
0x81: {  	_ =	shalt  }
0x82: {  	_ =	shalt  }
0x83: {  	_ =	shalt  }
0x84: {  	_ =	shalt  }
0x85: {  	_ =	shalt  }
0x86: {  	_ =	shalt  }
0x87: {  	_ =	shalt  }
.Lfunc_end0:
.L_simem_size_0:
called_computation.2_lowered:
.L_overlay_start_0:
0x88: {  	s2 =	sld [smem:$0x3FD9]  }
0x89: {  	s3 =	sld [smem:$0x3FFE];
	_ =	sdelay $0x1  }
0x8a: {  	s1 =	srdreg.scid  }
0x8b: {  	s0 =	sand.u32 $0x1, s1  }
0x8c: {  	s17 =	sshll.u32 s0, $0xA;
	s2 =	sadd.s32 s3, s2  }
0x8d: {  	s2 =	sadd.s32 s2, s17  }
0x8e: {  	[smem:$0x3FC2] =	sst s2  }
0x8f: {  	_ = 	snop  }
0x90: {  	s2 =	sld [smem:$0x3FD0];
	(tm) =	ssettm $0x1  }
0x91: {  	s18 =	sld [smem:$0x3FFB];
	_ =	sdelay $0x3  }
0x92: {  	_ =	strace s18  }
0x93: {  	s3 =	sld [smem:$0x3FFC];
	_ =	sdelay $0x3  }
0x94: {  	_ =	strace s3  }
0x95: {  	s3 =	sld [smem:$0x3FFD];
	_ =	sdelay $0x3  }
0x96: {  	_ =	strace s3  }
0x97: {  	_ =	strace $0x8FFFFFFF  }
0x98: {  	s19 =	sld [smem:$0x3FDB];
	_ =	sdelay $0x1  }
0x99: {  	s4 =	simm.s32 $_scs_section_size  }
0x9a: {  	s5 =	simm.s32 $_size__tile_overlayer_lowered;
	s6 =	simm.s32 $_tile_overlayer_lowered  }
0x9b: {  	s22 =	simm.s32 $0x1BFF;
	s21 =	sshll.u32 s6, $0x1;
	s3 =	sadd.s32 s4, s19  }
0x9c: {  	s7 =	simm.s32 $0x0;
	s20 =	sshll.u32 s5, $0x1;
	s5 =	sadd.s32 s21, s3  }
0x9d: {  	[timem:s7], [sflag:s22] =	dma.local [hbm:s5], s20  }
0x9e: {  	_ =	swait.ge [sflag:s22], s20  }
0x9f: {  	s4 =	ssub.s32 $0x0, s20;
	[sflag:s22] =	ssyncset.done $0x0  }
0xa0: {  	[sflag:s22] =	ssyncadd.s32 s4;
	_ =	sdelay $0x1  }
0xa1: {  	s23 =	simm.s32 $0x1B8B  }
0xa2: {  	_ =	swait.ge [sflag:s23], $0x1  }
0xa3: {  	[sflag:s23] =	ssyncset.done $0x0  }
0xa4: {  	s25 =	simm.s32 $0x1B8E;
	s24 =	sld [smem:$0x3FFE];
	[sflag:s23] =	ssyncadd.s32 $0xFFFFFFFF  }
0xa5: {  	s26 =	simm.s32 $execute0_lowered;
	[smem:$0x3FD2] =	sst s25  }
0xa6: {  	s5 =	sshll.u32 s26, $0x1;
	_ =	strace $0x80000049;
	[dreg:$0x1] =	wrdreg $0xFFFFFFFF  }
0xa7: {  	s28 =	simm.s32 $_size_execute0_lowered;
	s3 =	sadd.s32 s3, s5;
	[dreg:$0x0] =	wrdreg $0x0  }
0xa8: {  	s5 =	sshll.u32 s28, $0x1;
	[dreg:$0x2] =	wrdreg s3  }
0xa9: {  	[dreg:$0x3] =	wrdreg s5  }
0xaa: {  	[dreg:$0x4] =	wrdreg $0xC0  }
0xab: {  	_ =	task [dreg:s7], $0x5FFFF  }
0xac: {  	[dreg:$0x1] =	wrdreg $0xFFFFFFFF  }
0xad: {  	[dreg:$0x0] =	wrdreg $0x60  }
0xae: {  	[dreg:$0x2] =	wrdreg s24  }
0xaf: {  	[dreg:$0x3] =	wrdreg s2  }
0xb0: {  	[dreg:$0x4] =	wrdreg $0x4000  }
0xb1: {  	[dreg:$0x5] =	wrdreg $0xA  }
0xb2: {  	_ =	task.clear_ibuf [dreg:s7], $0x6FFFF;
	_ =	strace $0x90000049  }
0xb3: {  	s29 =	simm.s32 $0xA;
	_ =	strace $0x8000004B  }
0xb4: {  	_ =	swait.ge [sflag:s29], $0x1  }
0xb5: {  	[sflag:s29] =	ssyncadd.s32 $0xFFFFFFFF  }
0xb6: {  	_ =	strace $0x9000004B  }
0xb7: {  	_ =	sfence  }
0xb8: {  	s30 =	sld [smem:$0x0];
	_ =	sdelay $0x2  }
0xb9: {  	s31 =	sshll.u32 s1, $0xD;
	s1 =	sshrl.u32 s1, $0x2  }
0xba: {  	s3 =	sand.u32 $0x4000, s31;
	s1 =	sadd.s32 s1, s30  }
0xbb: {  	s0 =	sor.u32 s3, s0;
	s1 =	sshll.u32 s1, $0x11  }
0xbc: {  	s0 =	sor.u32 s1, s0  }
0xbd: {  	s0 =	sadd.s32 $0x8F2B, s0  }
0xbe: {  	[sflag:s0] =	ssyncadd.remote.s32 $0x1  }
0xbf: {  	_ =	sfence.sel $0xFFFF  }
0xc0: {  	[dreg:$0x0] =	wrdreg $0xFFFFFFFF;
	(pc) =	sbr.abs _section_cstart, $3  }
0xc1: {  	[dreg:$0x1] =	wrdreg $0xFFFFFFFF  }
0xc2: {  	_ =	task.clear_ibuf [dreg:s7], $0x2FFFF;
	_ =	strace $0x9FFFFFFF  }
0xc3: {  	(tm) =	ssettm $0x7FFFFFFF  }
tec
execute0_lowered:
.L_overlay_start_1:
0x0: {  	(tag) =	ssettag $0x1  }
0x1: {  	s0 =	rddreg [dreg:$0x0]  }
0x2: {  	s1 =	rddreg [dreg:$0x1]  }
0x3: {  	s2 =	rddreg [dreg:$0x2]  }
0x4: {  	s3 =	simm.s32 $0x0;
	s11 =	stileid.u32;
	s4 =	srdreg.scid  }
0x5: {  	s28 =	simm.s32 $0x2;
	s29 =	simm.s32 $0x3;
	s30 =	simm.s32 $0x4  }
0x6: {  	s31 =	simm.s32 $0x200;
	[smem:$0x7FF] =	sst s3;
	s5 =	smul.u32 $0x4C, s11  }
0x7: {  	s8 =	sand.u32 $0x1, s4;
	s24 =	sshll.u32 s11, $0x2;
	s6 =	smul.u32 $0x280, s11  }
0x8: {  	s4 =	sadd.s32 $0x59A00, s0;
	s25 =	smul.u32 $0x50000, s11;
	s13 =	sshll.u32 s11, $0x6  }
0x9: {  	p0 =	seq.s32 s8, $0x0;
	s7 =	sor.u32 $0x4C0, s24;
	s9 =	smul.u32 $0x2800, s8  }
0xa: {  	_ =	strace $0x8000004A;
	s10 =	ssub.s32 $0x2, s8;
	s7 =	smov.u32 @p0 s5  }
0xb: {  	s5 =	sadd.s32 $0x8A00, s0;
	s16 =	sshrl.u32 s25, $0x2;
	s17 =	sshrl.u32 s10, $0x1  }
0xc: {  	s25 =	sor.u32 $0x1C02, s13;
	p0 =	sne.s32 s8, $0x0;
	s8 =	simm.s32 $0x280  }
0xd: {  	s12 =	sshll.u32 s7, $0x4;
	s6 =	sadd.s32 s6, s9;
	s14 =	ssub.s32 s10, s17  }
0xe: {  	s7 =	sor.u32 $0x1C01, s13;
	[dreg:$0xd] =	wrdreg s25;
	s25 =	sor.u32 $0x1C04, s13  }
0xf: {  	s9 =	simm.s32 $0x180;
	s26 =	sadd.s32 s12, s0;
	s6 =	sshll.u32 s6, $0x4  }
0x10: {  	s21 =	smax.u32 s14, $0x1;
	s23 =	sadd.s32 s12, s1;
	s1 =	simm.s32 $0x80  }
0x11: {  	s12 =	simm.s32 $0x14400;
	s14 =	simm.s32 $0x100;
	[dreg:$0x9] =	wrdreg s21  }
0x12: {  	s0 =	sadd.s32 s6, s0;
	s22 =	sadd.s32 $0x3400, s26;
	[dreg:$0xb] =	wrdreg s23  }
0x13: {  	s6 =	sadd.s32 s16, s2;
	s17 =	sadd.s32 $0xA9A00, s0;
	[dreg:$0xa] =	wrdreg s22  }
0x14: {  	s23 =	sor.u32 $0x1C03, s13;
	s18 =	sadd.s32 $0xAA200, s0;
	[dreg:$0x4] =	wrdreg s17  }
0x15: {  	s13 =	simm.s32 $0x18400;
	s19 =	sadd.s32 $0xAAA00, s0;
	[dreg:$0x5] =	wrdreg s18  }
0x16: {  	s15 =	sadd.s32 $0x4000, s6;
	s20 =	sadd.s32 $0xAB200, s0;
	[dreg:$0x6] =	wrdreg s19  }
0x17: {  	s16 =	sadd.s32 $0x8000, s6;
	s0 =	sadd.s32 $0xABA00, s0;
	[dreg:$0x7] =	wrdreg s20  }
0x18: {  	s10 =	sadd.s32 $0xC000, s6;
	s24 =	sshrl.u32 s6, $0x3;
	[dreg:$0x8] =	wrdreg s0  }
0x19: {  	s11 =	sadd.s32 $0x10000, s6;
	[dreg:$0xc] =	wrdreg s24;
	s21 =	smov.u32 s15  }
0x1a: {  	s26 =	sshrl.u32 s15, $0x3;
	s22 =	smov.u32 s16;
	s24 =	sshrl.u32 s16, $0x3  }
0x1b: {  	s0 =	simm.s32 $0x5;
	s15 =	simm.s32 $0x300;
	s16 =	simm.s32 $0x380  }
0x1c: {  	s17 =	simm.s32 $0x0;
	[dreg:$0xe] =	wrdreg s26;
	s26 =	simm.s32 $0x1  }
.LBB2_1:
0x1d: {  	s18 =	rddreg [dreg:$0xc]  }
0x1e: {  	[spmem:s18], [sflag:s7] =	dma.local [hbm:s5], $0x800  }
0x1f: {  	s18 =	rddreg [dreg:$0xd]  }
0x20: {  	s19 =	rddreg [dreg:$0xe]  }
0x21: {  	[spmem:s19], [sflag:s18] =	dma.local [hbm:s5], $0x800  }
0x22: {  	s19 =	sshrl.u32 s10, $0x3  }
0x23: {  	[spmem:s24], [sflag:s23] =	dma.local [hbm:s5], $0x800  }
0x24: {  	[spmem:s19], [sflag:s25] =	dma.local [hbm:s5], $0x800  }
0x25: {  	_ =	swait.ge [sflag:s26], $0x800  }
0x26: {  	[sflag:s26] =	ssyncset.done $0x0  }
0x27: {  	s20 =	sshrl.u32 s11, $0x3;
	[sflag:s26] =	ssyncadd.s32 $0xFFFFF800  }
0x28: {  	[spmem:s20], [sflag:s7] =	dma.local [hbm:s5], $0x800  }
0x29: {  	_ =	swait.ge [sflag:s28], $0x800  }
0x2a: {  	[sflag:s28] =	ssyncset.done $0x0  }
0x2b: {  	[sflag:s28] =	ssyncadd.s32 $0xFFFFF800  }
0x2c: {  	_ =	swait.ge [sflag:s29], $0x800  }
0x2d: {  	[sflag:s29] =	ssyncset.done $0x0  }
0x2e: {  	[sflag:s29] =	ssyncadd.s32 $0xFFFFF800  }
0x2f: {  	_ =	swait.ge [sflag:s30], $0x800  }
0x30: {  	[sflag:s30] =	ssyncset.done $0x0  }
0x31: {  	[sflag:s30] =	ssyncadd.s32 $0xFFFFF800  }
0x32: {  	_ =	swait.ge [sflag:s26], $0x800  }
0x33: {  	[sflag:s26] =	ssyncset.done $0x0  }
0x34: {  	[sflag:s26] =	ssyncadd.s32 $0xFFFFF800  }
0x35: {  	[bflag:$0x0] =	sbarrier.arrive $0xFFFF  }
0x36: {  	s19 =	rddreg [dreg:$0xb]  }
0x37: {  	s18 =	simm.s32 $0x0;
	s20 =	rddreg [dreg:$0xa]  }
.LBB2_2:
0x38: {  	[tilespmem:s31], [sflag:$0x5] =	stream.linear.gather [hbm4b:s19+s3], $0x200, $0x38;
	[tilespmem:$0x1C400] =	vst v63  }
0x39: {  	_ =	swait.ge [sflag:s0], $0x200  }
0x3a: {  	[sflag:s0] =	ssyncset.done $0x0  }
0x3b: {  	[sflag:s0] =	ssyncadd.s32 $0xFFFFFE00  }
0x3c: {  	[tilespmem:s3], [sflag:$0x5] =	stream.linear.gather [hbm4b:s20+s3], $0x200, $0x38;
	[tilespmem:$0x1C400] =	vst v63  }
0x3d: {  	_ =	swait.ge [sflag:s0], $0x200  }
0x3e: {  	[sflag:s0] =	ssyncset.done $0x0  }
0x3f: {  	[sflag:s0] =	ssyncadd.s32 $0xFFFFFE00  }
0x40: {  	[tilespmem:s12], [sflag:$0x1] =	stream.indirect.gather [hbm4b:s4+s1], $0x80, s3, s1, $0xb8;
	[tilespmem:$0x1C400] =	vst v63  }
0x41: {  	_ = 	snop  }
0x42: {  	[tilespmem:s13], [sflag:$0x2] =	stream.indirect.gather [hbm4b:s4+s1], $0x80, s1, s1, $0xb8;
	[tilespmem:$0x1C400] =	vst v63  }
0x43: {  	_ =	swait.ge [sflag:s26], $0x4000  }
0x44: {  	[sflag:s26] =	ssyncset.done $0x0  }
0x45: {  	[sflag:s26] =	ssyncadd.s32 $0xFFFFC000  }
0x46: {  	[spmem:s2] =	stream.indirect.scatter.add.f32 [tilespmem:s12], [sflag:$0x3], $0x80, s31, s1, $0xb8;
	[tilespmem:$0x1C400] =	vst v63  }
0x47: {  	_ =	swait.ge [sflag:s28], $0x4000  }
0x48: {  	[sflag:s28] =	ssyncset.done $0x0  }
0x49: {  	[sflag:s28] =	ssyncadd.s32 $0xFFFFC000  }
0x4a: {  	[spmem:s2] =	stream.indirect.scatter.add.f32 [tilespmem:s13], [sflag:$0x4], $0x80, s8, s1, $0xb8;
	[tilespmem:$0x1C400] =	vst v63  }
0x4b: {  	_ =	swait.ge [sflag:s29], $0x4000  }
0x4c: {  	[sflag:s29] =	ssyncset.done $0x0  }
0x4d: {  	[sflag:s29] =	ssyncadd.s32 $0xFFFFC000  }
0x4e: {  	_ =	swait.ge [sflag:s30], $0x4000  }
0x4f: {  	[sflag:s30] =	ssyncset.done $0x0  }
0x50: {  	[sflag:s30] =	ssyncadd.s32 $0xFFFFC000  }
0x51: {  	[tilespmem:s12], [sflag:$0x1] =	stream.indirect.gather [hbm4b:s4+s1], $0x80, s14, s1, $0xb8;
	[tilespmem:$0x1C400] =	vst v63  }
0x52: {  	_ = 	snop  }
0x53: {  	[tilespmem:s13], [sflag:$0x2] =	stream.indirect.gather [hbm4b:s4+s1], $0x80, s9, s1, $0xb8;
	[tilespmem:$0x1C400] =	vst v63  }
0x54: {  	_ =	swait.ge [sflag:s26], $0x4000  }
0x55: {  	[sflag:s26] =	ssyncset.done $0x0  }
0x56: {  	[sflag:s26] =	ssyncadd.s32 $0xFFFFC000  }
0x57: {  	[spmem:s2] =	stream.indirect.scatter.add.f32 [tilespmem:s12], [sflag:$0x3], $0x80, s15, s1, $0xb8;
	[tilespmem:$0x1C400] =	vst v63  }
0x58: {  	_ =	swait.ge [sflag:s28], $0x4000  }
0x59: {  	[sflag:s28] =	ssyncset.done $0x0  }
0x5a: {  	p1 =	slt.u32 @!p0 s18, $0x12;
	[sflag:s28] =	ssyncadd.s32 $0xFFFFC000  }
0x5b: {  	[spmem:s2] =	stream.indirect.scatter.add.f32 [tilespmem:s13], [sflag:$0x4], $0x80, s16, s1, $0xb8;
	[tilespmem:$0x1C400] =	vst v63  }
0x5c: {  	p1 =	por p0, !p1;
	_ =	swait.ge [sflag:s29], $0x4000  }
.Ltmp0:
0x5d: {  	[sflag:s29] =	ssyncset.done $0x0;
	(pc) =	sbr.rel @!p1 .LBB2_2-.Ltmp0, $4  }
0x5e: {  	[sflag:s29] =	ssyncadd.s32 $0xFFFFC000  }
0x5f: {  	_ =	swait.ge [sflag:s30], $0x4000  }
0x60: {  	s18 =	sadd.s32 $0x1, s18;
	[sflag:s30] =	ssyncset.done $0x0  }
0x61: {  	s19 =	sadd.s32 $0x40, s19;
	s20 =	sadd.s32 $0x40, s20;
	[sflag:s30] =	ssyncadd.s32 $0xFFFFC000  }
0x62: {  	[bflag:$0x0] =	sbarrier.arrive $0xFFFF  }
0x63: {  	[tilespmem:s12], [sflag:$0x1] =	stream.linear.gather [spmem:s6], $0x4000, $0x38;
	[tilespmem:$0x1C400] =	vst v63  }
0x64: {  	_ = 	snop  }
0x65: {  	[tilespmem:s13], [sflag:$0x2] =	stream.linear.gather [spmem:s21], $0x4000, $0x38;
	[tilespmem:$0x1C400] =	vst v63  }
0x66: {  	_ =	swait.ge [sflag:s26], $0x4000  }
0x67: {  	[sflag:s26] =	ssyncset.done $0x0  }
0x68: {  	s18 =	rddreg [dreg:$0x4];
	[sflag:s26] =	ssyncadd.s32 $0xFFFFC000  }
0x69: {  	[hbm4b:s18+s3] =	stream.linear.scatter [tilespmem:s12], [sflag:$0x3], $0x4000, $0x38;
	[tilespmem:$0x1C400] =	vst v63  }
0x6a: {  	_ =	swait.ge [sflag:s28], $0x4000  }
0x6b: {  	[sflag:s28] =	ssyncset.done $0x0  }
0x6c: {  	s20 =	rddreg [dreg:$0x5];
	[sflag:s28] =	ssyncadd.s32 $0xFFFFC000  }
0x6d: {  	[hbm4b:s20+s3] =	stream.linear.scatter [tilespmem:s13], [sflag:$0x4], $0x4000, $0x38;
	[tilespmem:$0x1C400] =	vst v63  }
0x6e: {  	_ =	swait.ge [sflag:s29], $0x4000  }
0x6f: {  	[sflag:s29] =	ssyncset.done $0x0  }
0x70: {  	[sflag:s29] =	ssyncadd.s32 $0xFFFFC000  }
0x71: {  	[tilespmem:s12], [sflag:$0x1] =	stream.linear.gather [spmem:s22], $0x4000, $0x38;
	[tilespmem:$0x1C400] =	vst v63  }
0x72: {  	_ =	swait.ge [sflag:s26], $0x4000  }
0x73: {  	[sflag:s26] =	ssyncset.done $0x0  }
0x74: {  	s19 =	rddreg [dreg:$0x6];
	[sflag:s26] =	ssyncadd.s32 $0xFFFFC000  }
0x75: {  	[hbm4b:s19+s3] =	stream.linear.scatter [tilespmem:s12], [sflag:$0x3], $0x4000, $0x38;
	[tilespmem:$0x1C400] =	vst v63  }
0x76: {  	_ =	swait.ge [sflag:s30], $0x4000  }
0x77: {  	[sflag:s30] =	ssyncset.done $0x0  }
0x78: {  	[sflag:s30] =	ssyncadd.s32 $0xFFFFC000  }
0x79: {  	[tilespmem:s13], [sflag:$0x2] =	stream.linear.gather [spmem:s10], $0x4000, $0x38;
	[tilespmem:$0x1C400] =	vst v63  }
0x7a: {  	_ =	swait.ge [sflag:s28], $0x4000  }
0x7b: {  	[sflag:s28] =	ssyncset.done $0x0  }
0x7c: {  	s20 =	rddreg [dreg:$0x7];
	[sflag:s28] =	ssyncadd.s32 $0xFFFFC000  }
0x7d: {  	[hbm4b:s20+s3] =	stream.linear.scatter [tilespmem:s13], [sflag:$0x4], $0x4000, $0x38;
	[tilespmem:$0x1C400] =	vst v63  }
0x7e: {  	_ =	swait.ge [sflag:s29], $0x4000  }
0x7f: {  	[sflag:s29] =	ssyncset.done $0x0  }
0x80: {  	[sflag:s29] =	ssyncadd.s32 $0xFFFFC000  }
0x81: {  	[tilespmem:s12], [sflag:$0x1] =	stream.linear.gather [spmem:s11], $0x4000, $0x38;
	[tilespmem:$0x1C400] =	vst v63  }
0x82: {  	_ =	swait.ge [sflag:s26], $0x4000  }
0x83: {  	[sflag:s26] =	ssyncset.done $0x0  }
0x84: {  	s19 =	rddreg [dreg:$0x8];
	[sflag:s26] =	ssyncadd.s32 $0xFFFFC000  }
0x85: {  	[hbm4b:s19+s3] =	stream.linear.scatter [tilespmem:s12], [sflag:$0x3], $0x4000, $0x38;
	[tilespmem:$0x1C400] =	vst v63  }
0x86: {  	_ =	swait.ge [sflag:s30], $0x4000  }
0x87: {  	[sflag:s30] =	ssyncset.done $0x0  }
0x88: {  	[sflag:s30] =	ssyncadd.s32 $0xFFFFC000  }
0x89: {  	_ =	swait.ge [sflag:s29], $0x4000  }
0x8a: {  	s17 =	sadd.s32 $0x1, s17;
	s20 =	rddreg [dreg:$0x9]  }
0x8b: {  	p1 =	sne.s32 s17, s20  }
.Ltmp1:
0x8c: {  	_ = 	snop;
	(pc) =	sbr.rel @p1 .LBB2_1-.Ltmp1, $3  }
0x8d: {  	_ =	sdelay $0x1  }
0x8e: {  	[sflag:s29] =	ssyncset.done $0x0  }
0x8f: {  	[sflag:s29] =	ssyncadd.s32 $0xFFFFC000  }
0x90: {  	_ =	sfence.sel $0x180000  }
0x91: {  	[bflag:$0x0] =	sbarrier.arrive $0xFFFF  }
0x92: {  	_ =	strace $0x9000004A  }
0x93: {  	s0 =	stileid.u32;
	[bflag:$0x2] =	sbarrier.arrive $0xFFFF  }
0x94: {  	p0 =	sne.s32 s0, $0x0;
	s0 =	rddreg [dreg:$0x3]  }
0x95: {  	s0 =	sadd.s32 @!p0 $0x100000, s0  }
0x96: {  	[sflag:s0] =	ssyncadd.tile.s32 @!p0 $0x1;
	_ =	shalt  }
.Lfunc_end2:
_tile_overlayer_lowered:
.L_overlay_start_2:
0x97: {  	(tag) =	ssettag $0x2  }
0x98: {  	s0 =	rddreg [dreg:$0x0];
	s2 =	stileid.u32  }
0x99: {  	s1 =	rddreg [dreg:$0x1];
	p0 =	sne.s32 s2, $0x0  }
0x9a: {  	s3 =	rddreg [dreg:$0x2];
	[bflag:$0x3] =	sbarrier.arrive $0xFFFF;
	s2 =	simm.s32 @!p0 $0x1C05  }
0x9b: {  	[timem:s3], [sflag:s2] =	dma.local @!p0 [hbm:s0], s1  }
0x9c: {  	s0 =	simm.s32 @!p0 $0x5  }
0x9d: {  	_ =	swait.ge @!p0 [sflag:s0], s1  }
0x9e: {  	s1 =	ssub.s32 @!p0 $0x0, s1;
	[sflag:s0] =	ssyncset.done @!p0 $0x0  }
0x9f: {  	[sflag:s0] =	ssyncadd.s32 @!p0 s1  }
0xa0: {  	[bflag:$0x3] =	sbarrier.arrive $0xFFFF  }
0xa1: {  	_ =	shalt  }

// kernel: kernel.18.cloned.1.call-start
scs
__scs_entry_jumppad:
0x0: {  	(pc) =	sbr.rel $0x88, $3  }
0x1: {  	(tag) =	ssettag $0x0;
	lr =	simm.s32 $0x1  }
0x2: {  	[smem:$0x3F9B] =	sst lr;
	_ =	strace $0xD0000000  }
0x3: {  	_ = 	snop  }
0x4: {  	_ = 	snop  }
0x5: {  	_ = 	snop  }
0x6: {  	_ = 	snop  }
0x7: {  	_ = 	snop  }
__scs_overlays_trampoline_lowered:
0x8: {  	[smem:$0x3FAA] =	sst s0  }
0x9: {  	[smem:$0x3FAB] =	sst s1  }
0xa: {  	[smem:$0x3FAC] =	sst s2  }
0xb: {  	[smem:$0x3FAD] =	sst s3  }
0xc: {  	[smem:$0x3FAE] =	sst s4  }
0xd: {  	[smem:$0x3FAF] =	sst s5  }
0xe: {  	[smem:$0x3FB0] =	sst s6  }
0xf: {  	[smem:$0x3FB1] =	sst s7  }
0x10: {  	[smem:$0x3FB2] =	sst s8  }
0x11: {  	[smem:$0x3FB3] =	sst s9;
	s0 =	simm.s32 @!p0 $0x0  }
0x12: {  	s1 =	sld [smem:$0x3F99];
	s0 =	simm.s32 @p0 $0x1  }
0x13: {  	[smem:$0x3FB4] =	sst s0;
	s0 =	simm.s32 @!p1 $0x0  }
0x14: {  	s2 =	sld [smem:$0x3F98];
	s0 =	simm.s32 @p1 $0x1  }
0x15: {  	[smem:$0x3FB5] =	sst s0;
	s0 =	simm.s32 @!p2 $0x0  }
0x16: {  	s3 =	sld [smem:$0x3FDB];
	s0 =	simm.s32 @p2 $0x1  }
0x17: {  	s4 =	simm.s32 $0x1BF5;
	[smem:$0x3FB7] =	sst s0  }
0x18: {  	s0 =	sld [smem:$0x3F9A];
	_ =	swait.ge [sflag:s4], $0x0  }
0x19: {  	s7 =	sld [smem:$0x3F9B]  }
0x1a: {  	s8 =	sadd.s32 $0xFFFFE003, lr  }
0x1b: {  	s9 =	sadd.s32 $0xFFFFFEF7, lr;
	s5 =	simm.s32 $0xFFFFFFFF;
	p2 =	slt.u32 s8, $0xFFFFF086  }
0x1c: {  	p1 =	slt.u32 s9, $0xF7A;
	s5 =	simm.s32 @!p2 $0x0  }
0x1d: {  	s5 =	simm.s32 @p1 $0x1;
	p0 =	seq.s32 s7, s2  }
0x1e: {  	s7 =	smul.u32 @!p0 $0xF7A, s2;
	p2 =	seq.s32 @!p0 s5, $0x0  }
0x1f: {  	s9 =	smul.u32 $0xF7A, s1;
	s8 =	simm.s32 @!p0 $0x1BF5;
	p2 =	por !p2, p0  }
0x20: {  	[sflag:s8] =	ssyncset.s32 @!p0 $0xFFFFF086;
	s6 =	sadd.s32 @!p0 s3, s7;
	s7 =	simm.s32 @!p0 $0x108  }
0x21: {  	s3 =	sadd.s32 s3, s9;
	s6 =	sadd.s32 @!p0 $0x88, s6;
	s7 =	simm.s32 @p2 $0x1082  }
0x22: {  	[simem:s7], [sflag:s8] =	dma.local @!p0 [hbm:s6], $0xF7A  }
0x23: {  	s9 =	sor.u32 $0xD0000000, s2;
	s6 =	simm.s32 $0x108;
	_ =	swait.ge @!p0 [sflag:s8], $0x0  }
0x24: {  	s3 =	sadd.s32 $0x88, s3;
	s6 =	simm.s32 @!p1 $0x1082;
	[sflag:s4] =	ssyncset.s32 $0xFFFFF086  }
0x25: {  	[simem:s6], [sflag:s4] =	dma.local [hbm:s3], $0xF7A  }
0x26: {  	[smem:$0x3F9B] =	sst s1;
	(tag) =	ssettag s2;
	_ =	strace s9  }
0x27: {  	s1 =	sld [smem:$0x3FAB]  }
0x28: {  	s2 =	sld [smem:$0x3FAC]  }
0x29: {  	s4 =	sld [smem:$0x3FAE]  }
0x2a: {  	p0 =	seq.s32 s5, $0x0;
	s5 =	sld [smem:$0x3FAF]  }
0x2b: {  	s6 =	sld [smem:$0x3FB0]  }
0x2c: {  	s7 =	sld [smem:$0x3FB1]  }
0x2d: {  	s3 =	simm.s32 $0x108;
	s8 =	sld [smem:$0x3FB2]  }
0x2e: {  	s3 =	simm.s32 @!p0 $0x1082;
	s9 =	sld [smem:$0x3FB3]  }
0x2f: {  	lr =	sadd.s32 s0, s3;
	s0 =	sld [smem:$0x3FAA]  }
0x30: {  	s3 =	sld [smem:$0x3FAD]  }
0x31: {  	[smem:$0x3FB6] =	sst s10  }
0x32: {  	s10 =	sld [smem:$0x3FB4];
	_ =	sdelay $0x3  }
0x33: {  	p0 =	seq.s32 s10, $0x1;
	s10 =	sld [smem:$0x3FB6];
	_ =	sdelay $0x3  }
0x34: {  	[smem:$0x3FB6] =	sst s10  }
0x35: {  	s10 =	sld [smem:$0x3FB5];
	_ =	sdelay $0x3  }
0x36: {  	p1 =	seq.s32 s10, $0x1;
	s10 =	sld [smem:$0x3FB6];
	_ =	sdelay $0x3  }
0x37: {  	[smem:$0x3FB6] =	sst s10  }
0x38: {  	s10 =	sld [smem:$0x3FB7]  }
0x39: {  	_ = 	snop;
	(pc) =	sbr.ind lr, $3  }
0x3a: {  	_ = 	snop  }
0x3b: {  	_ = 	snop  }
0x3c: {  	p2 =	seq.s32 s10, $0x1;
	s10 =	sld [smem:$0x3FB6]  }
0x3d: {  	_ =	shalt  }
0x3e: {  	_ =	shalt  }
0x3f: {  	_ =	shalt  }
0x40: {  	_ =	shalt  }
0x41: {  	_ =	shalt  }
0x42: {  	_ =	shalt  }
0x43: {  	_ =	shalt  }
0x44: {  	_ =	shalt  }
0x45: {  	_ =	shalt  }
0x46: {  	_ =	shalt  }
0x47: {  	_ =	shalt  }
0x48: {  	_ =	shalt  }
0x49: {  	_ =	shalt  }
0x4a: {  	_ =	shalt  }
0x4b: {  	_ =	shalt  }
0x4c: {  	_ =	shalt  }
0x4d: {  	_ =	shalt  }
0x4e: {  	_ =	shalt  }
0x4f: {  	_ =	shalt  }
0x50: {  	_ =	shalt  }
0x51: {  	_ =	shalt  }
0x52: {  	_ =	shalt  }
0x53: {  	_ =	shalt  }
0x54: {  	_ =	shalt  }
0x55: {  	_ =	shalt  }
0x56: {  	_ =	shalt  }
0x57: {  	_ =	shalt  }
0x58: {  	_ =	shalt  }
0x59: {  	_ =	shalt  }
0x5a: {  	_ =	shalt  }
0x5b: {  	_ =	shalt  }
0x5c: {  	_ =	shalt  }
0x5d: {  	_ =	shalt  }
0x5e: {  	_ =	shalt  }
0x5f: {  	_ =	shalt  }
0x60: {  	_ =	shalt  }
0x61: {  	_ =	shalt  }
0x62: {  	_ =	shalt  }
0x63: {  	_ =	shalt  }
0x64: {  	_ =	shalt  }
0x65: {  	_ =	shalt  }
0x66: {  	_ =	shalt  }
0x67: {  	_ =	shalt  }
0x68: {  	_ =	shalt  }
0x69: {  	_ =	shalt  }
0x6a: {  	_ =	shalt  }
0x6b: {  	_ =	shalt  }
0x6c: {  	_ =	shalt  }
0x6d: {  	_ =	shalt  }
0x6e: {  	_ =	shalt  }
0x6f: {  	_ =	shalt  }
0x70: {  	_ =	shalt  }
0x71: {  	_ =	shalt  }
0x72: {  	_ =	shalt  }
0x73: {  	_ =	shalt  }
0x74: {  	_ =	shalt  }
0x75: {  	_ =	shalt  }
0x76: {  	_ =	shalt  }
0x77: {  	_ =	shalt  }
0x78: {  	_ =	shalt  }
0x79: {  	_ =	shalt  }
0x7a: {  	_ =	shalt  }
0x7b: {  	_ =	shalt  }
0x7c: {  	_ =	shalt  }
0x7d: {  	_ =	shalt  }
0x7e: {  	_ =	shalt  }
0x7f: {  	_ =	shalt  }
0x80: {  	_ =	shalt  }
0x81: {  	_ =	shalt  }
0x82: {  	_ =	shalt  }
0x83: {  	_ =	shalt  }
0x84: {  	_ =	shalt  }
0x85: {  	_ =	shalt  }
0x86: {  	_ =	shalt  }
0x87: {  	_ =	shalt  }
.Lfunc_end0:
.L_simem_size_0:
called_computation.3_lowered:
.L_overlay_start_0:
0x88: {  	s2 =	sld [smem:$0x3FD9]  }
0x89: {  	s3 =	sld [smem:$0x3FFE];
	_ =	sdelay $0x1  }
0x8a: {  	s1 =	srdreg.scid  }
0x8b: {  	s0 =	sand.u32 $0x1, s1  }
0x8c: {  	s17 =	sshll.u32 s0, $0xA;
	s2 =	sadd.s32 s3, s2  }
0x8d: {  	s2 =	sadd.s32 s2, s17  }
0x8e: {  	[smem:$0x3FC2] =	sst s2  }
0x8f: {  	_ = 	snop  }
0x90: {  	s2 =	sld [smem:$0x3FD0];
	(tm) =	ssettm $0x1  }
0x91: {  	s18 =	sld [smem:$0x3FFB];
	_ =	sdelay $0x3  }
0x92: {  	_ =	strace s18  }
0x93: {  	s3 =	sld [smem:$0x3FFC];
	_ =	sdelay $0x3  }
0x94: {  	_ =	strace s3  }
0x95: {  	s3 =	sld [smem:$0x3FFD];
	_ =	sdelay $0x3  }
0x96: {  	_ =	strace s3  }
0x97: {  	_ =	strace $0x8FFFFFFF  }
0x98: {  	s19 =	sld [smem:$0x3FDB];
	_ =	sdelay $0x1  }
0x99: {  	s4 =	simm.s32 $_scs_section_size  }
0x9a: {  	s5 =	simm.s32 $_size__tile_overlayer_lowered;
	s6 =	simm.s32 $_tile_overlayer_lowered  }
0x9b: {  	s22 =	simm.s32 $0x1BFF;
	s21 =	sshll.u32 s6, $0x1;
	s3 =	sadd.s32 s4, s19  }
0x9c: {  	s7 =	simm.s32 $0x0;
	s20 =	sshll.u32 s5, $0x1;
	s5 =	sadd.s32 s21, s3  }
0x9d: {  	[timem:s7], [sflag:s22] =	dma.local [hbm:s5], s20  }
0x9e: {  	_ =	swait.ge [sflag:s22], s20  }
0x9f: {  	s4 =	ssub.s32 $0x0, s20;
	[sflag:s22] =	ssyncset.done $0x0  }
0xa0: {  	[sflag:s22] =	ssyncadd.s32 s4;
	_ =	sdelay $0x1  }
0xa1: {  	s23 =	simm.s32 $0x1B8B  }
0xa2: {  	_ =	swait.ge [sflag:s23], $0x1  }
0xa3: {  	[sflag:s23] =	ssyncset.done $0x0  }
0xa4: {  	s25 =	simm.s32 $0x1B8E;
	s24 =	sld [smem:$0x3FFE];
	[sflag:s23] =	ssyncadd.s32 $0xFFFFFFFF  }
0xa5: {  	s26 =	simm.s32 $execute0_lowered;
	[smem:$0x3FD2] =	sst s25  }
0xa6: {  	s5 =	sshll.u32 s26, $0x1;
	_ =	strace $0x8000004F;
	[dreg:$0x1] =	wrdreg $0xFFFFFFFF  }
0xa7: {  	s28 =	simm.s32 $_size_execute0_lowered;
	s3 =	sadd.s32 s3, s5;
	[dreg:$0x0] =	wrdreg $0x0  }
0xa8: {  	s5 =	sshll.u32 s28, $0x1;
	[dreg:$0x2] =	wrdreg s3  }
0xa9: {  	[dreg:$0x3] =	wrdreg s5  }
0xaa: {  	[dreg:$0x4] =	wrdreg $0xC0  }
0xab: {  	_ =	task [dreg:s7], $0x5FFFF  }
0xac: {  	[dreg:$0x1] =	wrdreg $0xFFFFFFFF  }
0xad: {  	[dreg:$0x0] =	wrdreg $0x60  }
0xae: {  	[dreg:$0x2] =	wrdreg s24  }
0xaf: {  	[dreg:$0x3] =	wrdreg s2  }
0xb0: {  	[dreg:$0x4] =	wrdreg $0x4000  }
0xb1: {  	[dreg:$0x5] =	wrdreg $0x9  }
0xb2: {  	_ =	task.clear_ibuf [dreg:s7], $0x6FFFF;
	_ =	strace $0x9000004F  }
0xb3: {  	s29 =	simm.s32 $0x9;
	_ =	strace $0x80000051  }
0xb4: {  	_ =	swait.ge [sflag:s29], $0x1  }
0xb5: {  	[sflag:s29] =	ssyncadd.s32 $0xFFFFFFFF  }
0xb6: {  	_ =	strace $0x90000051  }
0xb7: {  	_ =	sfence  }
0xb8: {  	s30 =	sld [smem:$0x0];
	_ =	sdelay $0x2  }
0xb9: {  	s31 =	sshll.u32 s1, $0xD;
	s1 =	sshrl.u32 s1, $0x2  }
0xba: {  	s3 =	sand.u32 $0x4000, s31;
	s1 =	sadd.s32 s1, s30  }
0xbb: {  	s0 =	sor.u32 s3, s0;
	s1 =	sshll.u32 s1, $0x11  }
0xbc: {  	s0 =	sor.u32 s1, s0  }
0xbd: {  	s0 =	sadd.s32 $0x8F2B, s0  }
0xbe: {  	[sflag:s0] =	ssyncadd.remote.s32 $0x1  }
0xbf: {  	_ =	sfence.sel $0xFFFF  }
0xc0: {  	[dreg:$0x0] =	wrdreg $0xFFFFFFFF;
	(pc) =	sbr.abs _section_cstart, $3  }
0xc1: {  	[dreg:$0x1] =	wrdreg $0xFFFFFFFF  }
0xc2: {  	_ =	task.clear_ibuf [dreg:s7], $0x2FFFF;
	_ =	strace $0x9FFFFFFF  }
0xc3: {  	(tm) =	ssettm $0x7FFFFFFF  }
tec
execute0_lowered:
.L_overlay_start_1:
0x0: {  	(tag) =	ssettag $0x1  }
0x1: {  	s0 =	rddreg [dreg:$0x0]  }
0x2: {  	s1 =	rddreg [dreg:$0x1]  }
0x3: {  	s2 =	rddreg [dreg:$0x2]  }
0x4: {  	s3 =	simm.s32 $0x0;
	s11 =	stileid.u32;
	s4 =	srdreg.scid  }
0x5: {  	s28 =	simm.s32 $0x2;
	s29 =	simm.s32 $0x3;
	s30 =	simm.s32 $0x4  }
0x6: {  	s31 =	simm.s32 $0x200;
	[smem:$0x7FF] =	sst s3;
	s5 =	smul.u32 $0x4C, s11  }
0x7: {  	s8 =	sand.u32 $0x1, s4;
	s24 =	sshll.u32 s11, $0x2;
	s6 =	smul.u32 $0x280, s11  }
0x8: {  	s4 =	sadd.s32 $0x59A00, s0;
	s25 =	smul.u32 $0x50000, s11;
	s13 =	sshll.u32 s11, $0x6  }
0x9: {  	p0 =	seq.s32 s8, $0x0;
	s7 =	sor.u32 $0x4C0, s24;
	s9 =	smul.u32 $0x2800, s8  }
0xa: {  	_ =	strace $0x80000050;
	s10 =	ssub.s32 $0x2, s8;
	s7 =	smov.u32 @p0 s5  }
0xb: {  	s5 =	sadd.s32 $0x8A00, s0;
	s16 =	sshrl.u32 s25, $0x2;
	s17 =	sshrl.u32 s10, $0x1  }
0xc: {  	s25 =	sor.u32 $0x1C02, s13;
	p0 =	sne.s32 s8, $0x0;
	s8 =	simm.s32 $0x280  }
0xd: {  	s12 =	sshll.u32 s7, $0x4;
	s6 =	sadd.s32 s6, s9;
	s14 =	ssub.s32 s10, s17  }
0xe: {  	s7 =	sor.u32 $0x1C01, s13;
	[dreg:$0xd] =	wrdreg s25;
	s25 =	sor.u32 $0x1C04, s13  }
0xf: {  	s9 =	simm.s32 $0x180;
	s26 =	sadd.s32 s12, s0;
	s6 =	sshll.u32 s6, $0x4  }
0x10: {  	s21 =	smax.u32 s14, $0x1;
	s23 =	sadd.s32 s12, s1;
	s1 =	simm.s32 $0x80  }
0x11: {  	s12 =	simm.s32 $0x14400;
	s14 =	simm.s32 $0x100;
	[dreg:$0x9] =	wrdreg s21  }
0x12: {  	s0 =	sadd.s32 s6, s0;
	s22 =	sadd.s32 $0x3400, s26;
	[dreg:$0xb] =	wrdreg s23  }
0x13: {  	s6 =	sadd.s32 s16, s2;
	s17 =	sadd.s32 $0x81A00, s0;
	[dreg:$0xa] =	wrdreg s22  }
0x14: {  	s23 =	sor.u32 $0x1C03, s13;
	s18 =	sadd.s32 $0x82200, s0;
	[dreg:$0x4] =	wrdreg s17  }
0x15: {  	s13 =	simm.s32 $0x18400;
	s19 =	sadd.s32 $0x82A00, s0;
	[dreg:$0x5] =	wrdreg s18  }
0x16: {  	s15 =	sadd.s32 $0x4000, s6;
	s20 =	sadd.s32 $0x83200, s0;
	[dreg:$0x6] =	wrdreg s19  }
0x17: {  	s16 =	sadd.s32 $0x8000, s6;
	s0 =	sadd.s32 $0x83A00, s0;
	[dreg:$0x7] =	wrdreg s20  }
0x18: {  	s10 =	sadd.s32 $0xC000, s6;
	s24 =	sshrl.u32 s6, $0x3;
	[dreg:$0x8] =	wrdreg s0  }
0x19: {  	s11 =	sadd.s32 $0x10000, s6;
	[dreg:$0xc] =	wrdreg s24;
	s21 =	smov.u32 s15  }
0x1a: {  	s26 =	sshrl.u32 s15, $0x3;
	s22 =	smov.u32 s16;
	s24 =	sshrl.u32 s16, $0x3  }
0x1b: {  	s0 =	simm.s32 $0x5;
	s15 =	simm.s32 $0x300;
	s16 =	simm.s32 $0x380  }
0x1c: {  	s17 =	simm.s32 $0x0;
	[dreg:$0xe] =	wrdreg s26;
	s26 =	simm.s32 $0x1  }
.LBB2_1:
0x1d: {  	s18 =	rddreg [dreg:$0xc]  }
0x1e: {  	[spmem:s18], [sflag:s7] =	dma.local [hbm:s5], $0x800  }
0x1f: {  	s18 =	rddreg [dreg:$0xd]  }
0x20: {  	s19 =	rddreg [dreg:$0xe]  }
0x21: {  	[spmem:s19], [sflag:s18] =	dma.local [hbm:s5], $0x800  }
0x22: {  	s19 =	sshrl.u32 s10, $0x3  }
0x23: {  	[spmem:s24], [sflag:s23] =	dma.local [hbm:s5], $0x800  }
0x24: {  	[spmem:s19], [sflag:s25] =	dma.local [hbm:s5], $0x800  }
0x25: {  	_ =	swait.ge [sflag:s26], $0x800  }
0x26: {  	[sflag:s26] =	ssyncset.done $0x0  }
0x27: {  	s20 =	sshrl.u32 s11, $0x3;
	[sflag:s26] =	ssyncadd.s32 $0xFFFFF800  }
0x28: {  	[spmem:s20], [sflag:s7] =	dma.local [hbm:s5], $0x800  }
0x29: {  	_ =	swait.ge [sflag:s28], $0x800  }
0x2a: {  	[sflag:s28] =	ssyncset.done $0x0  }
0x2b: {  	[sflag:s28] =	ssyncadd.s32 $0xFFFFF800  }
0x2c: {  	_ =	swait.ge [sflag:s29], $0x800  }
0x2d: {  	[sflag:s29] =	ssyncset.done $0x0  }
0x2e: {  	[sflag:s29] =	ssyncadd.s32 $0xFFFFF800  }
0x2f: {  	_ =	swait.ge [sflag:s30], $0x800  }
0x30: {  	[sflag:s30] =	ssyncset.done $0x0  }
0x31: {  	[sflag:s30] =	ssyncadd.s32 $0xFFFFF800  }
0x32: {  	_ =	swait.ge [sflag:s26], $0x800  }
0x33: {  	[sflag:s26] =	ssyncset.done $0x0  }
0x34: {  	[sflag:s26] =	ssyncadd.s32 $0xFFFFF800  }
0x35: {  	[bflag:$0x0] =	sbarrier.arrive $0xFFFF  }
0x36: {  	s19 =	rddreg [dreg:$0xb]  }
0x37: {  	s18 =	simm.s32 $0x0;
	s20 =	rddreg [dreg:$0xa]  }
.LBB2_2:
0x38: {  	[tilespmem:s31], [sflag:$0x5] =	stream.linear.gather [hbm4b:s19+s3], $0x200, $0x38;
	[tilespmem:$0x1C400] =	vst v63  }
0x39: {  	_ =	swait.ge [sflag:s0], $0x200  }
0x3a: {  	[sflag:s0] =	ssyncset.done $0x0  }
0x3b: {  	[sflag:s0] =	ssyncadd.s32 $0xFFFFFE00  }
0x3c: {  	[tilespmem:s3], [sflag:$0x5] =	stream.linear.gather [hbm4b:s20+s3], $0x200, $0x38;
	[tilespmem:$0x1C400] =	vst v63  }
0x3d: {  	_ =	swait.ge [sflag:s0], $0x200  }
0x3e: {  	[sflag:s0] =	ssyncset.done $0x0  }
0x3f: {  	[sflag:s0] =	ssyncadd.s32 $0xFFFFFE00  }
0x40: {  	[tilespmem:s12], [sflag:$0x1] =	stream.indirect.gather [hbm4b:s4+s1], $0x80, s3, s1, $0xb8;
	[tilespmem:$0x1C400] =	vst v63  }
0x41: {  	_ = 	snop  }
0x42: {  	[tilespmem:s13], [sflag:$0x2] =	stream.indirect.gather [hbm4b:s4+s1], $0x80, s1, s1, $0xb8;
	[tilespmem:$0x1C400] =	vst v63  }
0x43: {  	_ =	swait.ge [sflag:s26], $0x4000  }
0x44: {  	[sflag:s26] =	ssyncset.done $0x0  }
0x45: {  	[sflag:s26] =	ssyncadd.s32 $0xFFFFC000  }
0x46: {  	[spmem:s2] =	stream.indirect.scatter.add.f32 [tilespmem:s12], [sflag:$0x3], $0x80, s31, s1, $0xb8;
	[tilespmem:$0x1C400] =	vst v63  }
0x47: {  	_ =	swait.ge [sflag:s28], $0x4000  }
0x48: {  	[sflag:s28] =	ssyncset.done $0x0  }
0x49: {  	[sflag:s28] =	ssyncadd.s32 $0xFFFFC000  }
0x4a: {  	[spmem:s2] =	stream.indirect.scatter.add.f32 [tilespmem:s13], [sflag:$0x4], $0x80, s8, s1, $0xb8;
	[tilespmem:$0x1C400] =	vst v63  }
0x4b: {  	_ =	swait.ge [sflag:s29], $0x4000  }
0x4c: {  	[sflag:s29] =	ssyncset.done $0x0  }
0x4d: {  	[sflag:s29] =	ssyncadd.s32 $0xFFFFC000  }
0x4e: {  	_ =	swait.ge [sflag:s30], $0x4000  }
0x4f: {  	[sflag:s30] =	ssyncset.done $0x0  }
0x50: {  	[sflag:s30] =	ssyncadd.s32 $0xFFFFC000  }
0x51: {  	[tilespmem:s12], [sflag:$0x1] =	stream.indirect.gather [hbm4b:s4+s1], $0x80, s14, s1, $0xb8;
	[tilespmem:$0x1C400] =	vst v63  }
0x52: {  	_ = 	snop  }
0x53: {  	[tilespmem:s13], [sflag:$0x2] =	stream.indirect.gather [hbm4b:s4+s1], $0x80, s9, s1, $0xb8;
	[tilespmem:$0x1C400] =	vst v63  }
0x54: {  	_ =	swait.ge [sflag:s26], $0x4000  }
0x55: {  	[sflag:s26] =	ssyncset.done $0x0  }
0x56: {  	[sflag:s26] =	ssyncadd.s32 $0xFFFFC000  }
0x57: {  	[spmem:s2] =	stream.indirect.scatter.add.f32 [tilespmem:s12], [sflag:$0x3], $0x80, s15, s1, $0xb8;
	[tilespmem:$0x1C400] =	vst v63  }
0x58: {  	_ =	swait.ge [sflag:s28], $0x4000  }
0x59: {  	[sflag:s28] =	ssyncset.done $0x0  }
0x5a: {  	p1 =	slt.u32 @!p0 s18, $0x12;
	[sflag:s28] =	ssyncadd.s32 $0xFFFFC000  }
0x5b: {  	[spmem:s2] =	stream.indirect.scatter.add.f32 [tilespmem:s13], [sflag:$0x4], $0x80, s16, s1, $0xb8;
	[tilespmem:$0x1C400] =	vst v63  }
0x5c: {  	p1 =	por p0, !p1;
	_ =	swait.ge [sflag:s29], $0x4000  }
.Ltmp0:
0x5d: {  	[sflag:s29] =	ssyncset.done $0x0;
	(pc) =	sbr.rel @!p1 .LBB2_2-.Ltmp0, $4  }
0x5e: {  	[sflag:s29] =	ssyncadd.s32 $0xFFFFC000  }
0x5f: {  	_ =	swait.ge [sflag:s30], $0x4000  }
0x60: {  	s18 =	sadd.s32 $0x1, s18;
	[sflag:s30] =	ssyncset.done $0x0  }
0x61: {  	s19 =	sadd.s32 $0x40, s19;
	s20 =	sadd.s32 $0x40, s20;
	[sflag:s30] =	ssyncadd.s32 $0xFFFFC000  }
0x62: {  	[bflag:$0x0] =	sbarrier.arrive $0xFFFF  }
0x63: {  	[tilespmem:s12], [sflag:$0x1] =	stream.linear.gather [spmem:s6], $0x4000, $0x38;
	[tilespmem:$0x1C400] =	vst v63  }
0x64: {  	_ = 	snop  }
0x65: {  	[tilespmem:s13], [sflag:$0x2] =	stream.linear.gather [spmem:s21], $0x4000, $0x38;
	[tilespmem:$0x1C400] =	vst v63  }
0x66: {  	_ =	swait.ge [sflag:s26], $0x4000  }
0x67: {  	[sflag:s26] =	ssyncset.done $0x0  }
0x68: {  	s18 =	rddreg [dreg:$0x4];
	[sflag:s26] =	ssyncadd.s32 $0xFFFFC000  }
0x69: {  	[hbm4b:s18+s3] =	stream.linear.scatter [tilespmem:s12], [sflag:$0x3], $0x4000, $0x38;
	[tilespmem:$0x1C400] =	vst v63  }
0x6a: {  	_ =	swait.ge [sflag:s28], $0x4000  }
0x6b: {  	[sflag:s28] =	ssyncset.done $0x0  }
0x6c: {  	s20 =	rddreg [dreg:$0x5];
	[sflag:s28] =	ssyncadd.s32 $0xFFFFC000  }
0x6d: {  	[hbm4b:s20+s3] =	stream.linear.scatter [tilespmem:s13], [sflag:$0x4], $0x4000, $0x38;
	[tilespmem:$0x1C400] =	vst v63  }
0x6e: {  	_ =	swait.ge [sflag:s29], $0x4000  }
0x6f: {  	[sflag:s29] =	ssyncset.done $0x0  }
0x70: {  	[sflag:s29] =	ssyncadd.s32 $0xFFFFC000  }
0x71: {  	[tilespmem:s12], [sflag:$0x1] =	stream.linear.gather [spmem:s22], $0x4000, $0x38;
	[tilespmem:$0x1C400] =	vst v63  }
0x72: {  	_ =	swait.ge [sflag:s26], $0x4000  }
0x73: {  	[sflag:s26] =	ssyncset.done $0x0  }
0x74: {  	s19 =	rddreg [dreg:$0x6];
	[sflag:s26] =	ssyncadd.s32 $0xFFFFC000  }
0x75: {  	[hbm4b:s19+s3] =	stream.linear.scatter [tilespmem:s12], [sflag:$0x3], $0x4000, $0x38;
	[tilespmem:$0x1C400] =	vst v63  }
0x76: {  	_ =	swait.ge [sflag:s30], $0x4000  }
0x77: {  	[sflag:s30] =	ssyncset.done $0x0  }
0x78: {  	[sflag:s30] =	ssyncadd.s32 $0xFFFFC000  }
0x79: {  	[tilespmem:s13], [sflag:$0x2] =	stream.linear.gather [spmem:s10], $0x4000, $0x38;
	[tilespmem:$0x1C400] =	vst v63  }
0x7a: {  	_ =	swait.ge [sflag:s28], $0x4000  }
0x7b: {  	[sflag:s28] =	ssyncset.done $0x0  }
0x7c: {  	s20 =	rddreg [dreg:$0x7];
	[sflag:s28] =	ssyncadd.s32 $0xFFFFC000  }
0x7d: {  	[hbm4b:s20+s3] =	stream.linear.scatter [tilespmem:s13], [sflag:$0x4], $0x4000, $0x38;
	[tilespmem:$0x1C400] =	vst v63  }
0x7e: {  	_ =	swait.ge [sflag:s29], $0x4000  }
0x7f: {  	[sflag:s29] =	ssyncset.done $0x0  }
0x80: {  	[sflag:s29] =	ssyncadd.s32 $0xFFFFC000  }
0x81: {  	[tilespmem:s12], [sflag:$0x1] =	stream.linear.gather [spmem:s11], $0x4000, $0x38;
	[tilespmem:$0x1C400] =	vst v63  }
0x82: {  	_ =	swait.ge [sflag:s26], $0x4000  }
0x83: {  	[sflag:s26] =	ssyncset.done $0x0  }
0x84: {  	s19 =	rddreg [dreg:$0x8];
	[sflag:s26] =	ssyncadd.s32 $0xFFFFC000  }
0x85: {  	[hbm4b:s19+s3] =	stream.linear.scatter [tilespmem:s12], [sflag:$0x3], $0x4000, $0x38;
	[tilespmem:$0x1C400] =	vst v63  }
0x86: {  	_ =	swait.ge [sflag:s30], $0x4000  }
0x87: {  	[sflag:s30] =	ssyncset.done $0x0  }
0x88: {  	[sflag:s30] =	ssyncadd.s32 $0xFFFFC000  }
0x89: {  	_ =	swait.ge [sflag:s29], $0x4000  }
0x8a: {  	s17 =	sadd.s32 $0x1, s17;
	s20 =	rddreg [dreg:$0x9]  }
0x8b: {  	p1 =	sne.s32 s17, s20  }
.Ltmp1:
0x8c: {  	_ = 	snop;
	(pc) =	sbr.rel @p1 .LBB2_1-.Ltmp1, $3  }
0x8d: {  	_ =	sdelay $0x1  }
0x8e: {  	[sflag:s29] =	ssyncset.done $0x0  }
0x8f: {  	[sflag:s29] =	ssyncadd.s32 $0xFFFFC000  }
0x90: {  	_ =	sfence.sel $0x180000  }
0x91: {  	[bflag:$0x0] =	sbarrier.arrive $0xFFFF  }
0x92: {  	_ =	strace $0x90000050  }
0x93: {  	s0 =	stileid.u32;
	[bflag:$0x2] =	sbarrier.arrive $0xFFFF  }
0x94: {  	p0 =	sne.s32 s0, $0x0;
	s0 =	rddreg [dreg:$0x3]  }
0x95: {  	s0 =	sadd.s32 @!p0 $0x100000, s0  }
0x96: {  	[sflag:s0] =	ssyncadd.tile.s32 @!p0 $0x1;
	_ =	shalt  }
.Lfunc_end2:
_tile_overlayer_lowered:
.L_overlay_start_2:
0x97: {  	(tag) =	ssettag $0x2  }
0x98: {  	s0 =	rddreg [dreg:$0x0];
	s2 =	stileid.u32  }
0x99: {  	s1 =	rddreg [dreg:$0x1];
	p0 =	sne.s32 s2, $0x0  }
0x9a: {  	s3 =	rddreg [dreg:$0x2];
	[bflag:$0x3] =	sbarrier.arrive $0xFFFF;
	s2 =	simm.s32 @!p0 $0x1C05  }
0x9b: {  	[timem:s3], [sflag:s2] =	dma.local @!p0 [hbm:s0], s1  }
0x9c: {  	s0 =	simm.s32 @!p0 $0x5  }
0x9d: {  	_ =	swait.ge @!p0 [sflag:s0], s1  }
0x9e: {  	s1 =	ssub.s32 @!p0 $0x0, s1;
	[sflag:s0] =	ssyncset.done @!p0 $0x0  }
0x9f: {  	[sflag:s0] =	ssyncadd.s32 @!p0 s1  }
0xa0: {  	[bflag:$0x3] =	sbarrier.arrive $0xFFFF  }
0xa1: {  	_ =	shalt  }

// kernel: kernel.9.cloned.1.call-start
scs
__scs_entry_jumppad:
0x0: {  	(pc) =	sbr.rel $0x88, $3  }
0x1: {  	(tag) =	ssettag $0x0;
	lr =	simm.s32 $0x1  }
0x2: {  	[smem:$0x3F9B] =	sst lr;
	_ =	strace $0xD0000000  }
0x3: {  	_ = 	snop  }
0x4: {  	_ = 	snop  }
0x5: {  	_ = 	snop  }
0x6: {  	_ = 	snop  }
0x7: {  	_ = 	snop  }
__scs_overlays_trampoline_lowered:
0x8: {  	[smem:$0x3FAA] =	sst s0  }
0x9: {  	[smem:$0x3FAB] =	sst s1  }
0xa: {  	[smem:$0x3FAC] =	sst s2  }
0xb: {  	[smem:$0x3FAD] =	sst s3  }
0xc: {  	[smem:$0x3FAE] =	sst s4  }
0xd: {  	[smem:$0x3FAF] =	sst s5  }
0xe: {  	[smem:$0x3FB0] =	sst s6  }
0xf: {  	[smem:$0x3FB1] =	sst s7  }
0x10: {  	[smem:$0x3FB2] =	sst s8  }
0x11: {  	[smem:$0x3FB3] =	sst s9;
	s0 =	simm.s32 @!p0 $0x0  }
0x12: {  	s1 =	sld [smem:$0x3F99];
	s0 =	simm.s32 @p0 $0x1  }
0x13: {  	[smem:$0x3FB4] =	sst s0;
	s0 =	simm.s32 @!p1 $0x0  }
0x14: {  	s2 =	sld [smem:$0x3F98];
	s0 =	simm.s32 @p1 $0x1  }
0x15: {  	[smem:$0x3FB5] =	sst s0;
	s0 =	simm.s32 @!p2 $0x0  }
0x16: {  	s3 =	sld [smem:$0x3FDB];
	s0 =	simm.s32 @p2 $0x1  }
0x17: {  	s4 =	simm.s32 $0x1BF5;
	[smem:$0x3FB7] =	sst s0  }
0x18: {  	s0 =	sld [smem:$0x3F9A];
	_ =	swait.ge [sflag:s4], $0x0  }
0x19: {  	s7 =	sld [smem:$0x3F9B]  }
0x1a: {  	s8 =	sadd.s32 $0xFFFFE003, lr  }
0x1b: {  	s9 =	sadd.s32 $0xFFFFFEF7, lr;
	s5 =	simm.s32 $0xFFFFFFFF;
	p2 =	slt.u32 s8, $0xFFFFF086  }
0x1c: {  	p1 =	slt.u32 s9, $0xF7A;
	s5 =	simm.s32 @!p2 $0x0  }
0x1d: {  	s5 =	simm.s32 @p1 $0x1;
	p0 =	seq.s32 s7, s2  }
0x1e: {  	s7 =	smul.u32 @!p0 $0xF7A, s2;
	p2 =	seq.s32 @!p0 s5, $0x0  }
0x1f: {  	s9 =	smul.u32 $0xF7A, s1;
	s8 =	simm.s32 @!p0 $0x1BF5;
	p2 =	por !p2, p0  }
0x20: {  	[sflag:s8] =	ssyncset.s32 @!p0 $0xFFFFF086;
	s6 =	sadd.s32 @!p0 s3, s7;
	s7 =	simm.s32 @!p0 $0x108  }
0x21: {  	s3 =	sadd.s32 s3, s9;
	s6 =	sadd.s32 @!p0 $0x88, s6;
	s7 =	simm.s32 @p2 $0x1082  }
0x22: {  	[simem:s7], [sflag:s8] =	dma.local @!p0 [hbm:s6], $0xF7A  }
0x23: {  	s9 =	sor.u32 $0xD0000000, s2;
	s6 =	simm.s32 $0x108;
	_ =	swait.ge @!p0 [sflag:s8], $0x0  }
0x24: {  	s3 =	sadd.s32 $0x88, s3;
	s6 =	simm.s32 @!p1 $0x1082;
	[sflag:s4] =	ssyncset.s32 $0xFFFFF086  }
0x25: {  	[simem:s6], [sflag:s4] =	dma.local [hbm:s3], $0xF7A  }
0x26: {  	[smem:$0x3F9B] =	sst s1;
	(tag) =	ssettag s2;
	_ =	strace s9  }
0x27: {  	s1 =	sld [smem:$0x3FAB]  }
0x28: {  	s2 =	sld [smem:$0x3FAC]  }
0x29: {  	s4 =	sld [smem:$0x3FAE]  }
0x2a: {  	p0 =	seq.s32 s5, $0x0;
	s5 =	sld [smem:$0x3FAF]  }
0x2b: {  	s6 =	sld [smem:$0x3FB0]  }
0x2c: {  	s7 =	sld [smem:$0x3FB1]  }
0x2d: {  	s3 =	simm.s32 $0x108;
	s8 =	sld [smem:$0x3FB2]  }
0x2e: {  	s3 =	simm.s32 @!p0 $0x1082;
	s9 =	sld [smem:$0x3FB3]  }
0x2f: {  	lr =	sadd.s32 s0, s3;
	s0 =	sld [smem:$0x3FAA]  }
0x30: {  	s3 =	sld [smem:$0x3FAD]  }
0x31: {  	[smem:$0x3FB6] =	sst s10  }
0x32: {  	s10 =	sld [smem:$0x3FB4];
	_ =	sdelay $0x3  }
0x33: {  	p0 =	seq.s32 s10, $0x1;
	s10 =	sld [smem:$0x3FB6];
	_ =	sdelay $0x3  }
0x34: {  	[smem:$0x3FB6] =	sst s10  }
0x35: {  	s10 =	sld [smem:$0x3FB5];
	_ =	sdelay $0x3  }
0x36: {  	p1 =	seq.s32 s10, $0x1;
	s10 =	sld [smem:$0x3FB6];
	_ =	sdelay $0x3  }
0x37: {  	[smem:$0x3FB6] =	sst s10  }
0x38: {  	s10 =	sld [smem:$0x3FB7]  }
0x39: {  	_ = 	snop;
	(pc) =	sbr.ind lr, $3  }
0x3a: {  	_ = 	snop  }
0x3b: {  	_ = 	snop  }
0x3c: {  	p2 =	seq.s32 s10, $0x1;
	s10 =	sld [smem:$0x3FB6]  }
0x3d: {  	_ =	shalt  }
0x3e: {  	_ =	shalt  }
0x3f: {  	_ =	shalt  }
0x40: {  	_ =	shalt  }
0x41: {  	_ =	shalt  }
0x42: {  	_ =	shalt  }
0x43: {  	_ =	shalt  }
0x44: {  	_ =	shalt  }
0x45: {  	_ =	shalt  }
0x46: {  	_ =	shalt  }
0x47: {  	_ =	shalt  }
0x48: {  	_ =	shalt  }
0x49: {  	_ =	shalt  }
0x4a: {  	_ =	shalt  }
0x4b: {  	_ =	shalt  }
0x4c: {  	_ =	shalt  }
0x4d: {  	_ =	shalt  }
0x4e: {  	_ =	shalt  }
0x4f: {  	_ =	shalt  }
0x50: {  	_ =	shalt  }
0x51: {  	_ =	shalt  }
0x52: {  	_ =	shalt  }
0x53: {  	_ =	shalt  }
0x54: {  	_ =	shalt  }
0x55: {  	_ =	shalt  }
0x56: {  	_ =	shalt  }
0x57: {  	_ =	shalt  }
0x58: {  	_ =	shalt  }
0x59: {  	_ =	shalt  }
0x5a: {  	_ =	shalt  }
0x5b: {  	_ =	shalt  }
0x5c: {  	_ =	shalt  }
0x5d: {  	_ =	shalt  }
0x5e: {  	_ =	shalt  }
0x5f: {  	_ =	shalt  }
0x60: {  	_ =	shalt  }
0x61: {  	_ =	shalt  }
0x62: {  	_ =	shalt  }
0x63: {  	_ =	shalt  }
0x64: {  	_ =	shalt  }
0x65: {  	_ =	shalt  }
0x66: {  	_ =	shalt  }
0x67: {  	_ =	shalt  }
0x68: {  	_ =	shalt  }
0x69: {  	_ =	shalt  }
0x6a: {  	_ =	shalt  }
0x6b: {  	_ =	shalt  }
0x6c: {  	_ =	shalt  }
0x6d: {  	_ =	shalt  }
0x6e: {  	_ =	shalt  }
0x6f: {  	_ =	shalt  }
0x70: {  	_ =	shalt  }
0x71: {  	_ =	shalt  }
0x72: {  	_ =	shalt  }
0x73: {  	_ =	shalt  }
0x74: {  	_ =	shalt  }
0x75: {  	_ =	shalt  }
0x76: {  	_ =	shalt  }
0x77: {  	_ =	shalt  }
0x78: {  	_ =	shalt  }
0x79: {  	_ =	shalt  }
0x7a: {  	_ =	shalt  }
0x7b: {  	_ =	shalt  }
0x7c: {  	_ =	shalt  }
0x7d: {  	_ =	shalt  }
0x7e: {  	_ =	shalt  }
0x7f: {  	_ =	shalt  }
0x80: {  	_ =	shalt  }
0x81: {  	_ =	shalt  }
0x82: {  	_ =	shalt  }
0x83: {  	_ =	shalt  }
0x84: {  	_ =	shalt  }
0x85: {  	_ =	shalt  }
0x86: {  	_ =	shalt  }
0x87: {  	_ =	shalt  }
.Lfunc_end0:
.L_simem_size_0:
called_computation_lowered:
.L_overlay_start_0:
0x88: {  	s2 =	sld [smem:$0x3FD9]  }
0x89: {  	s3 =	sld [smem:$0x3FFE];
	_ =	sdelay $0x1  }
0x8a: {  	s1 =	srdreg.scid  }
0x8b: {  	s0 =	sand.u32 $0x1, s1  }
0x8c: {  	s17 =	sshll.u32 s0, $0xA;
	s2 =	sadd.s32 s3, s2  }
0x8d: {  	s2 =	sadd.s32 s2, s17  }
0x8e: {  	[smem:$0x3FC2] =	sst s2  }
0x8f: {  	_ = 	snop  }
0x90: {  	s2 =	sld [smem:$0x3FD0];
	(tm) =	ssettm $0x1  }
0x91: {  	s18 =	sld [smem:$0x3FFB];
	_ =	sdelay $0x3  }
0x92: {  	_ =	strace s18  }
0x93: {  	s3 =	sld [smem:$0x3FFC];
	_ =	sdelay $0x3  }
0x94: {  	_ =	strace s3  }
0x95: {  	s3 =	sld [smem:$0x3FFD];
	_ =	sdelay $0x3  }
0x96: {  	_ =	strace s3  }
0x97: {  	_ =	strace $0x8FFFFFFF  }
0x98: {  	s19 =	sld [smem:$0x3FDB];
	_ =	sdelay $0x1  }
0x99: {  	s4 =	simm.s32 $_scs_section_size  }
0x9a: {  	s5 =	simm.s32 $_size__tile_overlayer_lowered;
	s6 =	simm.s32 $_tile_overlayer_lowered  }
0x9b: {  	s22 =	simm.s32 $0x1BFF;
	s21 =	sshll.u32 s6, $0x1;
	s3 =	sadd.s32 s4, s19  }
0x9c: {  	s7 =	simm.s32 $0x0;
	s20 =	sshll.u32 s5, $0x1;
	s5 =	sadd.s32 s21, s3  }
0x9d: {  	[timem:s7], [sflag:s22] =	dma.local [hbm:s5], s20  }
0x9e: {  	_ =	swait.ge [sflag:s22], s20  }
0x9f: {  	s4 =	ssub.s32 $0x0, s20;
	[sflag:s22] =	ssyncset.done $0x0  }
0xa0: {  	[sflag:s22] =	ssyncadd.s32 s4;
	_ =	sdelay $0x1  }
0xa1: {  	s23 =	simm.s32 $0x1B8B  }
0xa2: {  	_ =	swait.ge [sflag:s23], $0x1  }
0xa3: {  	[sflag:s23] =	ssyncset.done $0x0  }
0xa4: {  	s25 =	simm.s32 $0x1B8E;
	s24 =	sld [smem:$0x3FFE];
	[sflag:s23] =	ssyncadd.s32 $0xFFFFFFFF  }
0xa5: {  	s26 =	simm.s32 $execute0_lowered;
	[smem:$0x3FD2] =	sst s25  }
0xa6: {  	s5 =	sshll.u32 s26, $0x1;
	_ =	strace $0x80000046;
	[dreg:$0x1] =	wrdreg $0xFFFFFFFF  }
0xa7: {  	s28 =	simm.s32 $_size_execute0_lowered;
	s3 =	sadd.s32 s3, s5;
	[dreg:$0x0] =	wrdreg $0x0  }
0xa8: {  	s5 =	sshll.u32 s28, $0x1;
	[dreg:$0x2] =	wrdreg s3  }
0xa9: {  	[dreg:$0x3] =	wrdreg s5  }
0xaa: {  	[dreg:$0x4] =	wrdreg $0xC0  }
0xab: {  	_ =	task [dreg:s7], $0x5FFFF  }
0xac: {  	[dreg:$0x1] =	wrdreg $0xFFFFFFFF  }
0xad: {  	[dreg:$0x0] =	wrdreg $0x60  }
0xae: {  	[dreg:$0x2] =	wrdreg s24  }
0xaf: {  	[dreg:$0x3] =	wrdreg s2  }
0xb0: {  	[dreg:$0x4] =	wrdreg $0x2000  }
0xb1: {  	[dreg:$0x5] =	wrdreg $0x9  }
0xb2: {  	_ =	task.clear_ibuf [dreg:s7], $0x6FFFF;
	_ =	strace $0x90000046  }
0xb3: {  	s29 =	simm.s32 $0x9;
	_ =	strace $0x80000048  }
0xb4: {  	_ =	swait.ge [sflag:s29], $0x1  }
0xb5: {  	[sflag:s29] =	ssyncadd.s32 $0xFFFFFFFF  }
0xb6: {  	_ =	strace $0x90000048  }
0xb7: {  	_ =	sfence  }
0xb8: {  	s30 =	sld [smem:$0x0];
	_ =	sdelay $0x2  }
0xb9: {  	s31 =	sshll.u32 s1, $0xD;
	s1 =	sshrl.u32 s1, $0x2  }
0xba: {  	s3 =	sand.u32 $0x4000, s31;
	s1 =	sadd.s32 s1, s30  }
0xbb: {  	s0 =	sor.u32 s3, s0;
	s1 =	sshll.u32 s1, $0x11  }
0xbc: {  	s0 =	sor.u32 s1, s0  }
0xbd: {  	s0 =	sadd.s32 $0x8F2B, s0  }
0xbe: {  	[sflag:s0] =	ssyncadd.remote.s32 $0x1  }
0xbf: {  	_ =	sfence.sel $0xFFFF  }
0xc0: {  	[dreg:$0x0] =	wrdreg $0xFFFFFFFF;
	(pc) =	sbr.abs _section_cstart, $3  }
0xc1: {  	[dreg:$0x1] =	wrdreg $0xFFFFFFFF  }
0xc2: {  	_ =	task.clear_ibuf [dreg:s7], $0x2FFFF;
	_ =	strace $0x9FFFFFFF  }
0xc3: {  	(tm) =	ssettm $0x7FFFFFFF  }
tec
execute0_lowered:
.L_overlay_start_1:
0x0: {  	(tag) =	ssettag $0x1  }
0x1: {  	s0 =	rddreg [dreg:$0x0]  }
0x2: {  	s2 =	rddreg [dreg:$0x1];
	s1 =	srdreg.scid  }
0x3: {  	s9 =	stileid.u32;
	s3 =	rddreg [dreg:$0x2]  }
0x4: {  	s4 =	simm.s32 $0x0;
	s28 =	simm.s32 $0x14200;
	s29 =	simm.s32 $0x5  }
0x5: {  	s30 =	simm.s32 $0x2;
	s31 =	simm.s32 $0x3;
	s5 =	smul.u32 $0x280, s9  }
0x6: {  	s1 =	sand.u32 $0x1, s1;
	[smem:$0x7FF] =	sst s4;
	s8 =	smul.u32 $0x50000, s9  }
0x7: {  	s7 =	sadd.s32 $0x9200, s0;
	s18 =	sshll.u32 s9, $0x6;
	s9 =	smul.u32 $0x1400, s9  }
0x8: {  	s6 =	smul.u32 $0x2800, s1;
	_ =	strace $0x80000047;
	[dreg:$0x4] =	wrdreg s7  }
0x9: {  	s15 =	ssub.s32 $0x2, s1;
	p0 =	seq.s32 s1, $0x0;
	s1 =	simm.s32 $0x4  }
0xa: {  	s16 =	sshrl.u32 s15, $0x1;
	s17 =	sshrl.u32 s8, $0x2;
	s8 =	sor.u32 $0x1C01, s18  }
0xb: {  	s13 =	sadd.s32 $0x14000, s9;
	s5 =	sadd.s32 s5, s6;
	s6 =	sadd.s32 $0x8A00, s0  }
0xc: {  	s7 =	sadd.s32 s17, s3;
	s13 =	smov.u32 @p0 s9;
	s9 =	simm.s32 $0x18200  }
0xd: {  	s5 =	sshll.u32 s5, $0x4;
	s10 =	sadd.s32 $0x4000, s7;
	s14 =	sadd.s32 $0x8000, s7  }
0xe: {  	s11 =	sadd.s32 $0xC000, s7;
	s26 =	sshrl.u32 s7, $0x3;
	s0 =	sadd.s32 s5, s0  }
0xf: {  	s12 =	sadd.s32 $0x10000, s7;
	[dreg:$0xb] =	wrdreg s26;
	s21 =	sadd.s32 $0x9A00, s0  }
0x10: {  	s5 =	ssub.s32 s15, s16;
	s22 =	sadd.s32 $0xA200, s0;
	[dreg:$0x5] =	wrdreg s21  }
0x11: {  	s19 =	smov.u32 s10;
	s23 =	sadd.s32 $0xAA00, s0;
	[dreg:$0x6] =	wrdreg s22  }
0x12: {  	s20 =	smov.u32 s14;
	s24 =	sadd.s32 $0xB200, s0;
	[dreg:$0x7] =	wrdreg s23  }
0x13: {  	s26 =	simm.s32 $0x1;
	s0 =	sadd.s32 $0xBA00, s0;
	[dreg:$0x8] =	wrdreg s24  }
0x14: {  	s15 =	simm.s32 $0x0;
	s25 =	smax.u32 s5, $0x1;
	[dreg:$0x9] =	wrdreg s0  }
0x15: {  	s5 =	simm.s32 $0x100;
	[dreg:$0xa] =	wrdreg s25;
	s21 =	sor.u32 $0x1C02, s18  }
0x16: {  	s22 =	sshrl.u32 s10, $0x3;
	s23 =	sor.u32 $0x1C03, s18;
	s24 =	sshrl.u32 s14, $0x3  }
0x17: {  	s25 =	sor.u32 $0x1C04, s18;
	s0 =	simm.s32 $0x80;
	s14 =	simm.s32 $0x180  }
.LBB2_1:
0x18: {  	s10 =	rddreg [dreg:$0xb];
	s17 =	sshrl.u32 s11, $0x3  }
0x19: {  	[spmem:s10], [sflag:s8] =	dma.local [hbm:s6], $0x800  }
0x1a: {  	[spmem:s22], [sflag:s21] =	dma.local [hbm:s6], $0x800  }
0x1b: {  	[spmem:s24], [sflag:s23] =	dma.local [hbm:s6], $0x800  }
0x1c: {  	[spmem:s17], [sflag:s25] =	dma.local [hbm:s6], $0x800  }
0x1d: {  	_ =	swait.ge [sflag:s26], $0x800  }
0x1e: {  	[sflag:s26] =	ssyncset.done $0x0  }
0x1f: {  	s18 =	sshrl.u32 s12, $0x3;
	[sflag:s26] =	ssyncadd.s32 $0xFFFFF800  }
0x20: {  	[spmem:s18], [sflag:s8] =	dma.local [hbm:s6], $0x800  }
0x21: {  	s10 =	rddreg [dreg:$0x4]  }
0x22: {  	[tilespmem:s28], [sflag:$0x5] =	stream.linear.gather [hbm4b:s10+s4], $0x4000, $0x38;
	[tilespmem:$0x1C200] =	vst v63  }
0x23: {  	_ =	swait.ge [sflag:s29], $0x4000  }
0x24: {  	[sflag:s29] =	ssyncset.done $0x0  }
0x25: {  	[sflag:s29] =	ssyncadd.s32 $0xFFFFC000  }
0x26: {  	_ =	swait.ge [sflag:s30], $0x800  }
0x27: {  	[sflag:s30] =	ssyncset.done $0x0  }
0x28: {  	[sflag:s30] =	ssyncadd.s32 $0xFFFFF800  }
0x29: {  	_ =	swait.ge [sflag:s31], $0x800  }
0x2a: {  	[sflag:s31] =	ssyncset.done $0x0  }
0x2b: {  	[sflag:s31] =	ssyncadd.s32 $0xFFFFF800  }
0x2c: {  	_ =	swait.ge [sflag:s1], $0x800  }
0x2d: {  	[sflag:s1] =	ssyncset.done $0x0  }
0x2e: {  	s16 =	sadd.s32 $0x0, s13;
	[sflag:s1] =	ssyncadd.s32 $0xFFFFF800  }
0x2f: {  	s10 =	sand.u32 $0x7FC00, s16;
	s16 =	sand.u32 $0x200, s4;
	_ =	swait.ge [sflag:s26], $0x800  }
0x30: {  	s10 =	sor.u32 s16, s10;
	[sflag:s26] =	ssyncset.done $0x0  }
0x31: {  	s10 =	sshrl.u32 s10, $0x3;
	[sflag:s26] =	ssyncadd.s32 $0xFFFFF800  }
0x32: {  	s10 =	sadd.s32 s2, s10;
	[bflag:$0x0] =	sbarrier.arrive $0xFFFF  }
0x33: {  	[tilespmem:s4], [sflag:$0x5] =	stream.linear.gather [hbm4b:s10+s4], $0x200, $0x38;
	[tilespmem:$0x1C200] =	vst v63  }
0x34: {  	_ =	swait.ge [sflag:s29], $0x200  }
0x35: {  	[sflag:s29] =	ssyncset.done $0x0  }
0x36: {  	[sflag:s29] =	ssyncadd.s32 $0xFFFFFE00  }
0x37: {  	[spmem:s3] =	stream.indirect.scatter.add.f32 [tilespmem:s28], [sflag:$0x3], $0x80, s4, s0, $0xb8;
	[tilespmem:$0x1C200] =	vst v63  }
0x38: {  	_ = 	snop  }
0x39: {  	[spmem:s3] =	stream.indirect.scatter.add.f32 [tilespmem:s28], [sflag:$0x4], $0x80, s0, s0, $0xb8;
	[tilespmem:$0x1C200] =	vst v63  }
0x3a: {  	_ =	swait.ge [sflag:s31], $0x4000  }
0x3b: {  	[sflag:s31] =	ssyncset.done $0x0  }
0x3c: {  	[sflag:s31] =	ssyncadd.s32 $0xFFFFC000  }
0x3d: {  	_ =	swait.ge [sflag:s1], $0x4000  }
0x3e: {  	[sflag:s1] =	ssyncset.done $0x0  }
0x3f: {  	[sflag:s1] =	ssyncadd.s32 $0xFFFFC000  }
0x40: {  	[spmem:s3] =	stream.indirect.scatter.add.f32 [tilespmem:s28], [sflag:$0x3], $0x80, s5, s0, $0xb8;
	[tilespmem:$0x1C200] =	vst v63  }
0x41: {  	_ = 	snop  }
0x42: {  	[spmem:s3] =	stream.indirect.scatter.add.f32 [tilespmem:s28], [sflag:$0x4], $0x80, s14, s0, $0xb8;
	[tilespmem:$0x1C200] =	vst v63  }
0x43: {  	_ =	swait.ge [sflag:s31], $0x4000  }
0x44: {  	s17 =	simm.s32 $0x200;
	s18 =	sadd.s32 $0x200, s13;
	[sflag:s31] =	ssyncset.done $0x0  }
0x45: {  	s16 =	sand.u32 $0x7FC00, s18;
	s10 =	sand.u32 $0x200, s17;
	[sflag:s31] =	ssyncadd.s32 $0xFFFFC000  }
0x46: {  	s16 =	sor.u32 s10, s16;
	_ =	swait.ge [sflag:s1], $0x4000  }
0x47: {  	s10 =	simm.s32 $0x400;
	s16 =	sshrl.u32 s16, $0x3;
	[sflag:s1] =	ssyncset.done $0x0  }
.LBB2_2:
0x48: {  	s16 =	sadd.s32 s2, s16  }
0x49: {  	[sflag:s1] =	ssyncadd.s32 $0xFFFFC000;
	s17 =	smov.u32 s10;
	s18 =	sadd.s32 $0x200, s10  }
0x4a: {  	[tilespmem:s4], [sflag:$0x5] =	stream.linear.gather [hbm4b:s16+s4], $0x200, $0x38;
	[tilespmem:$0x1C200] =	vst v63  }
0x4b: {  	p0 =	sne.s32 s10, $0x1200;
	_ =	swait.ge [sflag:s29], $0x200  }
0x4c: {  	[sflag:s29] =	ssyncset.done $0x0  }
0x4d: {  	[sflag:s29] =	ssyncadd.s32 $0xFFFFFE00  }
0x4e: {  	[spmem:s3] =	stream.indirect.scatter.add.f32 [tilespmem:s28], [sflag:$0x3], $0x80, s4, s0, $0xb8;
	[tilespmem:$0x1C200] =	vst v63  }
0x4f: {  	_ = 	snop  }
0x50: {  	[spmem:s3] =	stream.indirect.scatter.add.f32 [tilespmem:s28], [sflag:$0x4], $0x80, s0, s0, $0xb8;
	[tilespmem:$0x1C200] =	vst v63  }
0x51: {  	_ =	swait.ge [sflag:s31], $0x4000  }
0x52: {  	[sflag:s31] =	ssyncset.done $0x0  }
0x53: {  	[sflag:s31] =	ssyncadd.s32 $0xFFFFC000  }
0x54: {  	_ =	swait.ge [sflag:s1], $0x4000  }
0x55: {  	[sflag:s1] =	ssyncset.done $0x0  }
0x56: {  	[sflag:s1] =	ssyncadd.s32 $0xFFFFC000  }
0x57: {  	[spmem:s3] =	stream.indirect.scatter.add.f32 [tilespmem:s28], [sflag:$0x3], $0x80, s5, s0, $0xb8;
	[tilespmem:$0x1C200] =	vst v63  }
0x58: {  	_ = 	snop  }
0x59: {  	[spmem:s3] =	stream.indirect.scatter.add.f32 [tilespmem:s28], [sflag:$0x4], $0x80, s14, s0, $0xb8;
	[tilespmem:$0x1C200] =	vst v63  }
.Ltmp0:
0x5a: {  	_ =	swait.ge [sflag:s31], $0x4000;
	(pc) =	sbr.rel @p0 .LBB2_2-.Ltmp0, $4  }
0x5b: {  	s10 =	sadd.s32 s17, s13;
	[sflag:s31] =	ssyncset.done $0x0  }
0x5c: {  	s16 =	sand.u32 $0x200, s17;
	s10 =	sand.u32 $0x7FC00, s10;
	[sflag:s31] =	ssyncadd.s32 $0xFFFFC000  }
0x5d: {  	s10 =	sor.u32 s16, s10;
	_ =	swait.ge [sflag:s1], $0x4000  }
0x5e: {  	s16 =	sshrl.u32 s10, $0x3;
	s10 =	smov.u32 s18;
	[sflag:s1] =	ssyncset.done $0x0  }
0x5f: {  	s10 =	sadd.s32 s2, s16;
	[sflag:s1] =	ssyncadd.s32 $0xFFFFC000  }
0x60: {  	[tilespmem:s4], [sflag:$0x5] =	stream.linear.gather [hbm4b:s10+s4], $0x200, $0x38;
	[tilespmem:$0x1C200] =	vst v63  }
0x61: {  	_ =	swait.ge [sflag:s29], $0x200  }
0x62: {  	[sflag:s29] =	ssyncset.done $0x0  }
0x63: {  	[sflag:s29] =	ssyncadd.s32 $0xFFFFFE00  }
0x64: {  	[spmem:s3] =	stream.indirect.scatter.add.f32 [tilespmem:s28], [sflag:$0x3], $0x80, s4, s0, $0xb8;
	[tilespmem:$0x1C200] =	vst v63  }
0x65: {  	_ = 	snop  }
0x66: {  	[spmem:s3] =	stream.indirect.scatter.add.f32 [tilespmem:s28], [sflag:$0x4], $0x80, s0, s0, $0xb8;
	[tilespmem:$0x1C200] =	vst v63  }
0x67: {  	_ =	swait.ge [sflag:s31], $0x4000  }
0x68: {  	[sflag:s31] =	ssyncset.done $0x0  }
0x69: {  	[sflag:s31] =	ssyncadd.s32 $0xFFFFC000  }
0x6a: {  	_ =	swait.ge [sflag:s1], $0x4000  }
0x6b: {  	[sflag:s1] =	ssyncset.done $0x0  }
0x6c: {  	[sflag:s1] =	ssyncadd.s32 $0xFFFFC000  }
0x6d: {  	[spmem:s3] =	stream.indirect.scatter.add.f32 [tilespmem:s28], [sflag:$0x3], $0x80, s5, s0, $0xb8;
	[tilespmem:$0x1C200] =	vst v63  }
0x6e: {  	_ = 	snop  }
0x6f: {  	[spmem:s3] =	stream.indirect.scatter.add.f32 [tilespmem:s28], [sflag:$0x4], $0x80, s14, s0, $0xb8;
	[tilespmem:$0x1C200] =	vst v63  }
0x70: {  	_ =	swait.ge [sflag:s31], $0x4000  }
0x71: {  	[sflag:s31] =	ssyncset.done $0x0  }
0x72: {  	[sflag:s31] =	ssyncadd.s32 $0xFFFFC000  }
0x73: {  	_ =	swait.ge [sflag:s1], $0x4000  }
0x74: {  	[sflag:s1] =	ssyncset.done $0x0  }
0x75: {  	[sflag:s1] =	ssyncadd.s32 $0xFFFFC000  }
0x76: {  	[bflag:$0x0] =	sbarrier.arrive $0xFFFF  }
0x77: {  	[tilespmem:s28], [sflag:$0x1] =	stream.linear.gather [spmem:s7], $0x4000, $0x38;
	[tilespmem:$0x1C200] =	vst v63  }
0x78: {  	_ = 	snop  }
0x79: {  	[tilespmem:s9], [sflag:$0x2] =	stream.linear.gather [spmem:s19], $0x4000, $0x38;
	[tilespmem:$0x1C200] =	vst v63  }
0x7a: {  	_ =	swait.ge [sflag:s26], $0x4000  }
0x7b: {  	[sflag:s26] =	ssyncset.done $0x0  }
0x7c: {  	s16 =	rddreg [dreg:$0x5];
	[sflag:s26] =	ssyncadd.s32 $0xFFFFC000  }
0x7d: {  	[hbm4b:s16+s4] =	stream.linear.scatter [tilespmem:s28], [sflag:$0x3], $0x4000, $0x38;
	[tilespmem:$0x1C200] =	vst v63  }
0x7e: {  	_ =	swait.ge [sflag:s30], $0x4000  }
0x7f: {  	[sflag:s30] =	ssyncset.done $0x0  }
0x80: {  	s17 =	rddreg [dreg:$0x6];
	[sflag:s30] =	ssyncadd.s32 $0xFFFFC000  }
0x81: {  	[hbm4b:s17+s4] =	stream.linear.scatter [tilespmem:s9], [sflag:$0x4], $0x4000, $0x38;
	[tilespmem:$0x1C200] =	vst v63  }
0x82: {  	_ =	swait.ge [sflag:s31], $0x4000  }
0x83: {  	[sflag:s31] =	ssyncset.done $0x0  }
0x84: {  	[sflag:s31] =	ssyncadd.s32 $0xFFFFC000  }
0x85: {  	[tilespmem:s28], [sflag:$0x1] =	stream.linear.gather [spmem:s20], $0x4000, $0x38;
	[tilespmem:$0x1C200] =	vst v63  }
0x86: {  	_ =	swait.ge [sflag:s26], $0x4000  }
0x87: {  	[sflag:s26] =	ssyncset.done $0x0  }
0x88: {  	s18 =	rddreg [dreg:$0x7];
	[sflag:s26] =	ssyncadd.s32 $0xFFFFC000  }
0x89: {  	[hbm4b:s18+s4] =	stream.linear.scatter [tilespmem:s28], [sflag:$0x3], $0x4000, $0x38;
	[tilespmem:$0x1C200] =	vst v63  }
0x8a: {  	_ =	swait.ge [sflag:s1], $0x4000  }
0x8b: {  	[sflag:s1] =	ssyncset.done $0x0  }
0x8c: {  	[sflag:s1] =	ssyncadd.s32 $0xFFFFC000  }
0x8d: {  	[tilespmem:s9], [sflag:$0x2] =	stream.linear.gather [spmem:s11], $0x4000, $0x38;
	[tilespmem:$0x1C200] =	vst v63  }
0x8e: {  	_ =	swait.ge [sflag:s30], $0x4000  }
0x8f: {  	[sflag:s30] =	ssyncset.done $0x0  }
0x90: {  	s16 =	rddreg [dreg:$0x8];
	[sflag:s30] =	ssyncadd.s32 $0xFFFFC000  }
0x91: {  	[hbm4b:s16+s4] =	stream.linear.scatter [tilespmem:s9], [sflag:$0x4], $0x4000, $0x38;
	[tilespmem:$0x1C200] =	vst v63  }
0x92: {  	_ =	swait.ge [sflag:s31], $0x4000  }
0x93: {  	[sflag:s31] =	ssyncset.done $0x0  }
0x94: {  	[sflag:s31] =	ssyncadd.s32 $0xFFFFC000  }
0x95: {  	[tilespmem:s28], [sflag:$0x1] =	stream.linear.gather [spmem:s12], $0x4000, $0x38;
	[tilespmem:$0x1C200] =	vst v63  }
0x96: {  	_ =	swait.ge [sflag:s26], $0x4000  }
0x97: {  	[sflag:s26] =	ssyncset.done $0x0  }
0x98: {  	s17 =	rddreg [dreg:$0x9];
	[sflag:s26] =	ssyncadd.s32 $0xFFFFC000  }
0x99: {  	[hbm4b:s17+s4] =	stream.linear.scatter [tilespmem:s28], [sflag:$0x3], $0x4000, $0x38;
	[tilespmem:$0x1C200] =	vst v63  }
0x9a: {  	_ =	swait.ge [sflag:s1], $0x4000  }
0x9b: {  	[sflag:s1] =	ssyncset.done $0x0  }
0x9c: {  	[sflag:s1] =	ssyncadd.s32 $0xFFFFC000  }
0x9d: {  	_ =	swait.ge [sflag:s31], $0x4000  }
0x9e: {  	s15 =	sadd.s32 $0x1, s15;
	s18 =	rddreg [dreg:$0xa]  }
0x9f: {  	p0 =	sne.s32 s15, s18  }
.Ltmp1:
0xa0: {  	_ = 	snop;
	(pc) =	sbr.rel @p0 .LBB2_1-.Ltmp1, $3  }
0xa1: {  	_ =	sdelay $0x1  }
0xa2: {  	[sflag:s31] =	ssyncset.done $0x0  }
0xa3: {  	[sflag:s31] =	ssyncadd.s32 $0xFFFFC000  }
0xa4: {  	_ =	sfence.sel $0x180000  }
0xa5: {  	[bflag:$0x0] =	sbarrier.arrive $0xFFFF  }
0xa6: {  	_ =	strace $0x90000047  }
0xa7: {  	s0 =	stileid.u32;
	[bflag:$0x2] =	sbarrier.arrive $0xFFFF  }
0xa8: {  	p0 =	sne.s32 s0, $0x0;
	s0 =	rddreg [dreg:$0x3]  }
0xa9: {  	s0 =	sadd.s32 @!p0 $0x100000, s0  }
0xaa: {  	[sflag:s0] =	ssyncadd.tile.s32 @!p0 $0x1;
	_ =	shalt  }
.Lfunc_end2:
_tile_overlayer_lowered:
.L_overlay_start_2:
0xab: {  	(tag) =	ssettag $0x2  }
0xac: {  	s0 =	rddreg [dreg:$0x0];
	s2 =	stileid.u32  }
0xad: {  	s1 =	rddreg [dreg:$0x1];
	p0 =	sne.s32 s2, $0x0  }
0xae: {  	s3 =	rddreg [dreg:$0x2];
	[bflag:$0x3] =	sbarrier.arrive $0xFFFF;
	s2 =	simm.s32 @!p0 $0x1C05  }
0xaf: {  	[timem:s3], [sflag:s2] =	dma.local @!p0 [hbm:s0], s1  }
0xb0: {  	s0 =	simm.s32 @!p0 $0x5  }
0xb1: {  	_ =	swait.ge @!p0 [sflag:s0], s1  }
0xb2: {  	s1 =	ssub.s32 @!p0 $0x0, s1;
	[sflag:s0] =	ssyncset.done @!p0 $0x0  }
0xb3: {  	[sflag:s0] =	ssyncadd.s32 @!p0 s1  }
0xb4: {  	[bflag:$0x3] =	sbarrier.arrive $0xFFFF  }
0xb5: {  	_ =	shalt  }

</sc_bundles>
